<compile_context>
chip_gen: v7x
topology: tpu7x:2x2x1
jax: 0.10.2.dev20260603
libtpu: 0.0.44.dev20260713+nightly
codegen_flags: <defaults>
</compile_context>

<pallas_src>
import functools

import jax
import jax.numpy as jnp
from jax import lax
from jax.experimental import pallas as pl
from jax.experimental.pallas import tpu as pltpu
from jax.experimental.pallas import tpu_sc as plsc

ROW = 256
CHUNK = 2048


@functools.lru_cache(maxsize=None)
def _make_sc_gather(n: int, vocab: int, emb: int):
    info = plsc.get_sparse_core_info()
    nc, ns = info.num_cores, info.num_subcores
    nw = nc * ns
    per_w = n // nw
    n_chunks = per_w // CHUNK
    assert per_w * nw == n and n_chunks * CHUNK == per_w and emb == 3
    assert n_chunks % 2 == 0

    mesh = plsc.VectorSubcoreMesh(core_axis_name="c", subcore_axis_name="s")

    @functools.partial(
        pl.kernel,
        mesh=mesh,
        compiler_params=pltpu.CompilerParams(
            use_tc_tiling_on_sc=False, needs_layout_passes=False
        ),
        out_type=jax.ShapeDtypeStruct((emb * n,), jnp.float32),
        scratch_types=[
            pltpu.VMEM((2, CHUNK), jnp.int32),
            pltpu.VMEM((2, emb * CHUNK), jnp.float32),
            pltpu.SemaphoreType.DMA,
            pltpu.SemaphoreType.DMA,
            pltpu.SemaphoreType.DMA,
            pltpu.SemaphoreType.DMA,
            pltpu.SemaphoreType.DMA,
            pltpu.SemaphoreType.DMA,
        ],
    )
    def k(idx_hbm, table_hbm, out_hbm, idx_v, outb_v, si0, si1, sg0, sg1,
          so0, so1):
        wid = lax.axis_index("s") * nc + lax.axis_index("c")
        base = wid * per_w
        sis = (si0, si1)
        sgs = (sg0, sg1)
        sos = (so0, so1)
        last = n_chunks - 1

        def idx_start(c, b):
            pltpu.async_copy(
                idx_hbm.at[pl.ds(base + c * CHUNK, CHUNK)],
                idx_v.at[b], sis[b],
            )

        def idx_wait(b):
            pltpu.make_async_copy(
                idx_hbm.at[pl.ds(base, CHUNK)], idx_v.at[b], sis[b]
            ).wait()

        def gathers(b):
            return [
                pltpu.async_copy(
                    table_hbm.at[pl.ds(kk * vocab, vocab)].at[
                        idx_v.at[b].at[pl.ds(g * ROW, ROW)]
                    ],
                    outb_v.at[b].at[pl.ds(kk * CHUNK + g * ROW, ROW)],
                    sgs[b],
                )
                for kk in range(emb)
                for g in range(CHUNK // ROW)
            ]

        def out_start(c, b):
            i0 = base + c * CHUNK
            for kk in range(emb):
                pltpu.async_copy(
                    outb_v.at[b].at[pl.ds(kk * CHUNK, CHUNK)],
                    out_hbm.at[pl.ds(kk * n + i0, CHUNK)],
                    sos[b],
                )

        def out_wait(b):
            pltpu.make_async_copy(
                outb_v.at[b],
                out_hbm.at[pl.ds(base * emb, emb * CHUNK)],
                sos[b],
            ).wait()

        def gather_wait(b):
            pltpu.make_async_copy(
                table_hbm.at[pl.ds(0, emb * CHUNK)], outb_v.at[b], sgs[b]
            ).wait()

        idx_start(jnp.int32(0), 0)
        idx_start(jnp.int32(1), 1)
        idx_wait(0)
        gathers(0)

        def body(c2, carry):
            for b in range(2):
                c = c2 * 2 + b
                bn = 1 - b

                @pl.when(c < last)
                def _():
                    idx_wait(bn)

                @pl.when(c >= 1)
                def _():
                    out_wait(bn)

                @pl.when(c < last)
                def _():
                    gathers(bn)
                gather_wait(b)

                @pl.when(c + 2 <= last)
                def _():
                    idx_start(c + 2, b)
                out_start(c, b)
            return carry

        lax.fori_loop(0, n_chunks // 2, body, 0)

        out_wait(1)

    return k


def kernel(x, table):
    b, s = x.shape
    vocab, emb = table.shape
    n = b * s
    table_pl = table.T.reshape(emb * vocab)
    out = _make_sc_gather(n, vocab, emb)(x.reshape(n), table_pl)
    return out.reshape(emb, b, s).transpose(1, 2, 0)

# --- scband reference (transcript-rebuilt; emitter-appended) ---
"""Pipeline reference for scband-arithmetic-embedding-layer-39711267619091 (READ-ONLY COPY).

The authoritative reference and input builder live on the scoring server;
editing this copy changes nothing except your own understanding.
"""

import jax, jax.numpy as jnp
import numpy as np

VOCAB = 1000000
EMB = 3

def setup_inputs(seed: int = 0) -> dict:
    key = jax.random.key(seed)
    k1, k2 = jax.random.split(key)
    x = jax.random.randint(k1, (16384, 200), 0, VOCAB, dtype=jnp.int64 if jax.config.jax_enable_x64 else jnp.int32)
    table = jax.random.normal(k2, (VOCAB, EMB), dtype=jnp.float32)
    # match torch module's hardcoded row initialization
    table = table.at[0].set(jnp.array([1.0, 0.5, 0.1], dtype=jnp.float32))
    table = table.at[1].set(jnp.array([1.1, 0.6, 0.1], dtype=jnp.float32))
    return {"x": x, "table": table}

def reference(x, table):
    # nn.Embedding lookup: gather rows of the table
    return jnp.take(table, x, axis=0)

if __name__ == "__main__":
    import jax
    _d = setup_inputs()
    print(jax.jit(kernel)(*tuple(_d.values())))

</pallas_src>

<mosaic_0001>
#map = affine_map<(d0, d1) -> (0)>
module attributes {stable_mosaic.version = 14 : i64} {
  func.func @k(%arg0: i32, %arg1: i32, %arg2: memref<3276800xi32, #tpu.memory_space<hbm>>, %arg3: memref<3000000xf32, #tpu.memory_space<hbm>>, %arg4: memref<9830400xf32, #tpu.memory_space<hbm>>, %arg5: memref<2x2048xi32, #tpu.memory_space<vmem>>, %arg6: memref<2x6144xf32, #tpu.memory_space<vmem>>, %arg7: memref<!tpu.dma_semaphore, #tpu.memory_space<semaphore_mem>>, %arg8: memref<!tpu.dma_semaphore, #tpu.memory_space<semaphore_mem>>, %arg9: memref<!tpu.dma_semaphore, #tpu.memory_space<semaphore_mem>>, %arg10: memref<!tpu.dma_semaphore, #tpu.memory_space<semaphore_mem>>, %arg11: memref<!tpu.dma_semaphore, #tpu.memory_space<semaphore_mem>>, %arg12: memref<!tpu.dma_semaphore, #tpu.memory_space<semaphore_mem>>) attributes {dimension_semantics = [#tpu.dimension_semantics<core_parallel>, #tpu.dimension_semantics<subcore_parallel>], iteration_bounds = array<i64: 2, 16>, scalar_prefetch = 0 : i64, scratch_operands = 8 : i64, tpu.core_type = #tpu.core_type<sc_vector_subcore>, window_params = [{transform_indices = #map}, {transform_indices = #map}, {transform_indices = #map}]} {
    %mul3A = arith.constant 2 : i32
    %mul3A_0 = arith.muli %arg1, %mul3A : i32
    %add3A = arith.addi %mul3A_0, %arg0 : i32
    %mul3A_1 = arith.constant 102400 : i32
    %mul3A_2 = arith.muli %add3A, %mul3A_1 : i32
    %mul3A_3 = arith.constant 0 : i32
    %mul3A_4 = arith.constant 2048 : i32
    %mul3A_5 = arith.muli %mul3A_3, %mul3A_4 : i32
    %add3A_6 = arith.addi %mul3A_2, %mul3A_5 : i32
    %dma_start3A = arith.constant 0 : i32
    %dma_start3A_7 = arith.constant 0 : i32
    %dma_start3A_8 = tpu.memref_slice %arg5[%dma_start3A, %dma_start3A_7] : memref<2x2048xi32, #tpu.memory_space<vmem>> -> memref<1x2048xi32, #tpu.memory_space<vmem>>
    %dma_start3A_9 = tpu.memref_squeeze %dma_start3A_8 : memref<1x2048xi32, #tpu.memory_space<vmem>> -> memref<2048xi32, #tpu.memory_space<vmem>>
    %dma_start3A_10 = tpu.memref_slice %arg2[%add3A_6] : memref<3276800xi32, #tpu.memory_space<hbm>> -> memref<2048xi32, #tpu.memory_space<hbm>>
    %dma_start3A_11 = arith.constant 0 : i32
    %dma_start3A_12 = tpu.memref_slice %arg5[%dma_start3A, %dma_start3A_11] : memref<2x2048xi32, #tpu.memory_space<vmem>> -> memref<1x2048xi32, #tpu.memory_space<vmem>>
    %dma_start3A_13 = tpu.memref_squeeze %dma_start3A_12 : memref<1x2048xi32, #tpu.memory_space<vmem>> -> memref<2048xi32, #tpu.memory_space<vmem>>
    %dma_start3A_14 = tpu.memref_slice %arg2[%add3A_6] : memref<3276800xi32, #tpu.memory_space<hbm>> -> memref<2048xi32, #tpu.memory_space<hbm>>
    tpu.enqueue_dma source(%dma_start3A_14 : memref<2048xi32, #tpu.memory_space<hbm>>) target(%dma_start3A_13 : memref<2048xi32, #tpu.memory_space<vmem>>) target_semaphore(%arg7 : memref<!tpu.dma_semaphore, #tpu.memory_space<semaphore_mem>>)
    %mul3A_15 = arith.constant 1 : i32
    %mul3A_16 = arith.constant 2048 : i32
    %mul3A_17 = arith.muli %mul3A_15, %mul3A_16 : i32
    %add3A_18 = arith.addi %mul3A_2, %mul3A_17 : i32
    %dma_start3A_19 = arith.constant 1 : i32
    %dma_start3A_20 = arith.constant 0 : i32
    %dma_start3A_21 = tpu.memref_slice %arg5[%dma_start3A_19, %dma_start3A_20] : memref<2x2048xi32, #tpu.memory_space<vmem>> -> memref<1x2048xi32, #tpu.memory_space<vmem>>
    %dma_start3A_22 = tpu.memref_squeeze %dma_start3A_21 : memref<1x2048xi32, #tpu.memory_space<vmem>> -> memref<2048xi32, #tpu.memory_space<vmem>>
    %dma_start3A_23 = tpu.memref_slice %arg2[%add3A_18] : memref<3276800xi32, #tpu.memory_space<hbm>> -> memref<2048xi32, #tpu.memory_space<hbm>>
    %dma_start3A_24 = arith.constant 0 : i32
    %dma_start3A_25 = tpu.memref_slice %arg5[%dma_start3A_19, %dma_start3A_24] : memref<2x2048xi32, #tpu.memory_space<vmem>> -> memref<1x2048xi32, #tpu.memory_space<vmem>>
    %dma_start3A_26 = tpu.memref_squeeze %dma_start3A_25 : memref<1x2048xi32, #tpu.memory_space<vmem>> -> memref<2048xi32, #tpu.memory_space<vmem>>
    %dma_start3A_27 = tpu.memref_slice %arg2[%add3A_18] : memref<3276800xi32, #tpu.memory_space<hbm>> -> memref<2048xi32, #tpu.memory_space<hbm>>
    tpu.enqueue_dma source(%dma_start3A_27 : memref<2048xi32, #tpu.memory_space<hbm>>) target(%dma_start3A_26 : memref<2048xi32, #tpu.memory_space<vmem>>) target_semaphore(%arg8 : memref<!tpu.dma_semaphore, #tpu.memory_space<semaphore_mem>>)
    %dma_wait3A = arith.constant 0 : i32
    %dma_wait3A_28 = arith.constant 0 : i32
    %dma_wait3A_29 = tpu.memref_slice %arg5[%dma_wait3A, %dma_wait3A_28] : memref<2x2048xi32, #tpu.memory_space<vmem>> -> memref<1x2048xi32, #tpu.memory_space<vmem>>
    %dma_wait3A_30 = tpu.memref_squeeze %dma_wait3A_29 : memref<1x2048xi32, #tpu.memory_space<vmem>> -> memref<2048xi32, #tpu.memory_space<vmem>>
    %dma_wait3A_31 = tpu.memref_slice %arg2[%mul3A_2] : memref<3276800xi32, #tpu.memory_space<hbm>> -> memref<2048xi32, #tpu.memory_space<hbm>>
    %dma_wait3A_32 = arith.constant 0 : i32
    %dma_wait3A_33 = tpu.memref_slice %arg5[%dma_wait3A, %dma_wait3A_32] : memref<2x2048xi32, #tpu.memory_space<vmem>> -> memref<1x2048xi32, #tpu.memory_space<vmem>>
    %dma_wait3A_34 = tpu.memref_squeeze %dma_wait3A_33 : memref<1x2048xi32, #tpu.memory_space<vmem>> -> memref<2048xi32, #tpu.memory_space<vmem>>
    %dma_wait3A_35 = tpu.memref_slice %arg2[%mul3A_2] : memref<3276800xi32, #tpu.memory_space<hbm>> -> memref<2048xi32, #tpu.memory_space<hbm>>
    tpu.wait_dma2 semaphore(%arg7 : memref<!tpu.dma_semaphore, #tpu.memory_space<semaphore_mem>>) src(%dma_wait3A_35 : memref<2048xi32, #tpu.memory_space<hbm>>) dst(%dma_wait3A_34 : memref<2048xi32, #tpu.memory_space<vmem>>)
    %dma_start3A_36 = arith.constant 0 : i32
    %dma_start3A_37 = arith.constant 0 : i32
    %dma_start3A_38 = arith.constant 0 : i32
    %dma_start3A_39 = tpu.memref_slice %arg6[%dma_start3A_37, %dma_start3A_38] : memref<2x6144xf32, #tpu.memory_space<vmem>> -> memref<1x6144xf32, #tpu.memory_space<vmem>>
    %dma_start3A_40 = tpu.memref_squeeze %dma_start3A_39 : memref<1x6144xf32, #tpu.memory_space<vmem>> -> memref<6144xf32, #tpu.memory_space<vmem>>
    %dma_start3A_41 = arith.constant 0 : i32
    %dma_start3A_42 = tpu.memref_slice %dma_start3A_40[%dma_start3A_41] : memref<6144xf32, #tpu.memory_space<vmem>> -> memref<256xf32, #tpu.memory_space<vmem>>
    %dma_start3A_43 = arith.constant 0 : i32
    %dma_start3A_44 = tpu.memref_slice %arg5[%dma_start3A_36, %dma_start3A_43] : memref<2x2048xi32, #tpu.memory_space<vmem>> -> memref<1x2048xi32, #tpu.memory_space<vmem>>
    %dma_start3A_45 = tpu.memref_squeeze %dma_start3A_44 : memref<1x2048xi32, #tpu.memory_space<vmem>> -> memref<2048xi32, #tpu.memory_space<vmem>>
    %dma_start3A_46 = arith.constant 0 : i32
    %dma_start3A_47 = tpu.memref_slice %dma_start3A_45[%dma_start3A_46] : memref<2048xi32, #tpu.memory_space<vmem>> -> memref<256xi32, #tpu.memory_space<vmem>>
    %dma_start3A_48 = arith.constant 0 : i32
    %dma_start3A_49 = tpu.memref_slice %arg3[%dma_start3A_48] : memref<3000000xf32, #tpu.memory_space<hbm>> -> memref<1000000xf32, #tpu.memory_space<hbm>>
    %dma_start3A_50 = arith.constant 0 : i32
    %dma_start3A_51 = tpu.memref_slice %dma_start3A_49[%dma_start3A_50] : memref<1000000xf32, #tpu.memory_space<hbm>> -> memref<1000000xf32, #tpu.memory_space<hbm>>
    tpu.enqueue_indirect_dma source(%dma_start3A_51 : memref<1000000xf32, #tpu.memory_space<hbm>>) target(%dma_start3A_42 : memref<256xf32, #tpu.memory_space<vmem>>) offsets(%dma_start3A_47 : memref<256xi32, #tpu.memory_space<vmem>>) semaphore(%arg9 : memref<!tpu.dma_semaphore, #tpu.memory_space<semaphore_mem>>)
    %dma_start3A_52 = arith.constant 0 : i32
    %dma_start3A_53 = arith.constant 0 : i32
    %dma_start3A_54 = arith.constant 0 : i32
    %dma_start3A_55 = tpu.memref_slice %arg6[%dma_start3A_53, %dma_start3A_54] : memref<2x6144xf32, #tpu.memory_space<vmem>> -> memref<1x6144xf32, #tpu.memory_space<vmem>>
    %dma_start3A_56 = tpu.memref_squeeze %dma_start3A_55 : memref<1x6144xf32, #tpu.memory_space<vmem>> -> memref<6144xf32, #tpu.memory_space<vmem>>
    %dma_start3A_57 = arith.constant 256 : i32
    %dma_start3A_58 = tpu.memref_slice %dma_start3A_56[%dma_start3A_57] : memref<6144xf32, #tpu.memory_space<vmem>> -> memref<256xf32, #tpu.memory_space<vmem>>
    %dma_start3A_59 = arith.constant 0 : i32
    %dma_start3A_60 = tpu.memref_slice %arg5[%dma_start3A_52, %dma_start3A_59] : memref<2x2048xi32, #tpu.memory_space<vmem>> -> memref<1x2048xi32, #tpu.memory_space<vmem>>
    %dma_start3A_61 = tpu.memref_squeeze %dma_start3A_60 : memref<1x2048xi32, #tpu.memory_space<vmem>> -> memref<2048xi32, #tpu.memory_space<vmem>>
    %dma_start3A_62 = arith.constant 256 : i32
    %dma_start3A_63 = tpu.memref_slice %dma_start3A_61[%dma_start3A_62] : memref<2048xi32, #tpu.memory_space<vmem>> -> memref<256xi32, #tpu.memory_space<vmem>>
    %dma_start3A_64 = arith.constant 0 : i32
    %dma_start3A_65 = tpu.memref_slice %arg3[%dma_start3A_64] : memref<3000000xf32, #tpu.memory_space<hbm>> -> memref<1000000xf32, #tpu.memory_space<hbm>>
    %dma_start3A_66 = arith.constant 0 : i32
    %dma_start3A_67 = tpu.memref_slice %dma_start3A_65[%dma_start3A_66] : memref<1000000xf32, #tpu.memory_space<hbm>> -> memref<1000000xf32, #tpu.memory_space<hbm>>
    tpu.enqueue_indirect_dma source(%dma_start3A_67 : memref<1000000xf32, #tpu.memory_space<hbm>>) target(%dma_start3A_58 : memref<256xf32, #tpu.memory_space<vmem>>) offsets(%dma_start3A_63 : memref<256xi32, #tpu.memory_space<vmem>>) semaphore(%arg9 : memref<!tpu.dma_semaphore, #tpu.memory_space<semaphore_mem>>)
    %dma_start3A_68 = arith.constant 0 : i32
    %dma_start3A_69 = arith.constant 0 : i32
    %dma_start3A_70 = arith.constant 0 : i32
    %dma_start3A_71 = tpu.memref_slice %arg6[%dma_start3A_69, %dma_start3A_70] : memref<2x6144xf32, #tpu.memory_space<vmem>> -> memref<1x6144xf32, #tpu.memory_space<vmem>>
    %dma_start3A_72 = tpu.memref_squeeze %dma_start3A_71 : memref<1x6144xf32, #tpu.memory_space<vmem>> -> memref<6144xf32, #tpu.memory_space<vmem>>
    %dma_start3A_73 = arith.constant 512 : i32
    %dma_start3A_74 = tpu.memref_slice %dma_start3A_72[%dma_start3A_73] : memref<6144xf32, #tpu.memory_space<vmem>> -> memref<256xf32, #tpu.memory_space<vmem>>
    %dma_start3A_75 = arith.constant 0 : i32
    %dma_start3A_76 = tpu.memref_slice %arg5[%dma_start3A_68, %dma_start3A_75] : memref<2x2048xi32, #tpu.memory_space<vmem>> -> memref<1x2048xi32, #tpu.memory_space<vmem>>
    %dma_start3A_77 = tpu.memref_squeeze %dma_start3A_76 : memref<1x2048xi32, #tpu.memory_space<vmem>> -> memref<2048xi32, #tpu.memory_space<vmem>>
    %dma_start3A_78 = arith.constant 512 : i32
    %dma_start3A_79 = tpu.memref_slice %dma_start3A_77[%dma_start3A_78] : memref<2048xi32, #tpu.memory_space<vmem>> -> memref<256xi32, #tpu.memory_space<vmem>>
    %dma_start3A_80 = arith.constant 0 : i32
    %dma_start3A_81 = tpu.memref_slice %arg3[%dma_start3A_80] : memref<3000000xf32, #tpu.memory_space<hbm>> -> memref<1000000xf32, #tpu.memory_space<hbm>>
    %dma_start3A_82 = arith.constant 0 : i32
    %dma_start3A_83 = tpu.memref_slice %dma_start3A_81[%dma_start3A_82] : memref<1000000xf32, #tpu.memory_space<hbm>> -> memref<1000000xf32, #tpu.memory_space<hbm>>
    tpu.enqueue_indirect_dma source(%dma_start3A_83 : memref<1000000xf32, #tpu.memory_space<hbm>>) target(%dma_start3A_74 : memref<256xf32, #tpu.memory_space<vmem>>) offsets(%dma_start3A_79 : memref<256xi32, #tpu.memory_space<vmem>>) semaphore(%arg9 : memref<!tpu.dma_semaphore, #tpu.memory_space<semaphore_mem>>)
    %dma_start3A_84 = arith.constant 0 : i32
    %dma_start3A_85 = arith.constant 0 : i32
    %dma_start3A_86 = arith.constant 0 : i32
    %dma_start3A_87 = tpu.memref_slice %arg6[%dma_start3A_85, %dma_start3A_86] : memref<2x6144xf32, #tpu.memory_space<vmem>> -> memref<1x6144xf32, #tpu.memory_space<vmem>>
    %dma_start3A_88 = tpu.memref_squeeze %dma_start3A_87 : memref<1x6144xf32, #tpu.memory_space<vmem>> -> memref<6144xf32, #tpu.memory_space<vmem>>
    %dma_start3A_89 = arith.constant 768 : i32
    %dma_start3A_90 = tpu.memref_slice %dma_start3A_88[%dma_start3A_89] : memref<6144xf32, #tpu.memory_space<vmem>> -> memref<256xf32, #tpu.memory_space<vmem>>
    %dma_start3A_91 = arith.constant 0 : i32
    %dma_start3A_92 = tpu.memref_slice %arg5[%dma_start3A_84, %dma_start3A_91] : memref<2x2048xi32, #tpu.memory_space<vmem>> -> memref<1x2048xi32, #tpu.memory_space<vmem>>
    %dma_start3A_93 = tpu.memref_squeeze %dma_start3A_92 : memref<1x2048xi32, #tpu.memory_space<vmem>> -> memref<2048xi32, #tpu.memory_space<vmem>>
    %dma_start3A_94 = arith.constant 768 : i32
    %dma_start3A_95 = tpu.memref_slice %dma_start3A_93[%dma_start3A_94] : memref<2048xi32, #tpu.memory_space<vmem>> -> memref<256xi32, #tpu.memory_space<vmem>>
    %dma_start3A_96 = arith.constant 0 : i32
    %dma_start3A_97 = tpu.memref_slice %arg3[%dma_start3A_96] : memref<3000000xf32, #tpu.memory_space<hbm>> -> memref<1000000xf32, #tpu.memory_space<hbm>>
    %dma_start3A_98 = arith.constant 0 : i32
    %dma_start3A_99 = tpu.memref_slice %dma_start3A_97[%dma_start3A_98] : memref<1000000xf32, #tpu.memory_space<hbm>> -> memref<1000000xf32, #tpu.memory_space<hbm>>
    tpu.enqueue_indirect_dma source(%dma_start3A_99 : memref<1000000xf32, #tpu.memory_space<hbm>>) target(%dma_start3A_90 : memref<256xf32, #tpu.memory_space<vmem>>) offsets(%dma_start3A_95 : memref<256xi32, #tpu.memory_space<vmem>>) semaphore(%arg9 : memref<!tpu.dma_semaphore, #tpu.memory_space<semaphore_mem>>)
    %dma_start3A_100 = arith.constant 0 : i32
    %dma_start3A_101 = arith.constant 0 : i32
    %dma_start3A_102 = arith.constant 0 : i32
    %dma_start3A_103 = tpu.memref_slice %arg6[%dma_start3A_101, %dma_start3A_102] : memref<2x6144xf32, #tpu.memory_space<vmem>> -> memref<1x6144xf32, #tpu.memory_space<vmem>>
    %dma_start3A_104 = tpu.memref_squeeze %dma_start3A_103 : memref<1x6144xf32, #tpu.memory_space<vmem>> -> memref<6144xf32, #tpu.memory_space<vmem>>
    %dma_start3A_105 = arith.constant 1024 : i32
    %dma_start3A_106 = tpu.memref_slice %dma_start3A_104[%dma_start3A_105] : memref<6144xf32, #tpu.memory_space<vmem>> -> memref<256xf32, #tpu.memory_space<vmem>>
    %dma_start3A_107 = arith.constant 0 : i32
    %dma_start3A_108 = tpu.memref_slice %arg5[%dma_start3A_100, %dma_start3A_107] : memref<2x2048xi32, #tpu.memory_space<vmem>> -> memref<1x2048xi32, #tpu.memory_space<vmem>>
    %dma_start3A_109 = tpu.memref_squeeze %dma_start3A_108 : memref<1x2048xi32, #tpu.memory_space<vmem>> -> memref<2048xi32, #tpu.memory_space<vmem>>
    %dma_start3A_110 = arith.constant 1024 : i32
    %dma_start3A_111 = tpu.memref_slice %dma_start3A_109[%dma_start3A_110] : memref<2048xi32, #tpu.memory_space<vmem>> -> memref<256xi32, #tpu.memory_space<vmem>>
    %dma_start3A_112 = arith.constant 0 : i32
    %dma_start3A_113 = tpu.memref_slice %arg3[%dma_start3A_112] : memref<3000000xf32, #tpu.memory_space<hbm>> -> memref<1000000xf32, #tpu.memory_space<hbm>>
    %dma_start3A_114 = arith.constant 0 : i32
    %dma_start3A_115 = tpu.memref_slice %dma_start3A_113[%dma_start3A_114] : memref<1000000xf32, #tpu.memory_space<hbm>> -> memref<1000000xf32, #tpu.memory_space<hbm>>
    tpu.enqueue_indirect_dma source(%dma_start3A_115 : memref<1000000xf32, #tpu.memory_space<hbm>>) target(%dma_start3A_106 : memref<256xf32, #tpu.memory_space<vmem>>) offsets(%dma_start3A_111 : memref<256xi32, #tpu.memory_space<vmem>>) semaphore(%arg9 : memref<!tpu.dma_semaphore, #tpu.memory_space<semaphore_mem>>)
    %dma_start3A_116 = arith.constant 0 : i32
    %dma_start3A_117 = arith.constant 0 : i32
    %dma_start3A_118 = arith.constant 0 : i32
    %dma_start3A_119 = tpu.memref_slice %arg6[%dma_start3A_117, %dma_start3A_118] : memref<2x6144xf32, #tpu.memory_space<vmem>> -> memref<1x6144xf32, #tpu.memory_space<vmem>>
    %dma_start3A_120 = tpu.memref_squeeze %dma_start3A_119 : memref<1x6144xf32, #tpu.memory_space<vmem>> -> memref<6144xf32, #tpu.memory_space<vmem>>
    %dma_start3A_121 = arith.constant 1280 : i32
    %dma_start3A_122 = tpu.memref_slice %dma_start3A_120[%dma_start3A_121] : memref<6144xf32, #tpu.memory_space<vmem>> -> memref<256xf32, #tpu.memory_space<vmem>>
    %dma_start3A_123 = arith.constant 0 : i32
    %dma_start3A_124 = tpu.memref_slice %arg5[%dma_start3A_116, %dma_start3A_123] : memref<2x2048xi32, #tpu.memory_space<vmem>> -> memref<1x2048xi32, #tpu.memory_space<vmem>>
    %dma_start3A_125 = tpu.memref_squeeze %dma_start3A_124 : memref<1x2048xi32, #tpu.memory_space<vmem>> -> memref<2048xi32, #tpu.memory_space<vmem>>
    %dma_start3A_126 = arith.constant 1280 : i32
    %dma_start3A_127 = tpu.memref_slice %dma_start3A_125[%dma_start3A_126] : memref<2048xi32, #tpu.memory_space<vmem>> -> memref<256xi32, #tpu.memory_space<vmem>>
    %dma_start3A_128 = arith.constant 0 : i32
    %dma_start3A_129 = tpu.memref_slice %arg3[%dma_start3A_128] : memref<3000000xf32, #tpu.memory_space<hbm>> -> memref<1000000xf32, #tpu.memory_space<hbm>>
    %dma_start3A_130 = arith.constant 0 : i32
    %dma_start3A_131 = tpu.memref_slice %dma_start3A_129[%dma_start3A_130] : memref<1000000xf32, #tpu.memory_space<hbm>> -> memref<1000000xf32, #tpu.memory_space<hbm>>
    tpu.enqueue_indirect_dma source(%dma_start3A_131 : memref<1000000xf32, #tpu.memory_space<hbm>>) target(%dma_start3A_122 : memref<256xf32, #tpu.memory_space<vmem>>) offsets(%dma_start3A_127 : memref<256xi32, #tpu.memory_space<vmem>>) semaphore(%arg9 : memref<!tpu.dma_semaphore, #tpu.memory_space<semaphore_mem>>)
    %dma_start3A_132 = arith.constant 0 : i32
    %dma_start3A_133 = arith.constant 0 : i32
    %dma_start3A_134 = arith.constant 0 : i32
    %dma_start3A_135 = tpu.memref_slice %arg6[%dma_start3A_133, %dma_start3A_134] : memref<2x6144xf32, #tpu.memory_space<vmem>> -> memref<1x6144xf32, #tpu.memory_space<vmem>>
    %dma_start3A_136 = tpu.memref_squeeze %dma_start3A_135 : memref<1x6144xf32, #tpu.memory_space<vmem>> -> memref<6144xf32, #tpu.memory_space<vmem>>
    %dma_start3A_137 = arith.constant 1536 : i32
    %dma_start3A_138 = tpu.memref_slice %dma_start3A_136[%dma_start3A_137] : memref<6144xf32, #tpu.memory_space<vmem>> -> memref<256xf32, #tpu.memory_space<vmem>>
    %dma_start3A_139 = arith.constant 0 : i32
    %dma_start3A_140 = tpu.memref_slice %arg5[%dma_start3A_132, %dma_start3A_139] : memref<2x2048xi32, #tpu.memory_space<vmem>> -> memref<1x2048xi32, #tpu.memory_space<vmem>>
    %dma_start3A_141 = tpu.memref_squeeze %dma_start3A_140 : memref<1x2048xi32, #tpu.memory_space<vmem>> -> memref<2048xi32, #tpu.memory_space<vmem>>
    %dma_start3A_142 = arith.constant 1536 : i32
    %dma_start3A_143 = tpu.memref_slice %dma_start3A_141[%dma_start3A_142] : memref<2048xi32, #tpu.memory_space<vmem>> -> memref<256xi32, #tpu.memory_space<vmem>>
    %dma_start3A_144 = arith.constant 0 : i32
    %dma_start3A_145 = tpu.memref_slice %arg3[%dma_start3A_144] : memref<3000000xf32, #tpu.memory_space<hbm>> -> memref<1000000xf32, #tpu.memory_space<hbm>>
    %dma_start3A_146 = arith.constant 0 : i32
    %dma_start3A_147 = tpu.memref_slice %dma_start3A_145[%dma_start3A_146] : memref<1000000xf32, #tpu.memory_space<hbm>> -> memref<1000000xf32, #tpu.memory_space<hbm>>
    tpu.enqueue_indirect_dma source(%dma_start3A_147 : memref<1000000xf32, #tpu.memory_space<hbm>>) target(%dma_start3A_138 : memref<256xf32, #tpu.memory_space<vmem>>) offsets(%dma_start3A_143 : memref<256xi32, #tpu.memory_space<vmem>>) semaphore(%arg9 : memref<!tpu.dma_semaphore, #tpu.memory_space<semaphore_mem>>)
    %dma_start3A_148 = arith.constant 0 : i32
    %dma_start3A_149 = arith.constant 0 : i32
    %dma_start3A_150 = arith.constant 0 : i32
    %dma_start3A_151 = tpu.memref_slice %arg6[%dma_start3A_149, %dma_start3A_150] : memref<2x6144xf32, #tpu.memory_space<vmem>> -> memref<1x6144xf32, #tpu.memory_space<vmem>>
    %dma_start3A_152 = tpu.memref_squeeze %dma_start3A_151 : memref<1x6144xf32, #tpu.memory_space<vmem>> -> memref<6144xf32, #tpu.memory_space<vmem>>
    %dma_start3A_153 = arith.constant 1792 : i32
    %dma_start3A_154 = tpu.memref_slice %dma_start3A_152[%dma_start3A_153] : memref<6144xf32, #tpu.memory_space<vmem>> -> memref<256xf32, #tpu.memory_space<vmem>>
    %dma_start3A_155 = arith.constant 0 : i32
    %dma_start3A_156 = tpu.memref_slice %arg5[%dma_start3A_148, %dma_start3A_155] : memref<2x2048xi32, #tpu.memory_space<vmem>> -> memref<1x2048xi32, #tpu.memory_space<vmem>>
    %dma_start3A_157 = tpu.memref_squeeze %dma_start3A_156 : memref<1x2048xi32, #tpu.memory_space<vmem>> -> memref<2048xi32, #tpu.memory_space<vmem>>
    %dma_start3A_158 = arith.constant 1792 : i32
    %dma_start3A_159 = tpu.memref_slice %dma_start3A_157[%dma_start3A_158] : memref<2048xi32, #tpu.memory_space<vmem>> -> memref<256xi32, #tpu.memory_space<vmem>>
    %dma_start3A_160 = arith.constant 0 : i32
    %dma_start3A_161 = tpu.memref_slice %arg3[%dma_start3A_160] : memref<3000000xf32, #tpu.memory_space<hbm>> -> memref<1000000xf32, #tpu.memory_space<hbm>>
    %dma_start3A_162 = arith.constant 0 : i32
    %dma_start3A_163 = tpu.memref_slice %dma_start3A_161[%dma_start3A_162] : memref<1000000xf32, #tpu.memory_space<hbm>> -> memref<1000000xf32, #tpu.memory_space<hbm>>
    tpu.enqueue_indirect_dma source(%dma_start3A_163 : memref<1000000xf32, #tpu.memory_space<hbm>>) target(%dma_start3A_154 : memref<256xf32, #tpu.memory_space<vmem>>) offsets(%dma_start3A_159 : memref<256xi32, #tpu.memory_space<vmem>>) semaphore(%arg9 : memref<!tpu.dma_semaphore, #tpu.memory_space<semaphore_mem>>)
    %dma_start3A_164 = arith.constant 0 : i32
    %dma_start3A_165 = arith.constant 0 : i32
    %dma_start3A_166 = arith.constant 0 : i32
    %dma_start3A_167 = tpu.memref_slice %arg6[%dma_start3A_165, %dma_start3A_166] : memref<2x6144xf32, #tpu.memory_space<vmem>> -> memref<1x6144xf32, #tpu.memory_space<vmem>>
    %dma_start3A_168 = tpu.memref_squeeze %dma_start3A_167 : memref<1x6144xf32, #tpu.memory_space<vmem>> -> memref<6144xf32, #tpu.memory_space<vmem>>
    %dma_start3A_169 = arith.constant 2048 : i32
    %dma_start3A_170 = tpu.memref_slice %dma_start3A_168[%dma_start3A_169] : memref<6144xf32, #tpu.memory_space<vmem>> -> memref<256xf32, #tpu.memory_space<vmem>>
    %dma_start3A_171 = arith.constant 0 : i32
    %dma_start3A_172 = tpu.memref_slice %arg5[%dma_start3A_164, %dma_start3A_171] : memref<2x2048xi32, #tpu.memory_space<vmem>> -> memref<1x2048xi32, #tpu.memory_space<vmem>>
    %dma_start3A_173 = tpu.memref_squeeze %dma_start3A_172 : memref<1x2048xi32, #tpu.memory_space<vmem>> -> memref<2048xi32, #tpu.memory_space<vmem>>
    %dma_start3A_174 = arith.constant 0 : i32
    %dma_start3A_175 = tpu.memref_slice %dma_start3A_173[%dma_start3A_174] : memref<2048xi32, #tpu.memory_space<vmem>> -> memref<256xi32, #tpu.memory_space<vmem>>
    %dma_start3A_176 = arith.constant 1000000 : i32
    %dma_start3A_177 = tpu.memref_slice %arg3[%dma_start3A_176] : memref<3000000xf32, #tpu.memory_space<hbm>> -> memref<1000000xf32, #tpu.memory_space<hbm>>
    %dma_start3A_178 = arith.constant 0 : i32
    %dma_start3A_179 = tpu.memref_slice %dma_start3A_177[%dma_start3A_178] : memref<1000000xf32, #tpu.memory_space<hbm>> -> memref<1000000xf32, #tpu.memory_space<hbm>>
    tpu.enqueue_indirect_dma source(%dma_start3A_179 : memref<1000000xf32, #tpu.memory_space<hbm>>) target(%dma_start3A_170 : memref<256xf32, #tpu.memory_space<vmem>>) offsets(%dma_start3A_175 : memref<256xi32, #tpu.memory_space<vmem>>) semaphore(%arg9 : memref<!tpu.dma_semaphore, #tpu.memory_space<semaphore_mem>>)
    %dma_start3A_180 = arith.constant 0 : i32
    %dma_start3A_181 = arith.constant 0 : i32
    %dma_start3A_182 = arith.constant 0 : i32
    %dma_start3A_183 = tpu.memref_slice %arg6[%dma_start3A_181, %dma_start3A_182] : memref<2x6144xf32, #tpu.memory_space<vmem>> -> memref<1x6144xf32, #tpu.memory_space<vmem>>
    %dma_start3A_184 = tpu.memref_squeeze %dma_start3A_183 : memref<1x6144xf32, #tpu.memory_space<vmem>> -> memref<6144xf32, #tpu.memory_space<vmem>>
    %dma_start3A_185 = arith.constant 2304 : i32
    %dma_start3A_186 = tpu.memref_slice %dma_start3A_184[%dma_start3A_185] : memref<6144xf32, #tpu.memory_space<vmem>> -> memref<256xf32, #tpu.memory_space<vmem>>
    %dma_start3A_187 = arith.constant 0 : i32
    %dma_start3A_188 = tpu.memref_slice %arg5[%dma_start3A_180, %dma_start3A_187] : memref<2x2048xi32, #tpu.memory_space<vmem>> -> memref<1x2048xi32, #tpu.memory_space<vmem>>
    %dma_start3A_189 = tpu.memref_squeeze %dma_start3A_188 : memref<1x2048xi32, #tpu.memory_space<vmem>> -> memref<2048xi32, #tpu.memory_space<vmem>>
    %dma_start3A_190 = arith.constant 256 : i32
    %dma_start3A_191 = tpu.memref_slice %dma_start3A_189[%dma_start3A_190] : memref<2048xi32, #tpu.memory_space<vmem>> -> memref<256xi32, #tpu.memory_space<vmem>>
    %dma_start3A_192 = arith.constant 1000000 : i32
    %dma_start3A_193 = tpu.memref_slice %arg3[%dma_start3A_192] : memref<3000000xf32, #tpu.memory_space<hbm>> -> memref<1000000xf32, #tpu.memory_space<hbm>>
    %dma_start3A_194 = arith.constant 0 : i32
    %dma_start3A_195 = tpu.memref_slice %dma_start3A_193[%dma_start3A_194] : memref<1000000xf32, #tpu.memory_space<hbm>> -> memref<1000000xf32, #tpu.memory_space<hbm>>
    tpu.enqueue_indirect_dma source(%dma_start3A_195 : memref<1000000xf32, #tpu.memory_space<hbm>>) target(%dma_start3A_186 : memref<256xf32, #tpu.memory_space<vmem>>) offsets(%dma_start3A_191 : memref<256xi32, #tpu.memory_space<vmem>>) semaphore(%arg9 : memref<!tpu.dma_semaphore, #tpu.memory_space<semaphore_mem>>)
    %dma_start3A_196 = arith.constant 0 : i32
    %dma_start3A_197 = arith.constant 0 : i32
    %dma_start3A_198 = arith.constant 0 : i32
    %dma_start3A_199 = tpu.memref_slice %arg6[%dma_start3A_197, %dma_start3A_198] : memref<2x6144xf32, #tpu.memory_space<vmem>> -> memref<1x6144xf32, #tpu.memory_space<vmem>>
    %dma_start3A_200 = tpu.memref_squeeze %dma_start3A_199 : memref<1x6144xf32, #tpu.memory_space<vmem>> -> memref<6144xf32, #tpu.memory_space<vmem>>
    %dma_start3A_201 = arith.constant 2560 : i32
    %dma_start3A_202 = tpu.memref_slice %dma_start3A_200[%dma_start3A_201] : memref<6144xf32, #tpu.memory_space<vmem>> -> memref<256xf32, #tpu.memory_space<vmem>>
    %dma_start3A_203 = arith.constant 0 : i32
    %dma_start3A_204 = tpu.memref_slice %arg5[%dma_start3A_196, %dma_start3A_203] : memref<2x2048xi32, #tpu.memory_space<vmem>> -> memref<1x2048xi32, #tpu.memory_space<vmem>>
    %dma_start3A_205 = tpu.memref_squeeze %dma_start3A_204 : memref<1x2048xi32, #tpu.memory_space<vmem>> -> memref<2048xi32, #tpu.memory_space<vmem>>
    %dma_start3A_206 = arith.constant 512 : i32
    %dma_start3A_207 = tpu.memref_slice %dma_start3A_205[%dma_start3A_206] : memref<2048xi32, #tpu.memory_space<vmem>> -> memref<256xi32, #tpu.memory_space<vmem>>
    %dma_start3A_208 = arith.constant 1000000 : i32
    %dma_start3A_209 = tpu.memref_slice %arg3[%dma_start3A_208] : memref<3000000xf32, #tpu.memory_space<hbm>> -> memref<1000000xf32, #tpu.memory_space<hbm>>
    %dma_start3A_210 = arith.constant 0 : i32
    %dma_start3A_211 = tpu.memref_slice %dma_start3A_209[%dma_start3A_210] : memref<1000000xf32, #tpu.memory_space<hbm>> -> memref<1000000xf32, #tpu.memory_space<hbm>>
    tpu.enqueue_indirect_dma source(%dma_start3A_211 : memref<1000000xf32, #tpu.memory_space<hbm>>) target(%dma_start3A_202 : memref<256xf32, #tpu.memory_space<vmem>>) offsets(%dma_start3A_207 : memref<256xi32, #tpu.memory_space<vmem>>) semaphore(%arg9 : memref<!tpu.dma_semaphore, #tpu.memory_space<semaphore_mem>>)
    %dma_start3A_212 = arith.constant 0 : i32
    %dma_start3A_213 = arith.constant 0 : i32
    %dma_start3A_214 = arith.constant 0 : i32
    %dma_start3A_215 = tpu.memref_slice %arg6[%dma_start3A_213, %dma_start3A_214] : memref<2x6144xf32, #tpu.memory_space<vmem>> -> memref<1x6144xf32, #tpu.memory_space<vmem>>
    %dma_start3A_216 = tpu.memref_squeeze %dma_start3A_215 : memref<1x6144xf32, #tpu.memory_space<vmem>> -> memref<6144xf32, #tpu.memory_space<vmem>>
    %dma_start3A_217 = arith.constant 2816 : i32
    %dma_start3A_218 = tpu.memref_slice %dma_start3A_216[%dma_start3A_217] : memref<6144xf32, #tpu.memory_space<vmem>> -> memref<256xf32, #tpu.memory_space<vmem>>
    %dma_start3A_219 = arith.constant 0 : i32
    %dma_start3A_220 = tpu.memref_slice %arg5[%dma_start3A_212, %dma_start3A_219] : memref<2x2048xi32, #tpu.memory_space<vmem>> -> memref<1x2048xi32, #tpu.memory_space<vmem>>
    %dma_start3A_221 = tpu.memref_squeeze %dma_start3A_220 : memref<1x2048xi32, #tpu.memory_space<vmem>> -> memref<2048xi32, #tpu.memory_space<vmem>>
    %dma_start3A_222 = arith.constant 768 : i32
    %dma_start3A_223 = tpu.memref_slice %dma_start3A_221[%dma_start3A_222] : memref<2048xi32, #tpu.memory_space<vmem>> -> memref<256xi32, #tpu.memory_space<vmem>>
    %dma_start3A_224 = arith.constant 1000000 : i32
    %dma_start3A_225 = tpu.memref_slice %arg3[%dma_start3A_224] : memref<3000000xf32, #tpu.memory_space<hbm>> -> memref<1000000xf32, #tpu.memory_space<hbm>>
    %dma_start3A_226 = arith.constant 0 : i32
    %dma_start3A_227 = tpu.memref_slice %dma_start3A_225[%dma_start3A_226] : memref<1000000xf32, #tpu.memory_space<hbm>> -> memref<1000000xf32, #tpu.memory_space<hbm>>
    tpu.enqueue_indirect_dma source(%dma_start3A_227 : memref<1000000xf32, #tpu.memory_space<hbm>>) target(%dma_start3A_218 : memref<256xf32, #tpu.memory_space<vmem>>) offsets(%dma_start3A_223 : memref<256xi32, #tpu.memory_space<vmem>>) semaphore(%arg9 : memref<!tpu.dma_semaphore, #tpu.memory_space<semaphore_mem>>)
    %dma_start3A_228 = arith.constant 0 : i32
    %dma_start3A_229 = arith.constant 0 : i32
    %dma_start3A_230 = arith.constant 0 : i32
    %dma_start3A_231 = tpu.memref_slice %arg6[%dma_start3A_229, %dma_start3A_230] : memref<2x6144xf32, #tpu.memory_space<vmem>> -> memref<1x6144xf32, #tpu.memory_space<vmem>>
    %dma_start3A_232 = tpu.memref_squeeze %dma_start3A_231 : memref<1x6144xf32, #tpu.memory_space<vmem>> -> memref<6144xf32, #tpu.memory_space<vmem>>
    %dma_start3A_233 = arith.constant 3072 : i32
    %dma_start3A_234 = tpu.memref_slice %dma_start3A_232[%dma_start3A_233] : memref<6144xf32, #tpu.memory_space<vmem>> -> memref<256xf32, #tpu.memory_space<vmem>>
    %dma_start3A_235 = arith.constant 0 : i32
    %dma_start3A_236 = tpu.memref_slice %arg5[%dma_start3A_228, %dma_start3A_235] : memref<2x2048xi32, #tpu.memory_space<vmem>> -> memref<1x2048xi32, #tpu.memory_space<vmem>>
    %dma_start3A_237 = tpu.memref_squeeze %dma_start3A_236 : memref<1x2048xi32, #tpu.memory_space<vmem>> -> memref<2048xi32, #tpu.memory_space<vmem>>
    %dma_start3A_238 = arith.constant 1024 : i32
    %dma_start3A_239 = tpu.memref_slice %dma_start3A_237[%dma_start3A_238] : memref<2048xi32, #tpu.memory_space<vmem>> -> memref<256xi32, #tpu.memory_space<vmem>>
    %dma_start3A_240 = arith.constant 1000000 : i32
    %dma_start3A_241 = tpu.memref_slice %arg3[%dma_start3A_240] : memref<3000000xf32, #tpu.memory_space<hbm>> -> memref<1000000xf32, #tpu.memory_space<hbm>>
    %dma_start3A_242 = arith.constant 0 : i32
    %dma_start3A_243 = tpu.memref_slice %dma_start3A_241[%dma_start3A_242] : memref<1000000xf32, #tpu.memory_space<hbm>> -> memref<1000000xf32, #tpu.memory_space<hbm>>
    tpu.enqueue_indirect_dma source(%dma_start3A_243 : memref<1000000xf32, #tpu.memory_space<hbm>>) target(%dma_start3A_234 : memref<256xf32, #tpu.memory_space<vmem>>) offsets(%dma_start3A_239 : memref<256xi32, #tpu.memory_space<vmem>>) semaphore(%arg9 : memref<!tpu.dma_semaphore, #tpu.memory_space<semaphore_mem>>)
    %dma_start3A_244 = arith.constant 0 : i32
    %dma_start3A_245 = arith.constant 0 : i32
    %dma_start3A_246 = arith.constant 0 : i32
    %dma_start3A_247 = tpu.memref_slice %arg6[%dma_start3A_245, %dma_start3A_246] : memref<2x6144xf32, #tpu.memory_space<vmem>> -> memref<1x6144xf32, #tpu.memory_space<vmem>>
    %dma_start3A_248 = tpu.memref_squeeze %dma_start3A_247 : memref<1x6144xf32, #tpu.memory_space<vmem>> -> memref<6144xf32, #tpu.memory_space<vmem>>
    %dma_start3A_249 = arith.constant 3328 : i32
    %dma_start3A_250 = tpu.memref_slice %dma_start3A_248[%dma_start3A_249] : memref<6144xf32, #tpu.memory_space<vmem>> -> memref<256xf32, #tpu.memory_space<vmem>>
    %dma_start3A_251 = arith.constant 0 : i32
    %dma_start3A_252 = tpu.memref_slice %arg5[%dma_start3A_244, %dma_start3A_251] : memref<2x2048xi32, #tpu.memory_space<vmem>> -> memref<1x2048xi32, #tpu.memory_space<vmem>>
    %dma_start3A_253 = tpu.memref_squeeze %dma_start3A_252 : memref<1x2048xi32, #tpu.memory_space<vmem>> -> memref<2048xi32, #tpu.memory_space<vmem>>
    %dma_start3A_254 = arith.constant 1280 : i32
    %dma_start3A_255 = tpu.memref_slice %dma_start3A_253[%dma_start3A_254] : memref<2048xi32, #tpu.memory_space<vmem>> -> memref<256xi32, #tpu.memory_space<vmem>>
    %dma_start3A_256 = arith.constant 1000000 : i32
    %dma_start3A_257 = tpu.memref_slice %arg3[%dma_start3A_256] : memref<3000000xf32, #tpu.memory_space<hbm>> -> memref<1000000xf32, #tpu.memory_space<hbm>>
    %dma_start3A_258 = arith.constant 0 : i32
    %dma_start3A_259 = tpu.memref_slice %dma_start3A_257[%dma_start3A_258] : memref<1000000xf32, #tpu.memory_space<hbm>> -> memref<1000000xf32, #tpu.memory_space<hbm>>
    tpu.enqueue_indirect_dma source(%dma_start3A_259 : memref<1000000xf32, #tpu.memory_space<hbm>>) target(%dma_start3A_250 : memref<256xf32, #tpu.memory_space<vmem>>) offsets(%dma_start3A_255 : memref<256xi32, #tpu.memory_space<vmem>>) semaphore(%arg9 : memref<!tpu.dma_semaphore, #tpu.memory_space<semaphore_mem>>)
    %dma_start3A_260 = arith.constant 0 : i32
    %dma_start3A_261 = arith.constant 0 : i32
    %dma_start3A_262 = arith.constant 0 : i32
    %dma_start3A_263 = tpu.memref_slice %arg6[%dma_start3A_261, %dma_start3A_262] : memref<2x6144xf32, #tpu.memory_space<vmem>> -> memref<1x6144xf32, #tpu.memory_space<vmem>>
    %dma_start3A_264 = tpu.memref_squeeze %dma_start3A_263 : memref<1x6144xf32, #tpu.memory_space<vmem>> -> memref<6144xf32, #tpu.memory_space<vmem>>
    %dma_start3A_265 = arith.constant 3584 : i32
    %dma_start3A_266 = tpu.memref_slice %dma_start3A_264[%dma_start3A_265] : memref<6144xf32, #tpu.memory_space<vmem>> -> memref<256xf32, #tpu.memory_space<vmem>>
    %dma_start3A_267 = arith.constant 0 : i32
    %dma_start3A_268 = tpu.memref_slice %arg5[%dma_start3A_260, %dma_start3A_267] : memref<2x2048xi32, #tpu.memory_space<vmem>> -> memref<1x2048xi32, #tpu.memory_space<vmem>>
    %dma_start3A_269 = tpu.memref_squeeze %dma_start3A_268 : memref<1x2048xi32, #tpu.memory_space<vmem>> -> memref<2048xi32, #tpu.memory_space<vmem>>
    %dma_start3A_270 = arith.constant 1536 : i32
    %dma_start3A_271 = tpu.memref_slice %dma_start3A_269[%dma_start3A_270] : memref<2048xi32, #tpu.memory_space<vmem>> -> memref<256xi32, #tpu.memory_space<vmem>>
    %dma_start3A_272 = arith.constant 1000000 : i32
    %dma_start3A_273 = tpu.memref_slice %arg3[%dma_start3A_272] : memref<3000000xf32, #tpu.memory_space<hbm>> -> memref<1000000xf32, #tpu.memory_space<hbm>>
    %dma_start3A_274 = arith.constant 0 : i32
    %dma_start3A_275 = tpu.memref_slice %dma_start3A_273[%dma_start3A_274] : memref<1000000xf32, #tpu.memory_space<hbm>> -> memref<1000000xf32, #tpu.memory_space<hbm>>
    tpu.enqueue_indirect_dma source(%dma_start3A_275 : memref<1000000xf32, #tpu.memory_space<hbm>>) target(%dma_start3A_266 : memref<256xf32, #tpu.memory_space<vmem>>) offsets(%dma_start3A_271 : memref<256xi32, #tpu.memory_space<vmem>>) semaphore(%arg9 : memref<!tpu.dma_semaphore, #tpu.memory_space<semaphore_mem>>)
    %dma_start3A_276 = arith.constant 0 : i32
    %dma_start3A_277 = arith.constant 0 : i32
    %dma_start3A_278 = arith.constant 0 : i32
    %dma_start3A_279 = tpu.memref_slice %arg6[%dma_start3A_277, %dma_start3A_278] : memref<2x6144xf32, #tpu.memory_space<vmem>> -> memref<1x6144xf32, #tpu.memory_space<vmem>>
    %dma_start3A_280 = tpu.memref_squeeze %dma_start3A_279 : memref<1x6144xf32, #tpu.memory_space<vmem>> -> memref<6144xf32, #tpu.memory_space<vmem>>
    %dma_start3A_281 = arith.constant 3840 : i32
    %dma_start3A_282 = tpu.memref_slice %dma_start3A_280[%dma_start3A_281] : memref<6144xf32, #tpu.memory_space<vmem>> -> memref<256xf32, #tpu.memory_space<vmem>>
    %dma_start3A_283 = arith.constant 0 : i32
    %dma_start3A_284 = tpu.memref_slice %arg5[%dma_start3A_276, %dma_start3A_283] : memref<2x2048xi32, #tpu.memory_space<vmem>> -> memref<1x2048xi32, #tpu.memory_space<vmem>>
    %dma_start3A_285 = tpu.memref_squeeze %dma_start3A_284 : memref<1x2048xi32, #tpu.memory_space<vmem>> -> memref<2048xi32, #tpu.memory_space<vmem>>
    %dma_start3A_286 = arith.constant 1792 : i32
    %dma_start3A_287 = tpu.memref_slice %dma_start3A_285[%dma_start3A_286] : memref<2048xi32, #tpu.memory_space<vmem>> -> memref<256xi32, #tpu.memory_space<vmem>>
    %dma_start3A_288 = arith.constant 1000000 : i32
    %dma_start3A_289 = tpu.memref_slice %arg3[%dma_start3A_288] : memref<3000000xf32, #tpu.memory_space<hbm>> -> memref<1000000xf32, #tpu.memory_space<hbm>>
    %dma_start3A_290 = arith.constant 0 : i32
    %dma_start3A_291 = tpu.memref_slice %dma_start3A_289[%dma_start3A_290] : memref<1000000xf32, #tpu.memory_space<hbm>> -> memref<1000000xf32, #tpu.memory_space<hbm>>
    tpu.enqueue_indirect_dma source(%dma_start3A_291 : memref<1000000xf32, #tpu.memory_space<hbm>>) target(%dma_start3A_282 : memref<256xf32, #tpu.memory_space<vmem>>) offsets(%dma_start3A_287 : memref<256xi32, #tpu.memory_space<vmem>>) semaphore(%arg9 : memref<!tpu.dma_semaphore, #tpu.memory_space<semaphore_mem>>)
    %dma_start3A_292 = arith.constant 0 : i32
    %dma_start3A_293 = arith.constant 0 : i32
    %dma_start3A_294 = arith.constant 0 : i32
    %dma_start3A_295 = tpu.memref_slice %arg6[%dma_start3A_293, %dma_start3A_294] : memref<2x6144xf32, #tpu.memory_space<vmem>> -> memref<1x6144xf32, #tpu.memory_space<vmem>>
    %dma_start3A_296 = tpu.memref_squeeze %dma_start3A_295 : memref<1x6144xf32, #tpu.memory_space<vmem>> -> memref<6144xf32, #tpu.memory_space<vmem>>
    %dma_start3A_297 = arith.constant 4096 : i32
    %dma_start3A_298 = tpu.memref_slice %dma_start3A_296[%dma_start3A_297] : memref<6144xf32, #tpu.memory_space<vmem>> -> memref<256xf32, #tpu.memory_space<vmem>>
    %dma_start3A_299 = arith.constant 0 : i32
    %dma_start3A_300 = tpu.memref_slice %arg5[%dma_start3A_292, %dma_start3A_299] : memref<2x2048xi32, #tpu.memory_space<vmem>> -> memref<1x2048xi32, #tpu.memory_space<vmem>>
    %dma_start3A_301 = tpu.memref_squeeze %dma_start3A_300 : memref<1x2048xi32, #tpu.memory_space<vmem>> -> memref<2048xi32, #tpu.memory_space<vmem>>
    %dma_start3A_302 = arith.constant 0 : i32
    %dma_start3A_303 = tpu.memref_slice %dma_start3A_301[%dma_start3A_302] : memref<2048xi32, #tpu.memory_space<vmem>> -> memref<256xi32, #tpu.memory_space<vmem>>
    %dma_start3A_304 = arith.constant 2000000 : i32
    %dma_start3A_305 = tpu.memref_slice %arg3[%dma_start3A_304] : memref<3000000xf32, #tpu.memory_space<hbm>> -> memref<1000000xf32, #tpu.memory_space<hbm>>
    %dma_start3A_306 = arith.constant 0 : i32
    %dma_start3A_307 = tpu.memref_slice %dma_start3A_305[%dma_start3A_306] : memref<1000000xf32, #tpu.memory_space<hbm>> -> memref<1000000xf32, #tpu.memory_space<hbm>>
    tpu.enqueue_indirect_dma source(%dma_start3A_307 : memref<1000000xf32, #tpu.memory_space<hbm>>) target(%dma_start3A_298 : memref<256xf32, #tpu.memory_space<vmem>>) offsets(%dma_start3A_303 : memref<256xi32, #tpu.memory_space<vmem>>) semaphore(%arg9 : memref<!tpu.dma_semaphore, #tpu.memory_space<semaphore_mem>>)
    %dma_start3A_308 = arith.constant 0 : i32
    %dma_start3A_309 = arith.constant 0 : i32
    %dma_start3A_310 = arith.constant 0 : i32
    %dma_start3A_311 = tpu.memref_slice %arg6[%dma_start3A_309, %dma_start3A_310] : memref<2x6144xf32, #tpu.memory_space<vmem>> -> memref<1x6144xf32, #tpu.memory_space<vmem>>
    %dma_start3A_312 = tpu.memref_squeeze %dma_start3A_311 : memref<1x6144xf32, #tpu.memory_space<vmem>> -> memref<6144xf32, #tpu.memory_space<vmem>>
    %dma_start3A_313 = arith.constant 4352 : i32
    %dma_start3A_314 = tpu.memref_slice %dma_start3A_312[%dma_start3A_313] : memref<6144xf32, #tpu.memory_space<vmem>> -> memref<256xf32, #tpu.memory_space<vmem>>
    %dma_start3A_315 = arith.constant 0 : i32
    %dma_start3A_316 = tpu.memref_slice %arg5[%dma_start3A_308, %dma_start3A_315] : memref<2x2048xi32, #tpu.memory_space<vmem>> -> memref<1x2048xi32, #tpu.memory_space<vmem>>
    %dma_start3A_317 = tpu.memref_squeeze %dma_start3A_316 : memref<1x2048xi32, #tpu.memory_space<vmem>> -> memref<2048xi32, #tpu.memory_space<vmem>>
    %dma_start3A_318 = arith.constant 256 : i32
    %dma_start3A_319 = tpu.memref_slice %dma_start3A_317[%dma_start3A_318] : memref<2048xi32, #tpu.memory_space<vmem>> -> memref<256xi32, #tpu.memory_space<vmem>>
    %dma_start3A_320 = arith.constant 2000000 : i32
    %dma_start3A_321 = tpu.memref_slice %arg3[%dma_start3A_320] : memref<3000000xf32, #tpu.memory_space<hbm>> -> memref<1000000xf32, #tpu.memory_space<hbm>>
    %dma_start3A_322 = arith.constant 0 : i32
    %dma_start3A_323 = tpu.memref_slice %dma_start3A_321[%dma_start3A_322] : memref<1000000xf32, #tpu.memory_space<hbm>> -> memref<1000000xf32, #tpu.memory_space<hbm>>
    tpu.enqueue_indirect_dma source(%dma_start3A_323 : memref<1000000xf32, #tpu.memory_space<hbm>>) target(%dma_start3A_314 : memref<256xf32, #tpu.memory_space<vmem>>) offsets(%dma_start3A_319 : memref<256xi32, #tpu.memory_space<vmem>>) semaphore(%arg9 : memref<!tpu.dma_semaphore, #tpu.memory_space<semaphore_mem>>)
    %dma_start3A_324 = arith.constant 0 : i32
    %dma_start3A_325 = arith.constant 0 : i32
    %dma_start3A_326 = arith.constant 0 : i32
    %dma_start3A_327 = tpu.memref_slice %arg6[%dma_start3A_325, %dma_start3A_326] : memref<2x6144xf32, #tpu.memory_space<vmem>> -> memref<1x6144xf32, #tpu.memory_space<vmem>>
    %dma_start3A_328 = tpu.memref_squeeze %dma_start3A_327 : memref<1x6144xf32, #tpu.memory_space<vmem>> -> memref<6144xf32, #tpu.memory_space<vmem>>
    %dma_start3A_329 = arith.constant 4608 : i32
    %dma_start3A_330 = tpu.memref_slice %dma_start3A_328[%dma_start3A_329] : memref<6144xf32, #tpu.memory_space<vmem>> -> memref<256xf32, #tpu.memory_space<vmem>>
    %dma_start3A_331 = arith.constant 0 : i32
    %dma_start3A_332 = tpu.memref_slice %arg5[%dma_start3A_324, %dma_start3A_331] : memref<2x2048xi32, #tpu.memory_space<vmem>> -> memref<1x2048xi32, #tpu.memory_space<vmem>>
    %dma_start3A_333 = tpu.memref_squeeze %dma_start3A_332 : memref<1x2048xi32, #tpu.memory_space<vmem>> -> memref<2048xi32, #tpu.memory_space<vmem>>
    %dma_start3A_334 = arith.constant 512 : i32
    %dma_start3A_335 = tpu.memref_slice %dma_start3A_333[%dma_start3A_334] : memref<2048xi32, #tpu.memory_space<vmem>> -> memref<256xi32, #tpu.memory_space<vmem>>
    %dma_start3A_336 = arith.constant 2000000 : i32
    %dma_start3A_337 = tpu.memref_slice %arg3[%dma_start3A_336] : memref<3000000xf32, #tpu.memory_space<hbm>> -> memref<1000000xf32, #tpu.memory_space<hbm>>
    %dma_start3A_338 = arith.constant 0 : i32
    %dma_start3A_339 = tpu.memref_slice %dma_start3A_337[%dma_start3A_338] : memref<1000000xf32, #tpu.memory_space<hbm>> -> memref<1000000xf32, #tpu.memory_space<hbm>>
    tpu.enqueue_indirect_dma source(%dma_start3A_339 : memref<1000000xf32, #tpu.memory_space<hbm>>) target(%dma_start3A_330 : memref<256xf32, #tpu.memory_space<vmem>>) offsets(%dma_start3A_335 : memref<256xi32, #tpu.memory_space<vmem>>) semaphore(%arg9 : memref<!tpu.dma_semaphore, #tpu.memory_space<semaphore_mem>>)
    %dma_start3A_340 = arith.constant 0 : i32
    %dma_start3A_341 = arith.constant 0 : i32
    %dma_start3A_342 = arith.constant 0 : i32
    %dma_start3A_343 = tpu.memref_slice %arg6[%dma_start3A_341, %dma_start3A_342] : memref<2x6144xf32, #tpu.memory_space<vmem>> -> memref<1x6144xf32, #tpu.memory_space<vmem>>
    %dma_start3A_344 = tpu.memref_squeeze %dma_start3A_343 : memref<1x6144xf32, #tpu.memory_space<vmem>> -> memref<6144xf32, #tpu.memory_space<vmem>>
    %dma_start3A_345 = arith.constant 4864 : i32
    %dma_start3A_346 = tpu.memref_slice %dma_start3A_344[%dma_start3A_345] : memref<6144xf32, #tpu.memory_space<vmem>> -> memref<256xf32, #tpu.memory_space<vmem>>
    %dma_start3A_347 = arith.constant 0 : i32
    %dma_start3A_348 = tpu.memref_slice %arg5[%dma_start3A_340, %dma_start3A_347] : memref<2x2048xi32, #tpu.memory_space<vmem>> -> memref<1x2048xi32, #tpu.memory_space<vmem>>
    %dma_start3A_349 = tpu.memref_squeeze %dma_start3A_348 : memref<1x2048xi32, #tpu.memory_space<vmem>> -> memref<2048xi32, #tpu.memory_space<vmem>>
    %dma_start3A_350 = arith.constant 768 : i32
    %dma_start3A_351 = tpu.memref_slice %dma_start3A_349[%dma_start3A_350] : memref<2048xi32, #tpu.memory_space<vmem>> -> memref<256xi32, #tpu.memory_space<vmem>>
    %dma_start3A_352 = arith.constant 2000000 : i32
    %dma_start3A_353 = tpu.memref_slice %arg3[%dma_start3A_352] : memref<3000000xf32, #tpu.memory_space<hbm>> -> memref<1000000xf32, #tpu.memory_space<hbm>>
    %dma_start3A_354 = arith.constant 0 : i32
    %dma_start3A_355 = tpu.memref_slice %dma_start3A_353[%dma_start3A_354] : memref<1000000xf32, #tpu.memory_space<hbm>> -> memref<1000000xf32, #tpu.memory_space<hbm>>
    tpu.enqueue_indirect_dma source(%dma_start3A_355 : memref<1000000xf32, #tpu.memory_space<hbm>>) target(%dma_start3A_346 : memref<256xf32, #tpu.memory_space<vmem>>) offsets(%dma_start3A_351 : memref<256xi32, #tpu.memory_space<vmem>>) semaphore(%arg9 : memref<!tpu.dma_semaphore, #tpu.memory_space<semaphore_mem>>)
    %dma_start3A_356 = arith.constant 0 : i32
    %dma_start3A_357 = arith.constant 0 : i32
    %dma_start3A_358 = arith.constant 0 : i32
    %dma_start3A_359 = tpu.memref_slice %arg6[%dma_start3A_357, %dma_start3A_358] : memref<2x6144xf32, #tpu.memory_space<vmem>> -> memref<1x6144xf32, #tpu.memory_space<vmem>>
    %dma_start3A_360 = tpu.memref_squeeze %dma_start3A_359 : memref<1x6144xf32, #tpu.memory_space<vmem>> -> memref<6144xf32, #tpu.memory_space<vmem>>
    %dma_start3A_361 = arith.constant 5120 : i32
    %dma_start3A_362 = tpu.memref_slice %dma_start3A_360[%dma_start3A_361] : memref<6144xf32, #tpu.memory_space<vmem>> -> memref<256xf32, #tpu.memory_space<vmem>>
    %dma_start3A_363 = arith.constant 0 : i32
    %dma_start3A_364 = tpu.memref_slice %arg5[%dma_start3A_356, %dma_start3A_363] : memref<2x2048xi32, #tpu.memory_space<vmem>> -> memref<1x2048xi32, #tpu.memory_space<vmem>>
    %dma_start3A_365 = tpu.memref_squeeze %dma_start3A_364 : memref<1x2048xi32, #tpu.memory_space<vmem>> -> memref<2048xi32, #tpu.memory_space<vmem>>
    %dma_start3A_366 = arith.constant 1024 : i32
    %dma_start3A_367 = tpu.memref_slice %dma_start3A_365[%dma_start3A_366] : memref<2048xi32, #tpu.memory_space<vmem>> -> memref<256xi32, #tpu.memory_space<vmem>>
    %dma_start3A_368 = arith.constant 2000000 : i32
    %dma_start3A_369 = tpu.memref_slice %arg3[%dma_start3A_368] : memref<3000000xf32, #tpu.memory_space<hbm>> -> memref<1000000xf32, #tpu.memory_space<hbm>>
    %dma_start3A_370 = arith.constant 0 : i32
    %dma_start3A_371 = tpu.memref_slice %dma_start3A_369[%dma_start3A_370] : memref<1000000xf32, #tpu.memory_space<hbm>> -> memref<1000000xf32, #tpu.memory_space<hbm>>
    tpu.enqueue_indirect_dma source(%dma_start3A_371 : memref<1000000xf32, #tpu.memory_space<hbm>>) target(%dma_start3A_362 : memref<256xf32, #tpu.memory_space<vmem>>) offsets(%dma_start3A_367 : memref<256xi32, #tpu.memory_space<vmem>>) semaphore(%arg9 : memref<!tpu.dma_semaphore, #tpu.memory_space<semaphore_mem>>)
    %dma_start3A_372 = arith.constant 0 : i32
    %dma_start3A_373 = arith.constant 0 : i32
    %dma_start3A_374 = arith.constant 0 : i32
    %dma_start3A_375 = tpu.memref_slice %arg6[%dma_start3A_373, %dma_start3A_374] : memref<2x6144xf32, #tpu.memory_space<vmem>> -> memref<1x6144xf32, #tpu.memory_space<vmem>>
    %dma_start3A_376 = tpu.memref_squeeze %dma_start3A_375 : memref<1x6144xf32, #tpu.memory_space<vmem>> -> memref<6144xf32, #tpu.memory_space<vmem>>
    %dma_start3A_377 = arith.constant 5376 : i32
    %dma_start3A_378 = tpu.memref_slice %dma_start3A_376[%dma_start3A_377] : memref<6144xf32, #tpu.memory_space<vmem>> -> memref<256xf32, #tpu.memory_space<vmem>>
    %dma_start3A_379 = arith.constant 0 : i32
    %dma_start3A_380 = tpu.memref_slice %arg5[%dma_start3A_372, %dma_start3A_379] : memref<2x2048xi32, #tpu.memory_space<vmem>> -> memref<1x2048xi32, #tpu.memory_space<vmem>>
    %dma_start3A_381 = tpu.memref_squeeze %dma_start3A_380 : memref<1x2048xi32, #tpu.memory_space<vmem>> -> memref<2048xi32, #tpu.memory_space<vmem>>
    %dma_start3A_382 = arith.constant 1280 : i32
    %dma_start3A_383 = tpu.memref_slice %dma_start3A_381[%dma_start3A_382] : memref<2048xi32, #tpu.memory_space<vmem>> -> memref<256xi32, #tpu.memory_space<vmem>>
    %dma_start3A_384 = arith.constant 2000000 : i32
    %dma_start3A_385 = tpu.memref_slice %arg3[%dma_start3A_384] : memref<3000000xf32, #tpu.memory_space<hbm>> -> memref<1000000xf32, #tpu.memory_space<hbm>>
    %dma_start3A_386 = arith.constant 0 : i32
    %dma_start3A_387 = tpu.memref_slice %dma_start3A_385[%dma_start3A_386] : memref<1000000xf32, #tpu.memory_space<hbm>> -> memref<1000000xf32, #tpu.memory_space<hbm>>
    tpu.enqueue_indirect_dma source(%dma_start3A_387 : memref<1000000xf32, #tpu.memory_space<hbm>>) target(%dma_start3A_378 : memref<256xf32, #tpu.memory_space<vmem>>) offsets(%dma_start3A_383 : memref<256xi32, #tpu.memory_space<vmem>>) semaphore(%arg9 : memref<!tpu.dma_semaphore, #tpu.memory_space<semaphore_mem>>)
    %dma_start3A_388 = arith.constant 0 : i32
    %dma_start3A_389 = arith.constant 0 : i32
    %dma_start3A_390 = arith.constant 0 : i32
    %dma_start3A_391 = tpu.memref_slice %arg6[%dma_start3A_389, %dma_start3A_390] : memref<2x6144xf32, #tpu.memory_space<vmem>> -> memref<1x6144xf32, #tpu.memory_space<vmem>>
    %dma_start3A_392 = tpu.memref_squeeze %dma_start3A_391 : memref<1x6144xf32, #tpu.memory_space<vmem>> -> memref<6144xf32, #tpu.memory_space<vmem>>
    %dma_start3A_393 = arith.constant 5632 : i32
    %dma_start3A_394 = tpu.memref_slice %dma_start3A_392[%dma_start3A_393] : memref<6144xf32, #tpu.memory_space<vmem>> -> memref<256xf32, #tpu.memory_space<vmem>>
    %dma_start3A_395 = arith.constant 0 : i32
    %dma_start3A_396 = tpu.memref_slice %arg5[%dma_start3A_388, %dma_start3A_395] : memref<2x2048xi32, #tpu.memory_space<vmem>> -> memref<1x2048xi32, #tpu.memory_space<vmem>>
    %dma_start3A_397 = tpu.memref_squeeze %dma_start3A_396 : memref<1x2048xi32, #tpu.memory_space<vmem>> -> memref<2048xi32, #tpu.memory_space<vmem>>
    %dma_start3A_398 = arith.constant 1536 : i32
    %dma_start3A_399 = tpu.memref_slice %dma_start3A_397[%dma_start3A_398] : memref<2048xi32, #tpu.memory_space<vmem>> -> memref<256xi32, #tpu.memory_space<vmem>>
    %dma_start3A_400 = arith.constant 2000000 : i32
    %dma_start3A_401 = tpu.memref_slice %arg3[%dma_start3A_400] : memref<3000000xf32, #tpu.memory_space<hbm>> -> memref<1000000xf32, #tpu.memory_space<hbm>>
    %dma_start3A_402 = arith.constant 0 : i32
    %dma_start3A_403 = tpu.memref_slice %dma_start3A_401[%dma_start3A_402] : memref<1000000xf32, #tpu.memory_space<hbm>> -> memref<1000000xf32, #tpu.memory_space<hbm>>
    tpu.enqueue_indirect_dma source(%dma_start3A_403 : memref<1000000xf32, #tpu.memory_space<hbm>>) target(%dma_start3A_394 : memref<256xf32, #tpu.memory_space<vmem>>) offsets(%dma_start3A_399 : memref<256xi32, #tpu.memory_space<vmem>>) semaphore(%arg9 : memref<!tpu.dma_semaphore, #tpu.memory_space<semaphore_mem>>)
    %dma_start3A_404 = arith.constant 0 : i32
    %dma_start3A_405 = arith.constant 0 : i32
    %dma_start3A_406 = arith.constant 0 : i32
    %dma_start3A_407 = tpu.memref_slice %arg6[%dma_start3A_405, %dma_start3A_406] : memref<2x6144xf32, #tpu.memory_space<vmem>> -> memref<1x6144xf32, #tpu.memory_space<vmem>>
    %dma_start3A_408 = tpu.memref_squeeze %dma_start3A_407 : memref<1x6144xf32, #tpu.memory_space<vmem>> -> memref<6144xf32, #tpu.memory_space<vmem>>
    %dma_start3A_409 = arith.constant 5888 : i32
    %dma_start3A_410 = tpu.memref_slice %dma_start3A_408[%dma_start3A_409] : memref<6144xf32, #tpu.memory_space<vmem>> -> memref<256xf32, #tpu.memory_space<vmem>>
    %dma_start3A_411 = arith.constant 0 : i32
    %dma_start3A_412 = tpu.memref_slice %arg5[%dma_start3A_404, %dma_start3A_411] : memref<2x2048xi32, #tpu.memory_space<vmem>> -> memref<1x2048xi32, #tpu.memory_space<vmem>>
    %dma_start3A_413 = tpu.memref_squeeze %dma_start3A_412 : memref<1x2048xi32, #tpu.memory_space<vmem>> -> memref<2048xi32, #tpu.memory_space<vmem>>
    %dma_start3A_414 = arith.constant 1792 : i32
    %dma_start3A_415 = tpu.memref_slice %dma_start3A_413[%dma_start3A_414] : memref<2048xi32, #tpu.memory_space<vmem>> -> memref<256xi32, #tpu.memory_space<vmem>>
    %dma_start3A_416 = arith.constant 2000000 : i32
    %dma_start3A_417 = tpu.memref_slice %arg3[%dma_start3A_416] : memref<3000000xf32, #tpu.memory_space<hbm>> -> memref<1000000xf32, #tpu.memory_space<hbm>>
    %dma_start3A_418 = arith.constant 0 : i32
    %dma_start3A_419 = tpu.memref_slice %dma_start3A_417[%dma_start3A_418] : memref<1000000xf32, #tpu.memory_space<hbm>> -> memref<1000000xf32, #tpu.memory_space<hbm>>
    tpu.enqueue_indirect_dma source(%dma_start3A_419 : memref<1000000xf32, #tpu.memory_space<hbm>>) target(%dma_start3A_410 : memref<256xf32, #tpu.memory_space<vmem>>) offsets(%dma_start3A_415 : memref<256xi32, #tpu.memory_space<vmem>>) semaphore(%arg9 : memref<!tpu.dma_semaphore, #tpu.memory_space<semaphore_mem>>)
    %scan3A = arith.constant 0 : i32
    %scan3A_420 = arith.constant 0 : i32
    %scan3A_421 = arith.constant 25 : i32
    %scan3A_422 = arith.addi %scan3A_420, %scan3A_421 : i32
    %scan3A_423 = arith.constant 1 : i32
    scf.for %scan3A_436 = %scan3A_420 to %scan3A_422 step %scan3A_423  : i32 {
      %mul3A_437 = arith.constant 2 : i32
      %mul3A_438 = arith.muli %scan3A_436, %mul3A_437 : i32
      %add3A_439 = arith.constant 0 : i32
      %add3A_440 = arith.addi %mul3A_438, %add3A_439 : i32
      %lt3A = arith.constant 49 : i32
      %lt3A_441 = arith.cmpi slt, %add3A_440, %lt3A : i32
      %convert_element_type3A = arith.extui %lt3A_441 : i1 to i32
      %cond3A = arith.constant 0 : i32
      %cond3A_442 = arith.cmpi ne, %convert_element_type3A, %cond3A : i32
      scf.if %cond3A_442 {
        %dma_wait3A_602 = arith.constant 1 : i32
        %dma_wait3A_603 = arith.constant 0 : i32
        %dma_wait3A_604 = tpu.memref_slice %arg5[%dma_wait3A_602, %dma_wait3A_603] : memref<2x2048xi32, #tpu.memory_space<vmem>> -> memref<1x2048xi32, #tpu.memory_space<vmem>>
        %dma_wait3A_605 = tpu.memref_squeeze %dma_wait3A_604 : memref<1x2048xi32, #tpu.memory_space<vmem>> -> memref<2048xi32, #tpu.memory_space<vmem>>
        %dma_wait3A_606 = tpu.memref_slice %arg2[%mul3A_2] : memref<3276800xi32, #tpu.memory_space<hbm>> -> memref<2048xi32, #tpu.memory_space<hbm>>
        %dma_wait3A_607 = arith.constant 0 : i32
        %dma_wait3A_608 = tpu.memref_slice %arg5[%dma_wait3A_602, %dma_wait3A_607] : memref<2x2048xi32, #tpu.memory_space<vmem>> -> memref<1x2048xi32, #tpu.memory_space<vmem>>
        %dma_wait3A_609 = tpu.memref_squeeze %dma_wait3A_608 : memref<1x2048xi32, #tpu.memory_space<vmem>> -> memref<2048xi32, #tpu.memory_space<vmem>>
        %dma_wait3A_610 = tpu.memref_slice %arg2[%mul3A_2] : memref<3276800xi32, #tpu.memory_space<hbm>> -> memref<2048xi32, #tpu.memory_space<hbm>>
        tpu.wait_dma2 semaphore(%arg8 : memref<!tpu.dma_semaphore, #tpu.memory_space<semaphore_mem>>) src(%dma_wait3A_610 : memref<2048xi32, #tpu.memory_space<hbm>>) dst(%dma_wait3A_609 : memref<2048xi32, #tpu.memory_space<vmem>>)
      } else {
      }
      %ge3A = arith.constant 1 : i32
      %ge3A_443 = arith.cmpi sge, %add3A_440, %ge3A : i32
      %convert_element_type3A_444 = arith.extui %ge3A_443 : i1 to i32
      %cond3A_445 = arith.constant 0 : i32
      %cond3A_446 = arith.cmpi ne, %convert_element_type3A_444, %cond3A_445 : i32
      scf.if %cond3A_446 {
        %mul3A_602 = arith.constant 3 : i32
        %mul3A_603 = arith.muli %mul3A_2, %mul3A_602 : i32
        %dma_wait3A_604 = arith.constant 1 : i32
        %dma_wait3A_605 = arith.constant 0 : i32
        %dma_wait3A_606 = tpu.memref_slice %arg6[%dma_wait3A_604, %dma_wait3A_605] : memref<2x6144xf32, #tpu.memory_space<vmem>> -> memref<1x6144xf32, #tpu.memory_space<vmem>>
        %dma_wait3A_607 = tpu.memref_squeeze %dma_wait3A_606 : memref<1x6144xf32, #tpu.memory_space<vmem>> -> memref<6144xf32, #tpu.memory_space<vmem>>
        %dma_wait3A_608 = tpu.memref_slice %arg4[%mul3A_603] : memref<9830400xf32, #tpu.memory_space<hbm>> -> memref<6144xf32, #tpu.memory_space<hbm>>
        %dma_wait3A_609 = tpu.memref_slice %arg4[%mul3A_603] : memref<9830400xf32, #tpu.memory_space<hbm>> -> memref<6144xf32, #tpu.memory_space<hbm>>
        %dma_wait3A_610 = arith.constant 0 : i32
        %dma_wait3A_611 = tpu.memref_slice %arg6[%dma_wait3A_604, %dma_wait3A_610] : memref<2x6144xf32, #tpu.memory_space<vmem>> -> memref<1x6144xf32, #tpu.memory_space<vmem>>
        %dma_wait3A_612 = tpu.memref_squeeze %dma_wait3A_611 : memref<1x6144xf32, #tpu.memory_space<vmem>> -> memref<6144xf32, #tpu.memory_space<vmem>>
        tpu.wait_dma2 semaphore(%arg12 : memref<!tpu.dma_semaphore, #tpu.memory_space<semaphore_mem>>) src(%dma_wait3A_612 : memref<6144xf32, #tpu.memory_space<vmem>>) dst(%dma_wait3A_609 : memref<6144xf32, #tpu.memory_space<hbm>>)
      } else {
      }
      %lt3A_447 = arith.constant 49 : i32
      %lt3A_448 = arith.cmpi slt, %add3A_440, %lt3A_447 : i32
      %convert_element_type3A_449 = arith.extui %lt3A_448 : i1 to i32
      %cond3A_450 = arith.constant 0 : i32
      %cond3A_451 = arith.cmpi ne, %convert_element_type3A_449, %cond3A_450 : i32
      scf.if %cond3A_451 {
        %dma_start3A_602 = arith.constant 1 : i32
        %dma_start3A_603 = arith.constant 1 : i32
        %dma_start3A_604 = arith.constant 0 : i32
        %dma_start3A_605 = tpu.memref_slice %arg6[%dma_start3A_603, %dma_start3A_604] : memref<2x6144xf32, #tpu.memory_space<vmem>> -> memref<1x6144xf32, #tpu.memory_space<vmem>>
        %dma_start3A_606 = tpu.memref_squeeze %dma_start3A_605 : memref<1x6144xf32, #tpu.memory_space<vmem>> -> memref<6144xf32, #tpu.memory_space<vmem>>
        %dma_start3A_607 = arith.constant 0 : i32
        %dma_start3A_608 = tpu.memref_slice %dma_start3A_606[%dma_start3A_607] : memref<6144xf32, #tpu.memory_space<vmem>> -> memref<256xf32, #tpu.memory_space<vmem>>
        %dma_start3A_609 = arith.constant 0 : i32
        %dma_start3A_610 = tpu.memref_slice %arg5[%dma_start3A_602, %dma_start3A_609] : memref<2x2048xi32, #tpu.memory_space<vmem>> -> memref<1x2048xi32, #tpu.memory_space<vmem>>
        %dma_start3A_611 = tpu.memref_squeeze %dma_start3A_610 : memref<1x2048xi32, #tpu.memory_space<vmem>> -> memref<2048xi32, #tpu.memory_space<vmem>>
        %dma_start3A_612 = arith.constant 0 : i32
        %dma_start3A_613 = tpu.memref_slice %dma_start3A_611[%dma_start3A_612] : memref<2048xi32, #tpu.memory_space<vmem>> -> memref<256xi32, #tpu.memory_space<vmem>>
        %dma_start3A_614 = arith.constant 0 : i32
        %dma_start3A_615 = tpu.memref_slice %arg3[%dma_start3A_614] : memref<3000000xf32, #tpu.memory_space<hbm>> -> memref<1000000xf32, #tpu.memory_space<hbm>>
        %dma_start3A_616 = arith.constant 0 : i32
        %dma_start3A_617 = tpu.memref_slice %dma_start3A_615[%dma_start3A_616] : memref<1000000xf32, #tpu.memory_space<hbm>> -> memref<1000000xf32, #tpu.memory_space<hbm>>
        tpu.enqueue_indirect_dma source(%dma_start3A_617 : memref<1000000xf32, #tpu.memory_space<hbm>>) target(%dma_start3A_608 : memref<256xf32, #tpu.memory_space<vmem>>) offsets(%dma_start3A_613 : memref<256xi32, #tpu.memory_space<vmem>>) semaphore(%arg10 : memref<!tpu.dma_semaphore, #tpu.memory_space<semaphore_mem>>)
        %dma_start3A_618 = arith.constant 1 : i32
        %dma_start3A_619 = arith.constant 1 : i32
        %dma_start3A_620 = arith.constant 0 : i32
        %dma_start3A_621 = tpu.memref_slice %arg6[%dma_start3A_619, %dma_start3A_620] : memref<2x6144xf32, #tpu.memory_space<vmem>> -> memref<1x6144xf32, #tpu.memory_space<vmem>>
        %dma_start3A_622 = tpu.memref_squeeze %dma_start3A_621 : memref<1x6144xf32, #tpu.memory_space<vmem>> -> memref<6144xf32, #tpu.memory_space<vmem>>
        %dma_start3A_623 = arith.constant 256 : i32
        %dma_start3A_624 = tpu.memref_slice %dma_start3A_622[%dma_start3A_623] : memref<6144xf32, #tpu.memory_space<vmem>> -> memref<256xf32, #tpu.memory_space<vmem>>
        %dma_start3A_625 = arith.constant 0 : i32
        %dma_start3A_626 = tpu.memref_slice %arg5[%dma_start3A_618, %dma_start3A_625] : memref<2x2048xi32, #tpu.memory_space<vmem>> -> memref<1x2048xi32, #tpu.memory_space<vmem>>
        %dma_start3A_627 = tpu.memref_squeeze %dma_start3A_626 : memref<1x2048xi32, #tpu.memory_space<vmem>> -> memref<2048xi32, #tpu.memory_space<vmem>>
        %dma_start3A_628 = arith.constant 256 : i32
        %dma_start3A_629 = tpu.memref_slice %dma_start3A_627[%dma_start3A_628] : memref<2048xi32, #tpu.memory_space<vmem>> -> memref<256xi32, #tpu.memory_space<vmem>>
        %dma_start3A_630 = arith.constant 0 : i32
        %dma_start3A_631 = tpu.memref_slice %arg3[%dma_start3A_630] : memref<3000000xf32, #tpu.memory_space<hbm>> -> memref<1000000xf32, #tpu.memory_space<hbm>>
        %dma_start3A_632 = arith.constant 0 : i32
        %dma_start3A_633 = tpu.memref_slice %dma_start3A_631[%dma_start3A_632] : memref<1000000xf32, #tpu.memory_space<hbm>> -> memref<1000000xf32, #tpu.memory_space<hbm>>
        tpu.enqueue_indirect_dma source(%dma_start3A_633 : memref<1000000xf32, #tpu.memory_space<hbm>>) target(%dma_start3A_624 : memref<256xf32, #tpu.memory_space<vmem>>) offsets(%dma_start3A_629 : memref<256xi32, #tpu.memory_space<vmem>>) semaphore(%arg10 : memref<!tpu.dma_semaphore, #tpu.memory_space<semaphore_mem>>)
        %dma_start3A_634 = arith.constant 1 : i32
        %dma_start3A_635 = arith.constant 1 : i32
        %dma_start3A_636 = arith.constant 0 : i32
        %dma_start3A_637 = tpu.memref_slice %arg6[%dma_start3A_635, %dma_start3A_636] : memref<2x6144xf32, #tpu.memory_space<vmem>> -> memref<1x6144xf32, #tpu.memory_space<vmem>>
        %dma_start3A_638 = tpu.memref_squeeze %dma_start3A_637 : memref<1x6144xf32, #tpu.memory_space<vmem>> -> memref<6144xf32, #tpu.memory_space<vmem>>
        %dma_start3A_639 = arith.constant 512 : i32
        %dma_start3A_640 = tpu.memref_slice %dma_start3A_638[%dma_start3A_639] : memref<6144xf32, #tpu.memory_space<vmem>> -> memref<256xf32, #tpu.memory_space<vmem>>
        %dma_start3A_641 = arith.constant 0 : i32
        %dma_start3A_642 = tpu.memref_slice %arg5[%dma_start3A_634, %dma_start3A_641] : memref<2x2048xi32, #tpu.memory_space<vmem>> -> memref<1x2048xi32, #tpu.memory_space<vmem>>
        %dma_start3A_643 = tpu.memref_squeeze %dma_start3A_642 : memref<1x2048xi32, #tpu.memory_space<vmem>> -> memref<2048xi32, #tpu.memory_space<vmem>>
        %dma_start3A_644 = arith.constant 512 : i32
        %dma_start3A_645 = tpu.memref_slice %dma_start3A_643[%dma_start3A_644] : memref<2048xi32, #tpu.memory_space<vmem>> -> memref<256xi32, #tpu.memory_space<vmem>>
        %dma_start3A_646 = arith.constant 0 : i32
        %dma_start3A_647 = tpu.memref_slice %arg3[%dma_start3A_646] : memref<3000000xf32, #tpu.memory_space<hbm>> -> memref<1000000xf32, #tpu.memory_space<hbm>>
        %dma_start3A_648 = arith.constant 0 : i32
        %dma_start3A_649 = tpu.memref_slice %dma_start3A_647[%dma_start3A_648] : memref<1000000xf32, #tpu.memory_space<hbm>> -> memref<1000000xf32, #tpu.memory_space<hbm>>
        tpu.enqueue_indirect_dma source(%dma_start3A_649 : memref<1000000xf32, #tpu.memory_space<hbm>>) target(%dma_start3A_640 : memref<256xf32, #tpu.memory_space<vmem>>) offsets(%dma_start3A_645 : memref<256xi32, #tpu.memory_space<vmem>>) semaphore(%arg10 : memref<!tpu.dma_semaphore, #tpu.memory_space<semaphore_mem>>)
        %dma_start3A_650 = arith.constant 1 : i32
        %dma_start3A_651 = arith.constant 1 : i32
        %dma_start3A_652 = arith.constant 0 : i32
        %dma_start3A_653 = tpu.memref_slice %arg6[%dma_start3A_651, %dma_start3A_652] : memref<2x6144xf32, #tpu.memory_space<vmem>> -> memref<1x6144xf32, #tpu.memory_space<vmem>>
        %dma_start3A_654 = tpu.memref_squeeze %dma_start3A_653 : memref<1x6144xf32, #tpu.memory_space<vmem>> -> memref<6144xf32, #tpu.memory_space<vmem>>
        %dma_start3A_655 = arith.constant 768 : i32
        %dma_start3A_656 = tpu.memref_slice %dma_start3A_654[%dma_start3A_655] : memref<6144xf32, #tpu.memory_space<vmem>> -> memref<256xf32, #tpu.memory_space<vmem>>
        %dma_start3A_657 = arith.constant 0 : i32
        %dma_start3A_658 = tpu.memref_slice %arg5[%dma_start3A_650, %dma_start3A_657] : memref<2x2048xi32, #tpu.memory_space<vmem>> -> memref<1x2048xi32, #tpu.memory_space<vmem>>
        %dma_start3A_659 = tpu.memref_squeeze %dma_start3A_658 : memref<1x2048xi32, #tpu.memory_space<vmem>> -> memref<2048xi32, #tpu.memory_space<vmem>>
        %dma_start3A_660 = arith.constant 768 : i32
        %dma_start3A_661 = tpu.memref_slice %dma_start3A_659[%dma_start3A_660] : memref<2048xi32, #tpu.memory_space<vmem>> -> memref<256xi32, #tpu.memory_space<vmem>>
        %dma_start3A_662 = arith.constant 0 : i32
        %dma_start3A_663 = tpu.memref_slice %arg3[%dma_start3A_662] : memref<3000000xf32, #tpu.memory_space<hbm>> -> memref<1000000xf32, #tpu.memory_space<hbm>>
        %dma_start3A_664 = arith.constant 0 : i32
        %dma_start3A_665 = tpu.memref_slice %dma_start3A_663[%dma_start3A_664] : memref<1000000xf32, #tpu.memory_space<hbm>> -> memref<1000000xf32, #tpu.memory_space<hbm>>
        tpu.enqueue_indirect_dma source(%dma_start3A_665 : memref<1000000xf32, #tpu.memory_space<hbm>>) target(%dma_start3A_656 : memref<256xf32, #tpu.memory_space<vmem>>) offsets(%dma_start3A_661 : memref<256xi32, #tpu.memory_space<vmem>>) semaphore(%arg10 : memref<!tpu.dma_semaphore, #tpu.memory_space<semaphore_mem>>)
        %dma_start3A_666 = arith.constant 1 : i32
        %dma_start3A_667 = arith.constant 1 : i32
        %dma_start3A_668 = arith.constant 0 : i32
        %dma_start3A_669 = tpu.memref_slice %arg6[%dma_start3A_667, %dma_start3A_668] : memref<2x6144xf32, #tpu.memory_space<vmem>> -> memref<1x6144xf32, #tpu.memory_space<vmem>>
        %dma_start3A_670 = tpu.memref_squeeze %dma_start3A_669 : memref<1x6144xf32, #tpu.memory_space<vmem>> -> memref<6144xf32, #tpu.memory_space<vmem>>
        %dma_start3A_671 = arith.constant 1024 : i32
        %dma_start3A_672 = tpu.memref_slice %dma_start3A_670[%dma_start3A_671] : memref<6144xf32, #tpu.memory_space<vmem>> -> memref<256xf32, #tpu.memory_space<vmem>>
        %dma_start3A_673 = arith.constant 0 : i32
        %dma_start3A_674 = tpu.memref_slice %arg5[%dma_start3A_666, %dma_start3A_673] : memref<2x2048xi32, #tpu.memory_space<vmem>> -> memref<1x2048xi32, #tpu.memory_space<vmem>>
        %dma_start3A_675 = tpu.memref_squeeze %dma_start3A_674 : memref<1x2048xi32, #tpu.memory_space<vmem>> -> memref<2048xi32, #tpu.memory_space<vmem>>
        %dma_start3A_676 = arith.constant 1024 : i32
        %dma_start3A_677 = tpu.memref_slice %dma_start3A_675[%dma_start3A_676] : memref<2048xi32, #tpu.memory_space<vmem>> -> memref<256xi32, #tpu.memory_space<vmem>>
        %dma_start3A_678 = arith.constant 0 : i32
        %dma_start3A_679 = tpu.memref_slice %arg3[%dma_start3A_678] : memref<3000000xf32, #tpu.memory_space<hbm>> -> memref<1000000xf32, #tpu.memory_space<hbm>>
        %dma_start3A_680 = arith.constant 0 : i32
        %dma_start3A_681 = tpu.memref_slice %dma_start3A_679[%dma_start3A_680] : memref<1000000xf32, #tpu.memory_space<hbm>> -> memref<1000000xf32, #tpu.memory_space<hbm>>
        tpu.enqueue_indirect_dma source(%dma_start3A_681 : memref<1000000xf32, #tpu.memory_space<hbm>>) target(%dma_start3A_672 : memref<256xf32, #tpu.memory_space<vmem>>) offsets(%dma_start3A_677 : memref<256xi32, #tpu.memory_space<vmem>>) semaphore(%arg10 : memref<!tpu.dma_semaphore, #tpu.memory_space<semaphore_mem>>)
        %dma_start3A_682 = arith.constant 1 : i32
        %dma_start3A_683 = arith.constant 1 : i32
        %dma_start3A_684 = arith.constant 0 : i32
        %dma_start3A_685 = tpu.memref_slice %arg6[%dma_start3A_683, %dma_start3A_684] : memref<2x6144xf32, #tpu.memory_space<vmem>> -> memref<1x6144xf32, #tpu.memory_space<vmem>>
        %dma_start3A_686 = tpu.memref_squeeze %dma_start3A_685 : memref<1x6144xf32, #tpu.memory_space<vmem>> -> memref<6144xf32, #tpu.memory_space<vmem>>
        %dma_start3A_687 = arith.constant 1280 : i32
        %dma_start3A_688 = tpu.memref_slice %dma_start3A_686[%dma_start3A_687] : memref<6144xf32, #tpu.memory_space<vmem>> -> memref<256xf32, #tpu.memory_space<vmem>>
        %dma_start3A_689 = arith.constant 0 : i32
        %dma_start3A_690 = tpu.memref_slice %arg5[%dma_start3A_682, %dma_start3A_689] : memref<2x2048xi32, #tpu.memory_space<vmem>> -> memref<1x2048xi32, #tpu.memory_space<vmem>>
        %dma_start3A_691 = tpu.memref_squeeze %dma_start3A_690 : memref<1x2048xi32, #tpu.memory_space<vmem>> -> memref<2048xi32, #tpu.memory_space<vmem>>
        %dma_start3A_692 = arith.constant 1280 : i32
        %dma_start3A_693 = tpu.memref_slice %dma_start3A_691[%dma_start3A_692] : memref<2048xi32, #tpu.memory_space<vmem>> -> memref<256xi32, #tpu.memory_space<vmem>>
        %dma_start3A_694 = arith.constant 0 : i32
        %dma_start3A_695 = tpu.memref_slice %arg3[%dma_start3A_694] : memref<3000000xf32, #tpu.memory_space<hbm>> -> memref<1000000xf32, #tpu.memory_space<hbm>>
        %dma_start3A_696 = arith.constant 0 : i32
        %dma_start3A_697 = tpu.memref_slice %dma_start3A_695[%dma_start3A_696] : memref<1000000xf32, #tpu.memory_space<hbm>> -> memref<1000000xf32, #tpu.memory_space<hbm>>
        tpu.enqueue_indirect_dma source(%dma_start3A_697 : memref<1000000xf32, #tpu.memory_space<hbm>>) target(%dma_start3A_688 : memref<256xf32, #tpu.memory_space<vmem>>) offsets(%dma_start3A_693 : memref<256xi32, #tpu.memory_space<vmem>>) semaphore(%arg10 : memref<!tpu.dma_semaphore, #tpu.memory_space<semaphore_mem>>)
        %dma_start3A_698 = arith.constant 1 : i32
        %dma_start3A_699 = arith.constant 1 : i32
        %dma_start3A_700 = arith.constant 0 : i32
        %dma_start3A_701 = tpu.memref_slice %arg6[%dma_start3A_699, %dma_start3A_700] : memref<2x6144xf32, #tpu.memory_space<vmem>> -> memref<1x6144xf32, #tpu.memory_space<vmem>>
        %dma_start3A_702 = tpu.memref_squeeze %dma_start3A_701 : memref<1x6144xf32, #tpu.memory_space<vmem>> -> memref<6144xf32, #tpu.memory_space<vmem>>
        %dma_start3A_703 = arith.constant 1536 : i32
        %dma_start3A_704 = tpu.memref_slice %dma_start3A_702[%dma_start3A_703] : memref<6144xf32, #tpu.memory_space<vmem>> -> memref<256xf32, #tpu.memory_space<vmem>>
        %dma_start3A_705 = arith.constant 0 : i32
        %dma_start3A_706 = tpu.memref_slice %arg5[%dma_start3A_698, %dma_start3A_705] : memref<2x2048xi32, #tpu.memory_space<vmem>> -> memref<1x2048xi32, #tpu.memory_space<vmem>>
        %dma_start3A_707 = tpu.memref_squeeze %dma_start3A_706 : memref<1x2048xi32, #tpu.memory_space<vmem>> -> memref<2048xi32, #tpu.memory_space<vmem>>
        %dma_start3A_708 = arith.constant 1536 : i32
        %dma_start3A_709 = tpu.memref_slice %dma_start3A_707[%dma_start3A_708] : memref<2048xi32, #tpu.memory_space<vmem>> -> memref<256xi32, #tpu.memory_space<vmem>>
        %dma_start3A_710 = arith.constant 0 : i32
        %dma_start3A_711 = tpu.memref_slice %arg3[%dma_start3A_710] : memref<3000000xf32, #tpu.memory_space<hbm>> -> memref<1000000xf32, #tpu.memory_space<hbm>>
        %dma_start3A_712 = arith.constant 0 : i32
        %dma_start3A_713 = tpu.memref_slice %dma_start3A_711[%dma_start3A_712] : memref<1000000xf32, #tpu.memory_space<hbm>> -> memref<1000000xf32, #tpu.memory_space<hbm>>
        tpu.enqueue_indirect_dma source(%dma_start3A_713 : memref<1000000xf32, #tpu.memory_space<hbm>>) target(%dma_start3A_704 : memref<256xf32, #tpu.memory_space<vmem>>) offsets(%dma_start3A_709 : memref<256xi32, #tpu.memory_space<vmem>>) semaphore(%arg10 : memref<!tpu.dma_semaphore, #tpu.memory_space<semaphore_mem>>)
        %dma_start3A_714 = arith.constant 1 : i32
        %dma_start3A_715 = arith.constant 1 : i32
        %dma_start3A_716 = arith.constant 0 : i32
        %dma_start3A_717 = tpu.memref_slice %arg6[%dma_start3A_715, %dma_start3A_716] : memref<2x6144xf32, #tpu.memory_space<vmem>> -> memref<1x6144xf32, #tpu.memory_space<vmem>>
        %dma_start3A_718 = tpu.memref_squeeze %dma_start3A_717 : memref<1x6144xf32, #tpu.memory_space<vmem>> -> memref<6144xf32, #tpu.memory_space<vmem>>
        %dma_start3A_719 = arith.constant 1792 : i32
        %dma_start3A_720 = tpu.memref_slice %dma_start3A_718[%dma_start3A_719] : memref<6144xf32, #tpu.memory_space<vmem>> -> memref<256xf32, #tpu.memory_space<vmem>>
        %dma_start3A_721 = arith.constant 0 : i32
        %dma_start3A_722 = tpu.memref_slice %arg5[%dma_start3A_714, %dma_start3A_721] : memref<2x2048xi32, #tpu.memory_space<vmem>> -> memref<1x2048xi32, #tpu.memory_space<vmem>>
        %dma_start3A_723 = tpu.memref_squeeze %dma_start3A_722 : memref<1x2048xi32, #tpu.memory_space<vmem>> -> memref<2048xi32, #tpu.memory_space<vmem>>
        %dma_start3A_724 = arith.constant 1792 : i32
        %dma_start3A_725 = tpu.memref_slice %dma_start3A_723[%dma_start3A_724] : memref<2048xi32, #tpu.memory_space<vmem>> -> memref<256xi32, #tpu.memory_space<vmem>>
        %dma_start3A_726 = arith.constant 0 : i32
        %dma_start3A_727 = tpu.memref_slice %arg3[%dma_start3A_726] : memref<3000000xf32, #tpu.memory_space<hbm>> -> memref<1000000xf32, #tpu.memory_space<hbm>>
        %dma_start3A_728 = arith.constant 0 : i32
        %dma_start3A_729 = tpu.memref_slice %dma_start3A_727[%dma_start3A_728] : memref<1000000xf32, #tpu.memory_space<hbm>> -> memref<1000000xf32, #tpu.memory_space<hbm>>
        tpu.enqueue_indirect_dma source(%dma_start3A_729 : memref<1000000xf32, #tpu.memory_space<hbm>>) target(%dma_start3A_720 : memref<256xf32, #tpu.memory_space<vmem>>) offsets(%dma_start3A_725 : memref<256xi32, #tpu.memory_space<vmem>>) semaphore(%arg10 : memref<!tpu.dma_semaphore, #tpu.memory_space<semaphore_mem>>)
        %dma_start3A_730 = arith.constant 1 : i32
        %dma_start3A_731 = arith.constant 1 : i32
        %dma_start3A_732 = arith.constant 0 : i32
        %dma_start3A_733 = tpu.memref_slice %arg6[%dma_start3A_731, %dma_start3A_732] : memref<2x6144xf32, #tpu.memory_space<vmem>> -> memref<1x6144xf32, #tpu.memory_space<vmem>>
        %dma_start3A_734 = tpu.memref_squeeze %dma_start3A_733 : memref<1x6144xf32, #tpu.memory_space<vmem>> -> memref<6144xf32, #tpu.memory_space<vmem>>
        %dma_start3A_735 = arith.constant 2048 : i32
        %dma_start3A_736 = tpu.memref_slice %dma_start3A_734[%dma_start3A_735] : memref<6144xf32, #tpu.memory_space<vmem>> -> memref<256xf32, #tpu.memory_space<vmem>>
        %dma_start3A_737 = arith.constant 0 : i32
        %dma_start3A_738 = tpu.memref_slice %arg5[%dma_start3A_730, %dma_start3A_737] : memref<2x2048xi32, #tpu.memory_space<vmem>> -> memref<1x2048xi32, #tpu.memory_space<vmem>>
        %dma_start3A_739 = tpu.memref_squeeze %dma_start3A_738 : memref<1x2048xi32, #tpu.memory_space<vmem>> -> memref<2048xi32, #tpu.memory_space<vmem>>
        %dma_start3A_740 = arith.constant 0 : i32
        %dma_start3A_741 = tpu.memref_slice %dma_start3A_739[%dma_start3A_740] : memref<2048xi32, #tpu.memory_space<vmem>> -> memref<256xi32, #tpu.memory_space<vmem>>
        %dma_start3A_742 = arith.constant 1000000 : i32
        %dma_start3A_743 = tpu.memref_slice %arg3[%dma_start3A_742] : memref<3000000xf32, #tpu.memory_space<hbm>> -> memref<1000000xf32, #tpu.memory_space<hbm>>
        %dma_start3A_744 = arith.constant 0 : i32
        %dma_start3A_745 = tpu.memref_slice %dma_start3A_743[%dma_start3A_744] : memref<1000000xf32, #tpu.memory_space<hbm>> -> memref<1000000xf32, #tpu.memory_space<hbm>>
        tpu.enqueue_indirect_dma source(%dma_start3A_745 : memref<1000000xf32, #tpu.memory_space<hbm>>) target(%dma_start3A_736 : memref<256xf32, #tpu.memory_space<vmem>>) offsets(%dma_start3A_741 : memref<256xi32, #tpu.memory_space<vmem>>) semaphore(%arg10 : memref<!tpu.dma_semaphore, #tpu.memory_space<semaphore_mem>>)
        %dma_start3A_746 = arith.constant 1 : i32
        %dma_start3A_747 = arith.constant 1 : i32
        %dma_start3A_748 = arith.constant 0 : i32
        %dma_start3A_749 = tpu.memref_slice %arg6[%dma_start3A_747, %dma_start3A_748] : memref<2x6144xf32, #tpu.memory_space<vmem>> -> memref<1x6144xf32, #tpu.memory_space<vmem>>
        %dma_start3A_750 = tpu.memref_squeeze %dma_start3A_749 : memref<1x6144xf32, #tpu.memory_space<vmem>> -> memref<6144xf32, #tpu.memory_space<vmem>>
        %dma_start3A_751 = arith.constant 2304 : i32
        %dma_start3A_752 = tpu.memref_slice %dma_start3A_750[%dma_start3A_751] : memref<6144xf32, #tpu.memory_space<vmem>> -> memref<256xf32, #tpu.memory_space<vmem>>
        %dma_start3A_753 = arith.constant 0 : i32
        %dma_start3A_754 = tpu.memref_slice %arg5[%dma_start3A_746, %dma_start3A_753] : memref<2x2048xi32, #tpu.memory_space<vmem>> -> memref<1x2048xi32, #tpu.memory_space<vmem>>
        %dma_start3A_755 = tpu.memref_squeeze %dma_start3A_754 : memref<1x2048xi32, #tpu.memory_space<vmem>> -> memref<2048xi32, #tpu.memory_space<vmem>>
        %dma_start3A_756 = arith.constant 256 : i32
        %dma_start3A_757 = tpu.memref_slice %dma_start3A_755[%dma_start3A_756] : memref<2048xi32, #tpu.memory_space<vmem>> -> memref<256xi32, #tpu.memory_space<vmem>>
        %dma_start3A_758 = arith.constant 1000000 : i32
        %dma_start3A_759 = tpu.memref_slice %arg3[%dma_start3A_758] : memref<3000000xf32, #tpu.memory_space<hbm>> -> memref<1000000xf32, #tpu.memory_space<hbm>>
        %dma_start3A_760 = arith.constant 0 : i32
        %dma_start3A_761 = tpu.memref_slice %dma_start3A_759[%dma_start3A_760] : memref<1000000xf32, #tpu.memory_space<hbm>> -> memref<1000000xf32, #tpu.memory_space<hbm>>
        tpu.enqueue_indirect_dma source(%dma_start3A_761 : memref<1000000xf32, #tpu.memory_space<hbm>>) target(%dma_start3A_752 : memref<256xf32, #tpu.memory_space<vmem>>) offsets(%dma_start3A_757 : memref<256xi32, #tpu.memory_space<vmem>>) semaphore(%arg10 : memref<!tpu.dma_semaphore, #tpu.memory_space<semaphore_mem>>)
        %dma_start3A_762 = arith.constant 1 : i32
        %dma_start3A_763 = arith.constant 1 : i32
        %dma_start3A_764 = arith.constant 0 : i32
        %dma_start3A_765 = tpu.memref_slice %arg6[%dma_start3A_763, %dma_start3A_764] : memref<2x6144xf32, #tpu.memory_space<vmem>> -> memref<1x6144xf32, #tpu.memory_space<vmem>>
        %dma_start3A_766 = tpu.memref_squeeze %dma_start3A_765 : memref<1x6144xf32, #tpu.memory_space<vmem>> -> memref<6144xf32, #tpu.memory_space<vmem>>
        %dma_start3A_767 = arith.constant 2560 : i32
        %dma_start3A_768 = tpu.memref_slice %dma_start3A_766[%dma_start3A_767] : memref<6144xf32, #tpu.memory_space<vmem>> -> memref<256xf32, #tpu.memory_space<vmem>>
        %dma_start3A_769 = arith.constant 0 : i32
        %dma_start3A_770 = tpu.memref_slice %arg5[%dma_start3A_762, %dma_start3A_769] : memref<2x2048xi32, #tpu.memory_space<vmem>> -> memref<1x2048xi32, #tpu.memory_space<vmem>>
        %dma_start3A_771 = tpu.memref_squeeze %dma_start3A_770 : memref<1x2048xi32, #tpu.memory_space<vmem>> -> memref<2048xi32, #tpu.memory_space<vmem>>
        %dma_start3A_772 = arith.constant 512 : i32
        %dma_start3A_773 = tpu.memref_slice %dma_start3A_771[%dma_start3A_772] : memref<2048xi32, #tpu.memory_space<vmem>> -> memref<256xi32, #tpu.memory_space<vmem>>
        %dma_start3A_774 = arith.constant 1000000 : i32
        %dma_start3A_775 = tpu.memref_slice %arg3[%dma_start3A_774] : memref<3000000xf32, #tpu.memory_space<hbm>> -> memref<1000000xf32, #tpu.memory_space<hbm>>
        %dma_start3A_776 = arith.constant 0 : i32
        %dma_start3A_777 = tpu.memref_slice %dma_start3A_775[%dma_start3A_776] : memref<1000000xf32, #tpu.memory_space<hbm>> -> memref<1000000xf32, #tpu.memory_space<hbm>>
        tpu.enqueue_indirect_dma source(%dma_start3A_777 : memref<1000000xf32, #tpu.memory_space<hbm>>) target(%dma_start3A_768 : memref<256xf32, #tpu.memory_space<vmem>>) offsets(%dma_start3A_773 : memref<256xi32, #tpu.memory_space<vmem>>) semaphore(%arg10 : memref<!tpu.dma_semaphore, #tpu.memory_space<semaphore_mem>>)
        %dma_start3A_778 = arith.constant 1 : i32
        %dma_start3A_779 = arith.constant 1 : i32
        %dma_start3A_780 = arith.constant 0 : i32
        %dma_start3A_781 = tpu.memref_slice %arg6[%dma_start3A_779, %dma_start3A_780] : memref<2x6144xf32, #tpu.memory_space<vmem>> -> memref<1x6144xf32, #tpu.memory_space<vmem>>
        %dma_start3A_782 = tpu.memref_squeeze %dma_start3A_781 : memref<1x6144xf32, #tpu.memory_space<vmem>> -> memref<6144xf32, #tpu.memory_space<vmem>>
        %dma_start3A_783 = arith.constant 2816 : i32
        %dma_start3A_784 = tpu.memref_slice %dma_start3A_782[%dma_start3A_783] : memref<6144xf32, #tpu.memory_space<vmem>> -> memref<256xf32, #tpu.memory_space<vmem>>
        %dma_start3A_785 = arith.constant 0 : i32
        %dma_start3A_786 = tpu.memref_slice %arg5[%dma_start3A_778, %dma_start3A_785] : memref<2x2048xi32, #tpu.memory_space<vmem>> -> memref<1x2048xi32, #tpu.memory_space<vmem>>
        %dma_start3A_787 = tpu.memref_squeeze %dma_start3A_786 : memref<1x2048xi32, #tpu.memory_space<vmem>> -> memref<2048xi32, #tpu.memory_space<vmem>>
        %dma_start3A_788 = arith.constant 768 : i32
        %dma_start3A_789 = tpu.memref_slice %dma_start3A_787[%dma_start3A_788] : memref<2048xi32, #tpu.memory_space<vmem>> -> memref<256xi32, #tpu.memory_space<vmem>>
        %dma_start3A_790 = arith.constant 1000000 : i32
        %dma_start3A_791 = tpu.memref_slice %arg3[%dma_start3A_790] : memref<3000000xf32, #tpu.memory_space<hbm>> -> memref<1000000xf32, #tpu.memory_space<hbm>>
        %dma_start3A_792 = arith.constant 0 : i32
        %dma_start3A_793 = tpu.memref_slice %dma_start3A_791[%dma_start3A_792] : memref<1000000xf32, #tpu.memory_space<hbm>> -> memref<1000000xf32, #tpu.memory_space<hbm>>
        tpu.enqueue_indirect_dma source(%dma_start3A_793 : memref<1000000xf32, #tpu.memory_space<hbm>>) target(%dma_start3A_784 : memref<256xf32, #tpu.memory_space<vmem>>) offsets(%dma_start3A_789 : memref<256xi32, #tpu.memory_space<vmem>>) semaphore(%arg10 : memref<!tpu.dma_semaphore, #tpu.memory_space<semaphore_mem>>)
        %dma_start3A_794 = arith.constant 1 : i32
        %dma_start3A_795 = arith.constant 1 : i32
        %dma_start3A_796 = arith.constant 0 : i32
        %dma_start3A_797 = tpu.memref_slice %arg6[%dma_start3A_795, %dma_start3A_796] : memref<2x6144xf32, #tpu.memory_space<vmem>> -> memref<1x6144xf32, #tpu.memory_space<vmem>>
        %dma_start3A_798 = tpu.memref_squeeze %dma_start3A_797 : memref<1x6144xf32, #tpu.memory_space<vmem>> -> memref<6144xf32, #tpu.memory_space<vmem>>
        %dma_start3A_799 = arith.constant 3072 : i32
        %dma_start3A_800 = tpu.memref_slice %dma_start3A_798[%dma_start3A_799] : memref<6144xf32, #tpu.memory_space<vmem>> -> memref<256xf32, #tpu.memory_space<vmem>>
        %dma_start3A_801 = arith.constant 0 : i32
        %dma_start3A_802 = tpu.memref_slice %arg5[%dma_start3A_794, %dma_start3A_801] : memref<2x2048xi32, #tpu.memory_space<vmem>> -> memref<1x2048xi32, #tpu.memory_space<vmem>>
        %dma_start3A_803 = tpu.memref_squeeze %dma_start3A_802 : memref<1x2048xi32, #tpu.memory_space<vmem>> -> memref<2048xi32, #tpu.memory_space<vmem>>
        %dma_start3A_804 = arith.constant 1024 : i32
        %dma_start3A_805 = tpu.memref_slice %dma_start3A_803[%dma_start3A_804] : memref<2048xi32, #tpu.memory_space<vmem>> -> memref<256xi32, #tpu.memory_space<vmem>>
        %dma_start3A_806 = arith.constant 1000000 : i32
        %dma_start3A_807 = tpu.memref_slice %arg3[%dma_start3A_806] : memref<3000000xf32, #tpu.memory_space<hbm>> -> memref<1000000xf32, #tpu.memory_space<hbm>>
        %dma_start3A_808 = arith.constant 0 : i32
        %dma_start3A_809 = tpu.memref_slice %dma_start3A_807[%dma_start3A_808] : memref<1000000xf32, #tpu.memory_space<hbm>> -> memref<1000000xf32, #tpu.memory_space<hbm>>
        tpu.enqueue_indirect_dma source(%dma_start3A_809 : memref<1000000xf32, #tpu.memory_space<hbm>>) target(%dma_start3A_800 : memref<256xf32, #tpu.memory_space<vmem>>) offsets(%dma_start3A_805 : memref<256xi32, #tpu.memory_space<vmem>>) semaphore(%arg10 : memref<!tpu.dma_semaphore, #tpu.memory_space<semaphore_mem>>)
        %dma_start3A_810 = arith.constant 1 : i32
        %dma_start3A_811 = arith.constant 1 : i32
        %dma_start3A_812 = arith.constant 0 : i32
        %dma_start3A_813 = tpu.memref_slice %arg6[%dma_start3A_811, %dma_start3A_812] : memref<2x6144xf32, #tpu.memory_space<vmem>> -> memref<1x6144xf32, #tpu.memory_space<vmem>>
        %dma_start3A_814 = tpu.memref_squeeze %dma_start3A_813 : memref<1x6144xf32, #tpu.memory_space<vmem>> -> memref<6144xf32, #tpu.memory_space<vmem>>
        %dma_start3A_815 = arith.constant 3328 : i32
        %dma_start3A_816 = tpu.memref_slice %dma_start3A_814[%dma_start3A_815] : memref<6144xf32, #tpu.memory_space<vmem>> -> memref<256xf32, #tpu.memory_space<vmem>>
        %dma_start3A_817 = arith.constant 0 : i32
        %dma_start3A_818 = tpu.memref_slice %arg5[%dma_start3A_810, %dma_start3A_817] : memref<2x2048xi32, #tpu.memory_space<vmem>> -> memref<1x2048xi32, #tpu.memory_space<vmem>>
        %dma_start3A_819 = tpu.memref_squeeze %dma_start3A_818 : memref<1x2048xi32, #tpu.memory_space<vmem>> -> memref<2048xi32, #tpu.memory_space<vmem>>
        %dma_start3A_820 = arith.constant 1280 : i32
        %dma_start3A_821 = tpu.memref_slice %dma_start3A_819[%dma_start3A_820] : memref<2048xi32, #tpu.memory_space<vmem>> -> memref<256xi32, #tpu.memory_space<vmem>>
        %dma_start3A_822 = arith.constant 1000000 : i32
        %dma_start3A_823 = tpu.memref_slice %arg3[%dma_start3A_822] : memref<3000000xf32, #tpu.memory_space<hbm>> -> memref<1000000xf32, #tpu.memory_space<hbm>>
        %dma_start3A_824 = arith.constant 0 : i32
        %dma_start3A_825 = tpu.memref_slice %dma_start3A_823[%dma_start3A_824] : memref<1000000xf32, #tpu.memory_space<hbm>> -> memref<1000000xf32, #tpu.memory_space<hbm>>
        tpu.enqueue_indirect_dma source(%dma_start3A_825 : memref<1000000xf32, #tpu.memory_space<hbm>>) target(%dma_start3A_816 : memref<256xf32, #tpu.memory_space<vmem>>) offsets(%dma_start3A_821 : memref<256xi32, #tpu.memory_space<vmem>>) semaphore(%arg10 : memref<!tpu.dma_semaphore, #tpu.memory_space<semaphore_mem>>)
        %dma_start3A_826 = arith.constant 1 : i32
        %dma_start3A_827 = arith.constant 1 : i32
        %dma_start3A_828 = arith.constant 0 : i32
        %dma_start3A_829 = tpu.memref_slice %arg6[%dma_start3A_827, %dma_start3A_828] : memref<2x6144xf32, #tpu.memory_space<vmem>> -> memref<1x6144xf32, #tpu.memory_space<vmem>>
        %dma_start3A_830 = tpu.memref_squeeze %dma_start3A_829 : memref<1x6144xf32, #tpu.memory_space<vmem>> -> memref<6144xf32, #tpu.memory_space<vmem>>
        %dma_start3A_831 = arith.constant 3584 : i32
        %dma_start3A_832 = tpu.memref_slice %dma_start3A_830[%dma_start3A_831] : memref<6144xf32, #tpu.memory_space<vmem>> -> memref<256xf32, #tpu.memory_space<vmem>>
        %dma_start3A_833 = arith.constant 0 : i32
        %dma_start3A_834 = tpu.memref_slice %arg5[%dma_start3A_826, %dma_start3A_833] : memref<2x2048xi32, #tpu.memory_space<vmem>> -> memref<1x2048xi32, #tpu.memory_space<vmem>>
        %dma_start3A_835 = tpu.memref_squeeze %dma_start3A_834 : memref<1x2048xi32, #tpu.memory_space<vmem>> -> memref<2048xi32, #tpu.memory_space<vmem>>
        %dma_start3A_836 = arith.constant 1536 : i32
        %dma_start3A_837 = tpu.memref_slice %dma_start3A_835[%dma_start3A_836] : memref<2048xi32, #tpu.memory_space<vmem>> -> memref<256xi32, #tpu.memory_space<vmem>>
        %dma_start3A_838 = arith.constant 1000000 : i32
        %dma_start3A_839 = tpu.memref_slice %arg3[%dma_start3A_838] : memref<3000000xf32, #tpu.memory_space<hbm>> -> memref<1000000xf32, #tpu.memory_space<hbm>>
        %dma_start3A_840 = arith.constant 0 : i32
        %dma_start3A_841 = tpu.memref_slice %dma_start3A_839[%dma_start3A_840] : memref<1000000xf32, #tpu.memory_space<hbm>> -> memref<1000000xf32, #tpu.memory_space<hbm>>
        tpu.enqueue_indirect_dma source(%dma_start3A_841 : memref<1000000xf32, #tpu.memory_space<hbm>>) target(%dma_start3A_832 : memref<256xf32, #tpu.memory_space<vmem>>) offsets(%dma_start3A_837 : memref<256xi32, #tpu.memory_space<vmem>>) semaphore(%arg10 : memref<!tpu.dma_semaphore, #tpu.memory_space<semaphore_mem>>)
        %dma_start3A_842 = arith.constant 1 : i32
        %dma_start3A_843 = arith.constant 1 : i32
        %dma_start3A_844 = arith.constant 0 : i32
        %dma_start3A_845 = tpu.memref_slice %arg6[%dma_start3A_843, %dma_start3A_844] : memref<2x6144xf32, #tpu.memory_space<vmem>> -> memref<1x6144xf32, #tpu.memory_space<vmem>>
        %dma_start3A_846 = tpu.memref_squeeze %dma_start3A_845 : memref<1x6144xf32, #tpu.memory_space<vmem>> -> memref<6144xf32, #tpu.memory_space<vmem>>
        %dma_start3A_847 = arith.constant 3840 : i32
        %dma_start3A_848 = tpu.memref_slice %dma_start3A_846[%dma_start3A_847] : memref<6144xf32, #tpu.memory_space<vmem>> -> memref<256xf32, #tpu.memory_space<vmem>>
        %dma_start3A_849 = arith.constant 0 : i32
        %dma_start3A_850 = tpu.memref_slice %arg5[%dma_start3A_842, %dma_start3A_849] : memref<2x2048xi32, #tpu.memory_space<vmem>> -> memref<1x2048xi32, #tpu.memory_space<vmem>>
        %dma_start3A_851 = tpu.memref_squeeze %dma_start3A_850 : memref<1x2048xi32, #tpu.memory_space<vmem>> -> memref<2048xi32, #tpu.memory_space<vmem>>
        %dma_start3A_852 = arith.constant 1792 : i32
        %dma_start3A_853 = tpu.memref_slice %dma_start3A_851[%dma_start3A_852] : memref<2048xi32, #tpu.memory_space<vmem>> -> memref<256xi32, #tpu.memory_space<vmem>>
        %dma_start3A_854 = arith.constant 1000000 : i32
        %dma_start3A_855 = tpu.memref_slice %arg3[%dma_start3A_854] : memref<3000000xf32, #tpu.memory_space<hbm>> -> memref<1000000xf32, #tpu.memory_space<hbm>>
        %dma_start3A_856 = arith.constant 0 : i32
        %dma_start3A_857 = tpu.memref_slice %dma_start3A_855[%dma_start3A_856] : memref<1000000xf32, #tpu.memory_space<hbm>> -> memref<1000000xf32, #tpu.memory_space<hbm>>
        tpu.enqueue_indirect_dma source(%dma_start3A_857 : memref<1000000xf32, #tpu.memory_space<hbm>>) target(%dma_start3A_848 : memref<256xf32, #tpu.memory_space<vmem>>) offsets(%dma_start3A_853 : memref<256xi32, #tpu.memory_space<vmem>>) semaphore(%arg10 : memref<!tpu.dma_semaphore, #tpu.memory_space<semaphore_mem>>)
        %dma_start3A_858 = arith.constant 1 : i32
        %dma_start3A_859 = arith.constant 1 : i32
        %dma_start3A_860 = arith.constant 0 : i32
        %dma_start3A_861 = tpu.memref_slice %arg6[%dma_start3A_859, %dma_start3A_860] : memref<2x6144xf32, #tpu.memory_space<vmem>> -> memref<1x6144xf32, #tpu.memory_space<vmem>>
        %dma_start3A_862 = tpu.memref_squeeze %dma_start3A_861 : memref<1x6144xf32, #tpu.memory_space<vmem>> -> memref<6144xf32, #tpu.memory_space<vmem>>
        %dma_start3A_863 = arith.constant 4096 : i32
        %dma_start3A_864 = tpu.memref_slice %dma_start3A_862[%dma_start3A_863] : memref<6144xf32, #tpu.memory_space<vmem>> -> memref<256xf32, #tpu.memory_space<vmem>>
        %dma_start3A_865 = arith.constant 0 : i32
        %dma_start3A_866 = tpu.memref_slice %arg5[%dma_start3A_858, %dma_start3A_865] : memref<2x2048xi32, #tpu.memory_space<vmem>> -> memref<1x2048xi32, #tpu.memory_space<vmem>>
        %dma_start3A_867 = tpu.memref_squeeze %dma_start3A_866 : memref<1x2048xi32, #tpu.memory_space<vmem>> -> memref<2048xi32, #tpu.memory_space<vmem>>
        %dma_start3A_868 = arith.constant 0 : i32
        %dma_start3A_869 = tpu.memref_slice %dma_start3A_867[%dma_start3A_868] : memref<2048xi32, #tpu.memory_space<vmem>> -> memref<256xi32, #tpu.memory_space<vmem>>
        %dma_start3A_870 = arith.constant 2000000 : i32
        %dma_start3A_871 = tpu.memref_slice %arg3[%dma_start3A_870] : memref<3000000xf32, #tpu.memory_space<hbm>> -> memref<1000000xf32, #tpu.memory_space<hbm>>
        %dma_start3A_872 = arith.constant 0 : i32
        %dma_start3A_873 = tpu.memref_slice %dma_start3A_871[%dma_start3A_872] : memref<1000000xf32, #tpu.memory_space<hbm>> -> memref<1000000xf32, #tpu.memory_space<hbm>>
        tpu.enqueue_indirect_dma source(%dma_start3A_873 : memref<1000000xf32, #tpu.memory_space<hbm>>) target(%dma_start3A_864 : memref<256xf32, #tpu.memory_space<vmem>>) offsets(%dma_start3A_869 : memref<256xi32, #tpu.memory_space<vmem>>) semaphore(%arg10 : memref<!tpu.dma_semaphore, #tpu.memory_space<semaphore_mem>>)
        %dma_start3A_874 = arith.constant 1 : i32
        %dma_start3A_875 = arith.constant 1 : i32
        %dma_start3A_876 = arith.constant 0 : i32
        %dma_start3A_877 = tpu.memref_slice %arg6[%dma_start3A_875, %dma_start3A_876] : memref<2x6144xf32, #tpu.memory_space<vmem>> -> memref<1x6144xf32, #tpu.memory_space<vmem>>
        %dma_start3A_878 = tpu.memref_squeeze %dma_start3A_877 : memref<1x6144xf32, #tpu.memory_space<vmem>> -> memref<6144xf32, #tpu.memory_space<vmem>>
        %dma_start3A_879 = arith.constant 4352 : i32
        %dma_start3A_880 = tpu.memref_slice %dma_start3A_878[%dma_start3A_879] : memref<6144xf32, #tpu.memory_space<vmem>> -> memref<256xf32, #tpu.memory_space<vmem>>
        %dma_start3A_881 = arith.constant 0 : i32
        %dma_start3A_882 = tpu.memref_slice %arg5[%dma_start3A_874, %dma_start3A_881] : memref<2x2048xi32, #tpu.memory_space<vmem>> -> memref<1x2048xi32, #tpu.memory_space<vmem>>
        %dma_start3A_883 = tpu.memref_squeeze %dma_start3A_882 : memref<1x2048xi32, #tpu.memory_space<vmem>> -> memref<2048xi32, #tpu.memory_space<vmem>>
        %dma_start3A_884 = arith.constant 256 : i32
        %dma_start3A_885 = tpu.memref_slice %dma_start3A_883[%dma_start3A_884] : memref<2048xi32, #tpu.memory_space<vmem>> -> memref<256xi32, #tpu.memory_space<vmem>>
        %dma_start3A_886 = arith.constant 2000000 : i32
        %dma_start3A_887 = tpu.memref_slice %arg3[%dma_start3A_886] : memref<3000000xf32, #tpu.memory_space<hbm>> -> memref<1000000xf32, #tpu.memory_space<hbm>>
        %dma_start3A_888 = arith.constant 0 : i32
        %dma_start3A_889 = tpu.memref_slice %dma_start3A_887[%dma_start3A_888] : memref<1000000xf32, #tpu.memory_space<hbm>> -> memref<1000000xf32, #tpu.memory_space<hbm>>
        tpu.enqueue_indirect_dma source(%dma_start3A_889 : memref<1000000xf32, #tpu.memory_space<hbm>>) target(%dma_start3A_880 : memref<256xf32, #tpu.memory_space<vmem>>) offsets(%dma_start3A_885 : memref<256xi32, #tpu.memory_space<vmem>>) semaphore(%arg10 : memref<!tpu.dma_semaphore, #tpu.memory_space<semaphore_mem>>)
        %dma_start3A_890 = arith.constant 1 : i32
        %dma_start3A_891 = arith.constant 1 : i32
        %dma_start3A_892 = arith.constant 0 : i32
        %dma_start3A_893 = tpu.memref_slice %arg6[%dma_start3A_891, %dma_start3A_892] : memref<2x6144xf32, #tpu.memory_space<vmem>> -> memref<1x6144xf32, #tpu.memory_space<vmem>>
        %dma_start3A_894 = tpu.memref_squeeze %dma_start3A_893 : memref<1x6144xf32, #tpu.memory_space<vmem>> -> memref<6144xf32, #tpu.memory_space<vmem>>
        %dma_start3A_895 = arith.constant 4608 : i32
        %dma_start3A_896 = tpu.memref_slice %dma_start3A_894[%dma_start3A_895] : memref<6144xf32, #tpu.memory_space<vmem>> -> memref<256xf32, #tpu.memory_space<vmem>>
        %dma_start3A_897 = arith.constant 0 : i32
        %dma_start3A_898 = tpu.memref_slice %arg5[%dma_start3A_890, %dma_start3A_897] : memref<2x2048xi32, #tpu.memory_space<vmem>> -> memref<1x2048xi32, #tpu.memory_space<vmem>>
        %dma_start3A_899 = tpu.memref_squeeze %dma_start3A_898 : memref<1x2048xi32, #tpu.memory_space<vmem>> -> memref<2048xi32, #tpu.memory_space<vmem>>
        %dma_start3A_900 = arith.constant 512 : i32
        %dma_start3A_901 = tpu.memref_slice %dma_start3A_899[%dma_start3A_900] : memref<2048xi32, #tpu.memory_space<vmem>> -> memref<256xi32, #tpu.memory_space<vmem>>
        %dma_start3A_902 = arith.constant 2000000 : i32
        %dma_start3A_903 = tpu.memref_slice %arg3[%dma_start3A_902] : memref<3000000xf32, #tpu.memory_space<hbm>> -> memref<1000000xf32, #tpu.memory_space<hbm>>
        %dma_start3A_904 = arith.constant 0 : i32
        %dma_start3A_905 = tpu.memref_slice %dma_start3A_903[%dma_start3A_904] : memref<1000000xf32, #tpu.memory_space<hbm>> -> memref<1000000xf32, #tpu.memory_space<hbm>>
        tpu.enqueue_indirect_dma source(%dma_start3A_905 : memref<1000000xf32, #tpu.memory_space<hbm>>) target(%dma_start3A_896 : memref<256xf32, #tpu.memory_space<vmem>>) offsets(%dma_start3A_901 : memref<256xi32, #tpu.memory_space<vmem>>) semaphore(%arg10 : memref<!tpu.dma_semaphore, #tpu.memory_space<semaphore_mem>>)
        %dma_start3A_906 = arith.constant 1 : i32
        %dma_start3A_907 = arith.constant 1 : i32
        %dma_start3A_908 = arith.constant 0 : i32
        %dma_start3A_909 = tpu.memref_slice %arg6[%dma_start3A_907, %dma_start3A_908] : memref<2x6144xf32, #tpu.memory_space<vmem>> -> memref<1x6144xf32, #tpu.memory_space<vmem>>
        %dma_start3A_910 = tpu.memref_squeeze %dma_start3A_909 : memref<1x6144xf32, #tpu.memory_space<vmem>> -> memref<6144xf32, #tpu.memory_space<vmem>>
        %dma_start3A_911 = arith.constant 4864 : i32
        %dma_start3A_912 = tpu.memref_slice %dma_start3A_910[%dma_start3A_911] : memref<6144xf32, #tpu.memory_space<vmem>> -> memref<256xf32, #tpu.memory_space<vmem>>
        %dma_start3A_913 = arith.constant 0 : i32
        %dma_start3A_914 = tpu.memref_slice %arg5[%dma_start3A_906, %dma_start3A_913] : memref<2x2048xi32, #tpu.memory_space<vmem>> -> memref<1x2048xi32, #tpu.memory_space<vmem>>
        %dma_start3A_915 = tpu.memref_squeeze %dma_start3A_914 : memref<1x2048xi32, #tpu.memory_space<vmem>> -> memref<2048xi32, #tpu.memory_space<vmem>>
        %dma_start3A_916 = arith.constant 768 : i32
        %dma_start3A_917 = tpu.memref_slice %dma_start3A_915[%dma_start3A_916] : memref<2048xi32, #tpu.memory_space<vmem>> -> memref<256xi32, #tpu.memory_space<vmem>>
        %dma_start3A_918 = arith.constant 2000000 : i32
        %dma_start3A_919 = tpu.memref_slice %arg3[%dma_start3A_918] : memref<3000000xf32, #tpu.memory_space<hbm>> -> memref<1000000xf32, #tpu.memory_space<hbm>>
        %dma_start3A_920 = arith.constant 0 : i32
        %dma_start3A_921 = tpu.memref_slice %dma_start3A_919[%dma_start3A_920] : memref<1000000xf32, #tpu.memory_space<hbm>> -> memref<1000000xf32, #tpu.memory_space<hbm>>
        tpu.enqueue_indirect_dma source(%dma_start3A_921 : memref<1000000xf32, #tpu.memory_space<hbm>>) target(%dma_start3A_912 : memref<256xf32, #tpu.memory_space<vmem>>) offsets(%dma_start3A_917 : memref<256xi32, #tpu.memory_space<vmem>>) semaphore(%arg10 : memref<!tpu.dma_semaphore, #tpu.memory_space<semaphore_mem>>)
        %dma_start3A_922 = arith.constant 1 : i32
        %dma_start3A_923 = arith.constant 1 : i32
        %dma_start3A_924 = arith.constant 0 : i32
        %dma_start3A_925 = tpu.memref_slice %arg6[%dma_start3A_923, %dma_start3A_924] : memref<2x6144xf32, #tpu.memory_space<vmem>> -> memref<1x6144xf32, #tpu.memory_space<vmem>>
        %dma_start3A_926 = tpu.memref_squeeze %dma_start3A_925 : memref<1x6144xf32, #tpu.memory_space<vmem>> -> memref<6144xf32, #tpu.memory_space<vmem>>
        %dma_start3A_927 = arith.constant 5120 : i32
        %dma_start3A_928 = tpu.memref_slice %dma_start3A_926[%dma_start3A_927] : memref<6144xf32, #tpu.memory_space<vmem>> -> memref<256xf32, #tpu.memory_space<vmem>>
        %dma_start3A_929 = arith.constant 0 : i32
        %dma_start3A_930 = tpu.memref_slice %arg5[%dma_start3A_922, %dma_start3A_929] : memref<2x2048xi32, #tpu.memory_space<vmem>> -> memref<1x2048xi32, #tpu.memory_space<vmem>>
        %dma_start3A_931 = tpu.memref_squeeze %dma_start3A_930 : memref<1x2048xi32, #tpu.memory_space<vmem>> -> memref<2048xi32, #tpu.memory_space<vmem>>
        %dma_start3A_932 = arith.constant 1024 : i32
        %dma_start3A_933 = tpu.memref_slice %dma_start3A_931[%dma_start3A_932] : memref<2048xi32, #tpu.memory_space<vmem>> -> memref<256xi32, #tpu.memory_space<vmem>>
        %dma_start3A_934 = arith.constant 2000000 : i32
        %dma_start3A_935 = tpu.memref_slice %arg3[%dma_start3A_934] : memref<3000000xf32, #tpu.memory_space<hbm>> -> memref<1000000xf32, #tpu.memory_space<hbm>>
        %dma_start3A_936 = arith.constant 0 : i32
        %dma_start3A_937 = tpu.memref_slice %dma_start3A_935[%dma_start3A_936] : memref<1000000xf32, #tpu.memory_space<hbm>> -> memref<1000000xf32, #tpu.memory_space<hbm>>
        tpu.enqueue_indirect_dma source(%dma_start3A_937 : memref<1000000xf32, #tpu.memory_space<hbm>>) target(%dma_start3A_928 : memref<256xf32, #tpu.memory_space<vmem>>) offsets(%dma_start3A_933 : memref<256xi32, #tpu.memory_space<vmem>>) semaphore(%arg10 : memref<!tpu.dma_semaphore, #tpu.memory_space<semaphore_mem>>)
        %dma_start3A_938 = arith.constant 1 : i32
        %dma_start3A_939 = arith.constant 1 : i32
        %dma_start3A_940 = arith.constant 0 : i32
        %dma_start3A_941 = tpu.memref_slice %arg6[%dma_start3A_939, %dma_start3A_940] : memref<2x6144xf32, #tpu.memory_space<vmem>> -> memref<1x6144xf32, #tpu.memory_space<vmem>>
        %dma_start3A_942 = tpu.memref_squeeze %dma_start3A_941 : memref<1x6144xf32, #tpu.memory_space<vmem>> -> memref<6144xf32, #tpu.memory_space<vmem>>
        %dma_start3A_943 = arith.constant 5376 : i32
        %dma_start3A_944 = tpu.memref_slice %dma_start3A_942[%dma_start3A_943] : memref<6144xf32, #tpu.memory_space<vmem>> -> memref<256xf32, #tpu.memory_space<vmem>>
        %dma_start3A_945 = arith.constant 0 : i32
        %dma_start3A_946 = tpu.memref_slice %arg5[%dma_start3A_938, %dma_start3A_945] : memref<2x2048xi32, #tpu.memory_space<vmem>> -> memref<1x2048xi32, #tpu.memory_space<vmem>>
        %dma_start3A_947 = tpu.memref_squeeze %dma_start3A_946 : memref<1x2048xi32, #tpu.memory_space<vmem>> -> memref<2048xi32, #tpu.memory_space<vmem>>
        %dma_start3A_948 = arith.constant 1280 : i32
        %dma_start3A_949 = tpu.memref_slice %dma_start3A_947[%dma_start3A_948] : memref<2048xi32, #tpu.memory_space<vmem>> -> memref<256xi32, #tpu.memory_space<vmem>>
        %dma_start3A_950 = arith.constant 2000000 : i32
        %dma_start3A_951 = tpu.memref_slice %arg3[%dma_start3A_950] : memref<3000000xf32, #tpu.memory_space<hbm>> -> memref<1000000xf32, #tpu.memory_space<hbm>>
        %dma_start3A_952 = arith.constant 0 : i32
        %dma_start3A_953 = tpu.memref_slice %dma_start3A_951[%dma_start3A_952] : memref<1000000xf32, #tpu.memory_space<hbm>> -> memref<1000000xf32, #tpu.memory_space<hbm>>
        tpu.enqueue_indirect_dma source(%dma_start3A_953 : memref<1000000xf32, #tpu.memory_space<hbm>>) target(%dma_start3A_944 : memref<256xf32, #tpu.memory_space<vmem>>) offsets(%dma_start3A_949 : memref<256xi32, #tpu.memory_space<vmem>>) semaphore(%arg10 : memref<!tpu.dma_semaphore, #tpu.memory_space<semaphore_mem>>)
        %dma_start3A_954 = arith.constant 1 : i32
        %dma_start3A_955 = arith.constant 1 : i32
        %dma_start3A_956 = arith.constant 0 : i32
        %dma_start3A_957 = tpu.memref_slice %arg6[%dma_start3A_955, %dma_start3A_956] : memref<2x6144xf32, #tpu.memory_space<vmem>> -> memref<1x6144xf32, #tpu.memory_space<vmem>>
        %dma_start3A_958 = tpu.memref_squeeze %dma_start3A_957 : memref<1x6144xf32, #tpu.memory_space<vmem>> -> memref<6144xf32, #tpu.memory_space<vmem>>
        %dma_start3A_959 = arith.constant 5632 : i32
        %dma_start3A_960 = tpu.memref_slice %dma_start3A_958[%dma_start3A_959] : memref<6144xf32, #tpu.memory_space<vmem>> -> memref<256xf32, #tpu.memory_space<vmem>>
        %dma_start3A_961 = arith.constant 0 : i32
        %dma_start3A_962 = tpu.memref_slice %arg5[%dma_start3A_954, %dma_start3A_961] : memref<2x2048xi32, #tpu.memory_space<vmem>> -> memref<1x2048xi32, #tpu.memory_space<vmem>>
        %dma_start3A_963 = tpu.memref_squeeze %dma_start3A_962 : memref<1x2048xi32, #tpu.memory_space<vmem>> -> memref<2048xi32, #tpu.memory_space<vmem>>
        %dma_start3A_964 = arith.constant 1536 : i32
        %dma_start3A_965 = tpu.memref_slice %dma_start3A_963[%dma_start3A_964] : memref<2048xi32, #tpu.memory_space<vmem>> -> memref<256xi32, #tpu.memory_space<vmem>>
        %dma_start3A_966 = arith.constant 2000000 : i32
        %dma_start3A_967 = tpu.memref_slice %arg3[%dma_start3A_966] : memref<3000000xf32, #tpu.memory_space<hbm>> -> memref<1000000xf32, #tpu.memory_space<hbm>>
        %dma_start3A_968 = arith.constant 0 : i32
        %dma_start3A_969 = tpu.memref_slice %dma_start3A_967[%dma_start3A_968] : memref<1000000xf32, #tpu.memory_space<hbm>> -> memref<1000000xf32, #tpu.memory_space<hbm>>
        tpu.enqueue_indirect_dma source(%dma_start3A_969 : memref<1000000xf32, #tpu.memory_space<hbm>>) target(%dma_start3A_960 : memref<256xf32, #tpu.memory_space<vmem>>) offsets(%dma_start3A_965 : memref<256xi32, #tpu.memory_space<vmem>>) semaphore(%arg10 : memref<!tpu.dma_semaphore, #tpu.memory_space<semaphore_mem>>)
        %dma_start3A_970 = arith.constant 1 : i32
        %dma_start3A_971 = arith.constant 1 : i32
        %dma_start3A_972 = arith.constant 0 : i32
        %dma_start3A_973 = tpu.memref_slice %arg6[%dma_start3A_971, %dma_start3A_972] : memref<2x6144xf32, #tpu.memory_space<vmem>> -> memref<1x6144xf32, #tpu.memory_space<vmem>>
        %dma_start3A_974 = tpu.memref_squeeze %dma_start3A_973 : memref<1x6144xf32, #tpu.memory_space<vmem>> -> memref<6144xf32, #tpu.memory_space<vmem>>
        %dma_start3A_975 = arith.constant 5888 : i32
        %dma_start3A_976 = tpu.memref_slice %dma_start3A_974[%dma_start3A_975] : memref<6144xf32, #tpu.memory_space<vmem>> -> memref<256xf32, #tpu.memory_space<vmem>>
        %dma_start3A_977 = arith.constant 0 : i32
        %dma_start3A_978 = tpu.memref_slice %arg5[%dma_start3A_970, %dma_start3A_977] : memref<2x2048xi32, #tpu.memory_space<vmem>> -> memref<1x2048xi32, #tpu.memory_space<vmem>>
        %dma_start3A_979 = tpu.memref_squeeze %dma_start3A_978 : memref<1x2048xi32, #tpu.memory_space<vmem>> -> memref<2048xi32, #tpu.memory_space<vmem>>
        %dma_start3A_980 = arith.constant 1792 : i32
        %dma_start3A_981 = tpu.memref_slice %dma_start3A_979[%dma_start3A_980] : memref<2048xi32, #tpu.memory_space<vmem>> -> memref<256xi32, #tpu.memory_space<vmem>>
        %dma_start3A_982 = arith.constant 2000000 : i32
        %dma_start3A_983 = tpu.memref_slice %arg3[%dma_start3A_982] : memref<3000000xf32, #tpu.memory_space<hbm>> -> memref<1000000xf32, #tpu.memory_space<hbm>>
        %dma_start3A_984 = arith.constant 0 : i32
        %dma_start3A_985 = tpu.memref_slice %dma_start3A_983[%dma_start3A_984] : memref<1000000xf32, #tpu.memory_space<hbm>> -> memref<1000000xf32, #tpu.memory_space<hbm>>
        tpu.enqueue_indirect_dma source(%dma_start3A_985 : memref<1000000xf32, #tpu.memory_space<hbm>>) target(%dma_start3A_976 : memref<256xf32, #tpu.memory_space<vmem>>) offsets(%dma_start3A_981 : memref<256xi32, #tpu.memory_space<vmem>>) semaphore(%arg10 : memref<!tpu.dma_semaphore, #tpu.memory_space<semaphore_mem>>)
      } else {
      }
      %dma_wait3A_452 = arith.constant 0 : i32
      %dma_wait3A_453 = arith.constant 0 : i32
      %dma_wait3A_454 = tpu.memref_slice %arg6[%dma_wait3A_452, %dma_wait3A_453] : memref<2x6144xf32, #tpu.memory_space<vmem>> -> memref<1x6144xf32, #tpu.memory_space<vmem>>
      %dma_wait3A_455 = tpu.memref_squeeze %dma_wait3A_454 : memref<1x6144xf32, #tpu.memory_space<vmem>> -> memref<6144xf32, #tpu.memory_space<vmem>>
      %dma_wait3A_456 = arith.constant 0 : i32
      %dma_wait3A_457 = tpu.memref_slice %arg3[%dma_wait3A_456] : memref<3000000xf32, #tpu.memory_space<hbm>> -> memref<6144xf32, #tpu.memory_space<hbm>>
      %dma_wait3A_458 = arith.constant 0 : i32
      %dma_wait3A_459 = tpu.memref_slice %arg6[%dma_wait3A_452, %dma_wait3A_458] : memref<2x6144xf32, #tpu.memory_space<vmem>> -> memref<1x6144xf32, #tpu.memory_space<vmem>>
      %dma_wait3A_460 = tpu.memref_squeeze %dma_wait3A_459 : memref<1x6144xf32, #tpu.memory_space<vmem>> -> memref<6144xf32, #tpu.memory_space<vmem>>
      %dma_wait3A_461 = arith.constant 0 : i32
      %dma_wait3A_462 = tpu.memref_slice %arg3[%dma_wait3A_461] : memref<3000000xf32, #tpu.memory_space<hbm>> -> memref<6144xf32, #tpu.memory_space<hbm>>
      tpu.wait_dma2 semaphore(%arg9 : memref<!tpu.dma_semaphore, #tpu.memory_space<semaphore_mem>>) src(%dma_wait3A_462 : memref<6144xf32, #tpu.memory_space<hbm>>) dst(%dma_wait3A_460 : memref<6144xf32, #tpu.memory_space<vmem>>)
      %add3A_463 = arith.constant 2 : i32
      %add3A_464 = arith.addi %add3A_440, %add3A_463 : i32
      %le3A = arith.constant 49 : i32
      %le3A_465 = arith.cmpi sle, %add3A_464, %le3A : i32
      %convert_element_type3A_466 = arith.extui %le3A_465 : i1 to i32
      %cond3A_467 = arith.constant 0 : i32
      %cond3A_468 = arith.cmpi ne, %convert_element_type3A_466, %cond3A_467 : i32
      scf.if %cond3A_468 {
        %add3A_602 = arith.constant 2 : i32
        %add3A_603 = arith.addi %add3A_440, %add3A_602 : i32
        %mul3A_604 = arith.constant 2048 : i32
        %mul3A_605 = arith.muli %add3A_603, %mul3A_604 : i32
        %add3A_606 = arith.addi %mul3A_2, %mul3A_605 : i32
        %dma_start3A_607 = arith.constant 0 : i32
        %dma_start3A_608 = arith.constant 0 : i32
        %dma_start3A_609 = tpu.memref_slice %arg5[%dma_start3A_607, %dma_start3A_608] : memref<2x2048xi32, #tpu.memory_space<vmem>> -> memref<1x2048xi32, #tpu.memory_space<vmem>>
        %dma_start3A_610 = tpu.memref_squeeze %dma_start3A_609 : memref<1x2048xi32, #tpu.memory_space<vmem>> -> memref<2048xi32, #tpu.memory_space<vmem>>
        %dma_start3A_611 = tpu.memref_slice %arg2[%add3A_606] : memref<3276800xi32, #tpu.memory_space<hbm>> -> memref<2048xi32, #tpu.memory_space<hbm>>
        %dma_start3A_612 = arith.constant 0 : i32
        %dma_start3A_613 = tpu.memref_slice %arg5[%dma_start3A_607, %dma_start3A_612] : memref<2x2048xi32, #tpu.memory_space<vmem>> -> memref<1x2048xi32, #tpu.memory_space<vmem>>
        %dma_start3A_614 = tpu.memref_squeeze %dma_start3A_613 : memref<1x2048xi32, #tpu.memory_space<vmem>> -> memref<2048xi32, #tpu.memory_space<vmem>>
        %dma_start3A_615 = tpu.memref_slice %arg2[%add3A_606] : memref<3276800xi32, #tpu.memory_space<hbm>> -> memref<2048xi32, #tpu.memory_space<hbm>>
        tpu.enqueue_dma source(%dma_start3A_615 : memref<2048xi32, #tpu.memory_space<hbm>>) target(%dma_start3A_614 : memref<2048xi32, #tpu.memory_space<vmem>>) target_semaphore(%arg7 : memref<!tpu.dma_semaphore, #tpu.memory_space<semaphore_mem>>)
      } else {
      }
      %mul3A_469 = arith.constant 2048 : i32
      %mul3A_470 = arith.muli %add3A_440, %mul3A_469 : i32
      %add3A_471 = arith.addi %mul3A_2, %mul3A_470 : i32
      %add3A_472 = arith.constant 0 : i32
      %add3A_473 = arith.addi %add3A_472, %add3A_471 : i32
      %dma_start3A_474 = arith.constant 0 : i32
      %dma_start3A_475 = arith.constant 0 : i32
      %dma_start3A_476 = tpu.memref_slice %arg6[%dma_start3A_474, %dma_start3A_475] : memref<2x6144xf32, #tpu.memory_space<vmem>> -> memref<1x6144xf32, #tpu.memory_space<vmem>>
      %dma_start3A_477 = tpu.memref_squeeze %dma_start3A_476 : memref<1x6144xf32, #tpu.memory_space<vmem>> -> memref<6144xf32, #tpu.memory_space<vmem>>
      %dma_start3A_478 = arith.constant 0 : i32
      %dma_start3A_479 = tpu.memref_slice %dma_start3A_477[%dma_start3A_478] : memref<6144xf32, #tpu.memory_space<vmem>> -> memref<2048xf32, #tpu.memory_space<vmem>>
      %dma_start3A_480 = tpu.memref_slice %arg4[%add3A_473] : memref<9830400xf32, #tpu.memory_space<hbm>> -> memref<2048xf32, #tpu.memory_space<hbm>>
      %dma_start3A_481 = tpu.memref_slice %arg4[%add3A_473] : memref<9830400xf32, #tpu.memory_space<hbm>> -> memref<2048xf32, #tpu.memory_space<hbm>>
      %dma_start3A_482 = arith.constant 0 : i32
      %dma_start3A_483 = tpu.memref_slice %arg6[%dma_start3A_474, %dma_start3A_482] : memref<2x6144xf32, #tpu.memory_space<vmem>> -> memref<1x6144xf32, #tpu.memory_space<vmem>>
      %dma_start3A_484 = tpu.memref_squeeze %dma_start3A_483 : memref<1x6144xf32, #tpu.memory_space<vmem>> -> memref<6144xf32, #tpu.memory_space<vmem>>
      %dma_start3A_485 = arith.constant 0 : i32
      %dma_start3A_486 = tpu.memref_slice %dma_start3A_484[%dma_start3A_485] : memref<6144xf32, #tpu.memory_space<vmem>> -> memref<2048xf32, #tpu.memory_space<vmem>>
      tpu.enqueue_dma source(%dma_start3A_486 : memref<2048xf32, #tpu.memory_space<vmem>>) target(%dma_start3A_481 : memref<2048xf32, #tpu.memory_space<hbm>>) target_semaphore(%arg11 : memref<!tpu.dma_semaphore, #tpu.memory_space<semaphore_mem>>)
      %add3A_487 = arith.constant 3276800 : i32
      %add3A_488 = arith.addi %add3A_487, %add3A_471 : i32
      %dma_start3A_489 = arith.constant 0 : i32
      %dma_start3A_490 = arith.constant 0 : i32
      %dma_start3A_491 = tpu.memref_slice %arg6[%dma_start3A_489, %dma_start3A_490] : memref<2x6144xf32, #tpu.memory_space<vmem>> -> memref<1x6144xf32, #tpu.memory_space<vmem>>
      %dma_start3A_492 = tpu.memref_squeeze %dma_start3A_491 : memref<1x6144xf32, #tpu.memory_space<vmem>> -> memref<6144xf32, #tpu.memory_space<vmem>>
      %dma_start3A_493 = arith.constant 2048 : i32
      %dma_start3A_494 = tpu.memref_slice %dma_start3A_492[%dma_start3A_493] : memref<6144xf32, #tpu.memory_space<vmem>> -> memref<2048xf32, #tpu.memory_space<vmem>>
      %dma_start3A_495 = tpu.memref_slice %arg4[%add3A_488] : memref<9830400xf32, #tpu.memory_space<hbm>> -> memref<2048xf32, #tpu.memory_space<hbm>>
      %dma_start3A_496 = tpu.memref_slice %arg4[%add3A_488] : memref<9830400xf32, #tpu.memory_space<hbm>> -> memref<2048xf32, #tpu.memory_space<hbm>>
      %dma_start3A_497 = arith.constant 0 : i32
      %dma_start3A_498 = tpu.memref_slice %arg6[%dma_start3A_489, %dma_start3A_497] : memref<2x6144xf32, #tpu.memory_space<vmem>> -> memref<1x6144xf32, #tpu.memory_space<vmem>>
      %dma_start3A_499 = tpu.memref_squeeze %dma_start3A_498 : memref<1x6144xf32, #tpu.memory_space<vmem>> -> memref<6144xf32, #tpu.memory_space<vmem>>
      %dma_start3A_500 = arith.constant 2048 : i32
      %dma_start3A_501 = tpu.memref_slice %dma_start3A_499[%dma_start3A_500] : memref<6144xf32, #tpu.memory_space<vmem>> -> memref<2048xf32, #tpu.memory_space<vmem>>
      tpu.enqueue_dma source(%dma_start3A_501 : memref<2048xf32, #tpu.memory_space<vmem>>) target(%dma_start3A_496 : memref<2048xf32, #tpu.memory_space<hbm>>) target_semaphore(%arg11 : memref<!tpu.dma_semaphore, #tpu.memory_space<semaphore_mem>>)
      %add3A_502 = arith.constant 6553600 : i32
      %add3A_503 = arith.addi %add3A_502, %add3A_471 : i32
      %dma_start3A_504 = arith.constant 0 : i32
      %dma_start3A_505 = arith.constant 0 : i32
      %dma_start3A_506 = tpu.memref_slice %arg6[%dma_start3A_504, %dma_start3A_505] : memref<2x6144xf32, #tpu.memory_space<vmem>> -> memref<1x6144xf32, #tpu.memory_space<vmem>>
      %dma_start3A_507 = tpu.memref_squeeze %dma_start3A_506 : memref<1x6144xf32, #tpu.memory_space<vmem>> -> memref<6144xf32, #tpu.memory_space<vmem>>
      %dma_start3A_508 = arith.constant 4096 : i32
      %dma_start3A_509 = tpu.memref_slice %dma_start3A_507[%dma_start3A_508] : memref<6144xf32, #tpu.memory_space<vmem>> -> memref<2048xf32, #tpu.memory_space<vmem>>
      %dma_start3A_510 = tpu.memref_slice %arg4[%add3A_503] : memref<9830400xf32, #tpu.memory_space<hbm>> -> memref<2048xf32, #tpu.memory_space<hbm>>
      %dma_start3A_511 = tpu.memref_slice %arg4[%add3A_503] : memref<9830400xf32, #tpu.memory_space<hbm>> -> memref<2048xf32, #tpu.memory_space<hbm>>
      %dma_start3A_512 = arith.constant 0 : i32
      %dma_start3A_513 = tpu.memref_slice %arg6[%dma_start3A_504, %dma_start3A_512] : memref<2x6144xf32, #tpu.memory_space<vmem>> -> memref<1x6144xf32, #tpu.memory_space<vmem>>
      %dma_start3A_514 = tpu.memref_squeeze %dma_start3A_513 : memref<1x6144xf32, #tpu.memory_space<vmem>> -> memref<6144xf32, #tpu.memory_space<vmem>>
      %dma_start3A_515 = arith.constant 4096 : i32
      %dma_start3A_516 = tpu.memref_slice %dma_start3A_514[%dma_start3A_515] : memref<6144xf32, #tpu.memory_space<vmem>> -> memref<2048xf32, #tpu.memory_space<vmem>>
      tpu.enqueue_dma source(%dma_start3A_516 : memref<2048xf32, #tpu.memory_space<vmem>>) target(%dma_start3A_511 : memref<2048xf32, #tpu.memory_space<hbm>>) target_semaphore(%arg11 : memref<!tpu.dma_semaphore, #tpu.memory_space<semaphore_mem>>)
      %mul3A_517 = arith.constant 2 : i32
      %mul3A_518 = arith.muli %scan3A_436, %mul3A_517 : i32
      %add3A_519 = arith.constant 1 : i32
      %add3A_520 = arith.addi %mul3A_518, %add3A_519 : i32
      %lt3A_521 = arith.constant 49 : i32
      %lt3A_522 = arith.cmpi slt, %add3A_520, %lt3A_521 : i32
      %convert_element_type3A_523 = arith.extui %lt3A_522 : i1 to i32
      %cond3A_524 = arith.constant 0 : i32
      %cond3A_525 = arith.cmpi ne, %convert_element_type3A_523, %cond3A_524 : i32
      scf.if %cond3A_525 {
        %dma_wait3A_602 = arith.constant 0 : i32
        %dma_wait3A_603 = arith.constant 0 : i32
        %dma_wait3A_604 = tpu.memref_slice %arg5[%dma_wait3A_602, %dma_wait3A_603] : memref<2x2048xi32, #tpu.memory_space<vmem>> -> memref<1x2048xi32, #tpu.memory_space<vmem>>
        %dma_wait3A_605 = tpu.memref_squeeze %dma_wait3A_604 : memref<1x2048xi32, #tpu.memory_space<vmem>> -> memref<2048xi32, #tpu.memory_space<vmem>>
        %dma_wait3A_606 = tpu.memref_slice %arg2[%mul3A_2] : memref<3276800xi32, #tpu.memory_space<hbm>> -> memref<2048xi32, #tpu.memory_space<hbm>>
        %dma_wait3A_607 = arith.constant 0 : i32
        %dma_wait3A_608 = tpu.memref_slice %arg5[%dma_wait3A_602, %dma_wait3A_607] : memref<2x2048xi32, #tpu.memory_space<vmem>> -> memref<1x2048xi32, #tpu.memory_space<vmem>>
        %dma_wait3A_609 = tpu.memref_squeeze %dma_wait3A_608 : memref<1x2048xi32, #tpu.memory_space<vmem>> -> memref<2048xi32, #tpu.memory_space<vmem>>
        %dma_wait3A_610 = tpu.memref_slice %arg2[%mul3A_2] : memref<3276800xi32, #tpu.memory_space<hbm>> -> memref<2048xi32, #tpu.memory_space<hbm>>
        tpu.wait_dma2 semaphore(%arg7 : memref<!tpu.dma_semaphore, #tpu.memory_space<semaphore_mem>>) src(%dma_wait3A_610 : memref<2048xi32, #tpu.memory_space<hbm>>) dst(%dma_wait3A_609 : memref<2048xi32, #tpu.memory_space<vmem>>)
      } else {
      }
      %ge3A_526 = arith.constant 1 : i32
      %ge3A_527 = arith.cmpi sge, %add3A_520, %ge3A_526 : i32
      %convert_element_type3A_528 = arith.extui %ge3A_527 : i1 to i32
      %cond3A_529 = arith.constant 0 : i32
      %cond3A_530 = arith.cmpi ne, %convert_element_type3A_528, %cond3A_529 : i32
      scf.if %cond3A_530 {
        %mul3A_602 = arith.constant 3 : i32
        %mul3A_603 = arith.muli %mul3A_2, %mul3A_602 : i32
        %dma_wait3A_604 = arith.constant 0 : i32
        %dma_wait3A_605 = arith.constant 0 : i32
        %dma_wait3A_606 = tpu.memref_slice %arg6[%dma_wait3A_604, %dma_wait3A_605] : memref<2x6144xf32, #tpu.memory_space<vmem>> -> memref<1x6144xf32, #tpu.memory_space<vmem>>
        %dma_wait3A_607 = tpu.memref_squeeze %dma_wait3A_606 : memref<1x6144xf32, #tpu.memory_space<vmem>> -> memref<6144xf32, #tpu.memory_space<vmem>>
        %dma_wait3A_608 = tpu.memref_slice %arg4[%mul3A_603] : memref<9830400xf32, #tpu.memory_space<hbm>> -> memref<6144xf32, #tpu.memory_space<hbm>>
        %dma_wait3A_609 = tpu.memref_slice %arg4[%mul3A_603] : memref<9830400xf32, #tpu.memory_space<hbm>> -> memref<6144xf32, #tpu.memory_space<hbm>>
        %dma_wait3A_610 = arith.constant 0 : i32
        %dma_wait3A_611 = tpu.memref_slice %arg6[%dma_wait3A_604, %dma_wait3A_610] : memref<2x6144xf32, #tpu.memory_space<vmem>> -> memref<1x6144xf32, #tpu.memory_space<vmem>>
        %dma_wait3A_612 = tpu.memref_squeeze %dma_wait3A_611 : memref<1x6144xf32, #tpu.memory_space<vmem>> -> memref<6144xf32, #tpu.memory_space<vmem>>
        tpu.wait_dma2 semaphore(%arg11 : memref<!tpu.dma_semaphore, #tpu.memory_space<semaphore_mem>>) src(%dma_wait3A_612 : memref<6144xf32, #tpu.memory_space<vmem>>) dst(%dma_wait3A_609 : memref<6144xf32, #tpu.memory_space<hbm>>)
      } else {
      }
      %lt3A_531 = arith.constant 49 : i32
      %lt3A_532 = arith.cmpi slt, %add3A_520, %lt3A_531 : i32
      %convert_element_type3A_533 = arith.extui %lt3A_532 : i1 to i32
      %cond3A_534 = arith.constant 0 : i32
      %cond3A_535 = arith.cmpi ne, %convert_element_type3A_533, %cond3A_534 : i32
      scf.if %cond3A_535 {
        %dma_start3A_602 = arith.constant 0 : i32
        %dma_start3A_603 = arith.constant 0 : i32
        %dma_start3A_604 = arith.constant 0 : i32
        %dma_start3A_605 = tpu.memref_slice %arg6[%dma_start3A_603, %dma_start3A_604] : memref<2x6144xf32, #tpu.memory_space<vmem>> -> memref<1x6144xf32, #tpu.memory_space<vmem>>
        %dma_start3A_606 = tpu.memref_squeeze %dma_start3A_605 : memref<1x6144xf32, #tpu.memory_space<vmem>> -> memref<6144xf32, #tpu.memory_space<vmem>>
        %dma_start3A_607 = arith.constant 0 : i32
        %dma_start3A_608 = tpu.memref_slice %dma_start3A_606[%dma_start3A_607] : memref<6144xf32, #tpu.memory_space<vmem>> -> memref<256xf32, #tpu.memory_space<vmem>>
        %dma_start3A_609 = arith.constant 0 : i32
        %dma_start3A_610 = tpu.memref_slice %arg5[%dma_start3A_602, %dma_start3A_609] : memref<2x2048xi32, #tpu.memory_space<vmem>> -> memref<1x2048xi32, #tpu.memory_space<vmem>>
        %dma_start3A_611 = tpu.memref_squeeze %dma_start3A_610 : memref<1x2048xi32, #tpu.memory_space<vmem>> -> memref<2048xi32, #tpu.memory_space<vmem>>
        %dma_start3A_612 = arith.constant 0 : i32
        %dma_start3A_613 = tpu.memref_slice %dma_start3A_611[%dma_start3A_612] : memref<2048xi32, #tpu.memory_space<vmem>> -> memref<256xi32, #tpu.memory_space<vmem>>
        %dma_start3A_614 = arith.constant 0 : i32
        %dma_start3A_615 = tpu.memref_slice %arg3[%dma_start3A_614] : memref<3000000xf32, #tpu.memory_space<hbm>> -> memref<1000000xf32, #tpu.memory_space<hbm>>
        %dma_start3A_616 = arith.constant 0 : i32
        %dma_start3A_617 = tpu.memref_slice %dma_start3A_615[%dma_start3A_616] : memref<1000000xf32, #tpu.memory_space<hbm>> -> memref<1000000xf32, #tpu.memory_space<hbm>>
        tpu.enqueue_indirect_dma source(%dma_start3A_617 : memref<1000000xf32, #tpu.memory_space<hbm>>) target(%dma_start3A_608 : memref<256xf32, #tpu.memory_space<vmem>>) offsets(%dma_start3A_613 : memref<256xi32, #tpu.memory_space<vmem>>) semaphore(%arg9 : memref<!tpu.dma_semaphore, #tpu.memory_space<semaphore_mem>>)
        %dma_start3A_618 = arith.constant 0 : i32
        %dma_start3A_619 = arith.constant 0 : i32
        %dma_start3A_620 = arith.constant 0 : i32
        %dma_start3A_621 = tpu.memref_slice %arg6[%dma_start3A_619, %dma_start3A_620] : memref<2x6144xf32, #tpu.memory_space<vmem>> -> memref<1x6144xf32, #tpu.memory_space<vmem>>
        %dma_start3A_622 = tpu.memref_squeeze %dma_start3A_621 : memref<1x6144xf32, #tpu.memory_space<vmem>> -> memref<6144xf32, #tpu.memory_space<vmem>>
        %dma_start3A_623 = arith.constant 256 : i32
        %dma_start3A_624 = tpu.memref_slice %dma_start3A_622[%dma_start3A_623] : memref<6144xf32, #tpu.memory_space<vmem>> -> memref<256xf32, #tpu.memory_space<vmem>>
        %dma_start3A_625 = arith.constant 0 : i32
        %dma_start3A_626 = tpu.memref_slice %arg5[%dma_start3A_618, %dma_start3A_625] : memref<2x2048xi32, #tpu.memory_space<vmem>> -> memref<1x2048xi32, #tpu.memory_space<vmem>>
        %dma_start3A_627 = tpu.memref_squeeze %dma_start3A_626 : memref<1x2048xi32, #tpu.memory_space<vmem>> -> memref<2048xi32, #tpu.memory_space<vmem>>
        %dma_start3A_628 = arith.constant 256 : i32
        %dma_start3A_629 = tpu.memref_slice %dma_start3A_627[%dma_start3A_628] : memref<2048xi32, #tpu.memory_space<vmem>> -> memref<256xi32, #tpu.memory_space<vmem>>
        %dma_start3A_630 = arith.constant 0 : i32
        %dma_start3A_631 = tpu.memref_slice %arg3[%dma_start3A_630] : memref<3000000xf32, #tpu.memory_space<hbm>> -> memref<1000000xf32, #tpu.memory_space<hbm>>
        %dma_start3A_632 = arith.constant 0 : i32
        %dma_start3A_633 = tpu.memref_slice %dma_start3A_631[%dma_start3A_632] : memref<1000000xf32, #tpu.memory_space<hbm>> -> memref<1000000xf32, #tpu.memory_space<hbm>>
        tpu.enqueue_indirect_dma source(%dma_start3A_633 : memref<1000000xf32, #tpu.memory_space<hbm>>) target(%dma_start3A_624 : memref<256xf32, #tpu.memory_space<vmem>>) offsets(%dma_start3A_629 : memref<256xi32, #tpu.memory_space<vmem>>) semaphore(%arg9 : memref<!tpu.dma_semaphore, #tpu.memory_space<semaphore_mem>>)
        %dma_start3A_634 = arith.constant 0 : i32
        %dma_start3A_635 = arith.constant 0 : i32
        %dma_start3A_636 = arith.constant 0 : i32
        %dma_start3A_637 = tpu.memref_slice %arg6[%dma_start3A_635, %dma_start3A_636] : memref<2x6144xf32, #tpu.memory_space<vmem>> -> memref<1x6144xf32, #tpu.memory_space<vmem>>
        %dma_start3A_638 = tpu.memref_squeeze %dma_start3A_637 : memref<1x6144xf32, #tpu.memory_space<vmem>> -> memref<6144xf32, #tpu.memory_space<vmem>>
        %dma_start3A_639 = arith.constant 512 : i32
        %dma_start3A_640 = tpu.memref_slice %dma_start3A_638[%dma_start3A_639] : memref<6144xf32, #tpu.memory_space<vmem>> -> memref<256xf32, #tpu.memory_space<vmem>>
        %dma_start3A_641 = arith.constant 0 : i32
        %dma_start3A_642 = tpu.memref_slice %arg5[%dma_start3A_634, %dma_start3A_641] : memref<2x2048xi32, #tpu.memory_space<vmem>> -> memref<1x2048xi32, #tpu.memory_space<vmem>>
        %dma_start3A_643 = tpu.memref_squeeze %dma_start3A_642 : memref<1x2048xi32, #tpu.memory_space<vmem>> -> memref<2048xi32, #tpu.memory_space<vmem>>
        %dma_start3A_644 = arith.constant 512 : i32
        %dma_start3A_645 = tpu.memref_slice %dma_start3A_643[%dma_start3A_644] : memref<2048xi32, #tpu.memory_space<vmem>> -> memref<256xi32, #tpu.memory_space<vmem>>
        %dma_start3A_646 = arith.constant 0 : i32
        %dma_start3A_647 = tpu.memref_slice %arg3[%dma_start3A_646] : memref<3000000xf32, #tpu.memory_space<hbm>> -> memref<1000000xf32, #tpu.memory_space<hbm>>
        %dma_start3A_648 = arith.constant 0 : i32
        %dma_start3A_649 = tpu.memref_slice %dma_start3A_647[%dma_start3A_648] : memref<1000000xf32, #tpu.memory_space<hbm>> -> memref<1000000xf32, #tpu.memory_space<hbm>>
        tpu.enqueue_indirect_dma source(%dma_start3A_649 : memref<1000000xf32, #tpu.memory_space<hbm>>) target(%dma_start3A_640 : memref<256xf32, #tpu.memory_space<vmem>>) offsets(%dma_start3A_645 : memref<256xi32, #tpu.memory_space<vmem>>) semaphore(%arg9 : memref<!tpu.dma_semaphore, #tpu.memory_space<semaphore_mem>>)
        %dma_start3A_650 = arith.constant 0 : i32
        %dma_start3A_651 = arith.constant 0 : i32
        %dma_start3A_652 = arith.constant 0 : i32
        %dma_start3A_653 = tpu.memref_slice %arg6[%dma_start3A_651, %dma_start3A_652] : memref<2x6144xf32, #tpu.memory_space<vmem>> -> memref<1x6144xf32, #tpu.memory_space<vmem>>
        %dma_start3A_654 = tpu.memref_squeeze %dma_start3A_653 : memref<1x6144xf32, #tpu.memory_space<vmem>> -> memref<6144xf32, #tpu.memory_space<vmem>>
        %dma_start3A_655 = arith.constant 768 : i32
        %dma_start3A_656 = tpu.memref_slice %dma_start3A_654[%dma_start3A_655] : memref<6144xf32, #tpu.memory_space<vmem>> -> memref<256xf32, #tpu.memory_space<vmem>>
        %dma_start3A_657 = arith.constant 0 : i32
        %dma_start3A_658 = tpu.memref_slice %arg5[%dma_start3A_650, %dma_start3A_657] : memref<2x2048xi32, #tpu.memory_space<vmem>> -> memref<1x2048xi32, #tpu.memory_space<vmem>>
        %dma_start3A_659 = tpu.memref_squeeze %dma_start3A_658 : memref<1x2048xi32, #tpu.memory_space<vmem>> -> memref<2048xi32, #tpu.memory_space<vmem>>
        %dma_start3A_660 = arith.constant 768 : i32
        %dma_start3A_661 = tpu.memref_slice %dma_start3A_659[%dma_start3A_660] : memref<2048xi32, #tpu.memory_space<vmem>> -> memref<256xi32, #tpu.memory_space<vmem>>
        %dma_start3A_662 = arith.constant 0 : i32
        %dma_start3A_663 = tpu.memref_slice %arg3[%dma_start3A_662] : memref<3000000xf32, #tpu.memory_space<hbm>> -> memref<1000000xf32, #tpu.memory_space<hbm>>
        %dma_start3A_664 = arith.constant 0 : i32
        %dma_start3A_665 = tpu.memref_slice %dma_start3A_663[%dma_start3A_664] : memref<1000000xf32, #tpu.memory_space<hbm>> -> memref<1000000xf32, #tpu.memory_space<hbm>>
        tpu.enqueue_indirect_dma source(%dma_start3A_665 : memref<1000000xf32, #tpu.memory_space<hbm>>) target(%dma_start3A_656 : memref<256xf32, #tpu.memory_space<vmem>>) offsets(%dma_start3A_661 : memref<256xi32, #tpu.memory_space<vmem>>) semaphore(%arg9 : memref<!tpu.dma_semaphore, #tpu.memory_space<semaphore_mem>>)
        %dma_start3A_666 = arith.constant 0 : i32
        %dma_start3A_667 = arith.constant 0 : i32
        %dma_start3A_668 = arith.constant 0 : i32
        %dma_start3A_669 = tpu.memref_slice %arg6[%dma_start3A_667, %dma_start3A_668] : memref<2x6144xf32, #tpu.memory_space<vmem>> -> memref<1x6144xf32, #tpu.memory_space<vmem>>
        %dma_start3A_670 = tpu.memref_squeeze %dma_start3A_669 : memref<1x6144xf32, #tpu.memory_space<vmem>> -> memref<6144xf32, #tpu.memory_space<vmem>>
        %dma_start3A_671 = arith.constant 1024 : i32
        %dma_start3A_672 = tpu.memref_slice %dma_start3A_670[%dma_start3A_671] : memref<6144xf32, #tpu.memory_space<vmem>> -> memref<256xf32, #tpu.memory_space<vmem>>
        %dma_start3A_673 = arith.constant 0 : i32
        %dma_start3A_674 = tpu.memref_slice %arg5[%dma_start3A_666, %dma_start3A_673] : memref<2x2048xi32, #tpu.memory_space<vmem>> -> memref<1x2048xi32, #tpu.memory_space<vmem>>
        %dma_start3A_675 = tpu.memref_squeeze %dma_start3A_674 : memref<1x2048xi32, #tpu.memory_space<vmem>> -> memref<2048xi32, #tpu.memory_space<vmem>>
        %dma_start3A_676 = arith.constant 1024 : i32
        %dma_start3A_677 = tpu.memref_slice %dma_start3A_675[%dma_start3A_676] : memref<2048xi32, #tpu.memory_space<vmem>> -> memref<256xi32, #tpu.memory_space<vmem>>
        %dma_start3A_678 = arith.constant 0 : i32
        %dma_start3A_679 = tpu.memref_slice %arg3[%dma_start3A_678] : memref<3000000xf32, #tpu.memory_space<hbm>> -> memref<1000000xf32, #tpu.memory_space<hbm>>
        %dma_start3A_680 = arith.constant 0 : i32
        %dma_start3A_681 = tpu.memref_slice %dma_start3A_679[%dma_start3A_680] : memref<1000000xf32, #tpu.memory_space<hbm>> -> memref<1000000xf32, #tpu.memory_space<hbm>>
        tpu.enqueue_indirect_dma source(%dma_start3A_681 : memref<1000000xf32, #tpu.memory_space<hbm>>) target(%dma_start3A_672 : memref<256xf32, #tpu.memory_space<vmem>>) offsets(%dma_start3A_677 : memref<256xi32, #tpu.memory_space<vmem>>) semaphore(%arg9 : memref<!tpu.dma_semaphore, #tpu.memory_space<semaphore_mem>>)
        %dma_start3A_682 = arith.constant 0 : i32
        %dma_start3A_683 = arith.constant 0 : i32
        %dma_start3A_684 = arith.constant 0 : i32
        %dma_start3A_685 = tpu.memref_slice %arg6[%dma_start3A_683, %dma_start3A_684] : memref<2x6144xf32, #tpu.memory_space<vmem>> -> memref<1x6144xf32, #tpu.memory_space<vmem>>
        %dma_start3A_686 = tpu.memref_squeeze %dma_start3A_685 : memref<1x6144xf32, #tpu.memory_space<vmem>> -> memref<6144xf32, #tpu.memory_space<vmem>>
        %dma_start3A_687 = arith.constant 1280 : i32
        %dma_start3A_688 = tpu.memref_slice %dma_start3A_686[%dma_start3A_687] : memref<6144xf32, #tpu.memory_space<vmem>> -> memref<256xf32, #tpu.memory_space<vmem>>
        %dma_start3A_689 = arith.constant 0 : i32
        %dma_start3A_690 = tpu.memref_slice %arg5[%dma_start3A_682, %dma_start3A_689] : memref<2x2048xi32, #tpu.memory_space<vmem>> -> memref<1x2048xi32, #tpu.memory_space<vmem>>
        %dma_start3A_691 = tpu.memref_squeeze %dma_start3A_690 : memref<1x2048xi32, #tpu.memory_space<vmem>> -> memref<2048xi32, #tpu.memory_space<vmem>>
        %dma_start3A_692 = arith.constant 1280 : i32
        %dma_start3A_693 = tpu.memref_slice %dma_start3A_691[%dma_start3A_692] : memref<2048xi32, #tpu.memory_space<vmem>> -> memref<256xi32, #tpu.memory_space<vmem>>
        %dma_start3A_694 = arith.constant 0 : i32
        %dma_start3A_695 = tpu.memref_slice %arg3[%dma_start3A_694] : memref<3000000xf32, #tpu.memory_space<hbm>> -> memref<1000000xf32, #tpu.memory_space<hbm>>
        %dma_start3A_696 = arith.constant 0 : i32
        %dma_start3A_697 = tpu.memref_slice %dma_start3A_695[%dma_start3A_696] : memref<1000000xf32, #tpu.memory_space<hbm>> -> memref<1000000xf32, #tpu.memory_space<hbm>>
        tpu.enqueue_indirect_dma source(%dma_start3A_697 : memref<1000000xf32, #tpu.memory_space<hbm>>) target(%dma_start3A_688 : memref<256xf32, #tpu.memory_space<vmem>>) offsets(%dma_start3A_693 : memref<256xi32, #tpu.memory_space<vmem>>) semaphore(%arg9 : memref<!tpu.dma_semaphore, #tpu.memory_space<semaphore_mem>>)
        %dma_start3A_698 = arith.constant 0 : i32
        %dma_start3A_699 = arith.constant 0 : i32
        %dma_start3A_700 = arith.constant 0 : i32
        %dma_start3A_701 = tpu.memref_slice %arg6[%dma_start3A_699, %dma_start3A_700] : memref<2x6144xf32, #tpu.memory_space<vmem>> -> memref<1x6144xf32, #tpu.memory_space<vmem>>
        %dma_start3A_702 = tpu.memref_squeeze %dma_start3A_701 : memref<1x6144xf32, #tpu.memory_space<vmem>> -> memref<6144xf32, #tpu.memory_space<vmem>>
        %dma_start3A_703 = arith.constant 1536 : i32
        %dma_start3A_704 = tpu.memref_slice %dma_start3A_702[%dma_start3A_703] : memref<6144xf32, #tpu.memory_space<vmem>> -> memref<256xf32, #tpu.memory_space<vmem>>
        %dma_start3A_705 = arith.constant 0 : i32
        %dma_start3A_706 = tpu.memref_slice %arg5[%dma_start3A_698, %dma_start3A_705] : memref<2x2048xi32, #tpu.memory_space<vmem>> -> memref<1x2048xi32, #tpu.memory_space<vmem>>
        %dma_start3A_707 = tpu.memref_squeeze %dma_start3A_706 : memref<1x2048xi32, #tpu.memory_space<vmem>> -> memref<2048xi32, #tpu.memory_space<vmem>>
        %dma_start3A_708 = arith.constant 1536 : i32
        %dma_start3A_709 = tpu.memref_slice %dma_start3A_707[%dma_start3A_708] : memref<2048xi32, #tpu.memory_space<vmem>> -> memref<256xi32, #tpu.memory_space<vmem>>
        %dma_start3A_710 = arith.constant 0 : i32
        %dma_start3A_711 = tpu.memref_slice %arg3[%dma_start3A_710] : memref<3000000xf32, #tpu.memory_space<hbm>> -> memref<1000000xf32, #tpu.memory_space<hbm>>
        %dma_start3A_712 = arith.constant 0 : i32
        %dma_start3A_713 = tpu.memref_slice %dma_start3A_711[%dma_start3A_712] : memref<1000000xf32, #tpu.memory_space<hbm>> -> memref<1000000xf32, #tpu.memory_space<hbm>>
        tpu.enqueue_indirect_dma source(%dma_start3A_713 : memref<1000000xf32, #tpu.memory_space<hbm>>) target(%dma_start3A_704 : memref<256xf32, #tpu.memory_space<vmem>>) offsets(%dma_start3A_709 : memref<256xi32, #tpu.memory_space<vmem>>) semaphore(%arg9 : memref<!tpu.dma_semaphore, #tpu.memory_space<semaphore_mem>>)
        %dma_start3A_714 = arith.constant 0 : i32
        %dma_start3A_715 = arith.constant 0 : i32
        %dma_start3A_716 = arith.constant 0 : i32
        %dma_start3A_717 = tpu.memref_slice %arg6[%dma_start3A_715, %dma_start3A_716] : memref<2x6144xf32, #tpu.memory_space<vmem>> -> memref<1x6144xf32, #tpu.memory_space<vmem>>
        %dma_start3A_718 = tpu.memref_squeeze %dma_start3A_717 : memref<1x6144xf32, #tpu.memory_space<vmem>> -> memref<6144xf32, #tpu.memory_space<vmem>>
        %dma_start3A_719 = arith.constant 1792 : i32
        %dma_start3A_720 = tpu.memref_slice %dma_start3A_718[%dma_start3A_719] : memref<6144xf32, #tpu.memory_space<vmem>> -> memref<256xf32, #tpu.memory_space<vmem>>
        %dma_start3A_721 = arith.constant 0 : i32
        %dma_start3A_722 = tpu.memref_slice %arg5[%dma_start3A_714, %dma_start3A_721] : memref<2x2048xi32, #tpu.memory_space<vmem>> -> memref<1x2048xi32, #tpu.memory_space<vmem>>
        %dma_start3A_723 = tpu.memref_squeeze %dma_start3A_722 : memref<1x2048xi32, #tpu.memory_space<vmem>> -> memref<2048xi32, #tpu.memory_space<vmem>>
        %dma_start3A_724 = arith.constant 1792 : i32
        %dma_start3A_725 = tpu.memref_slice %dma_start3A_723[%dma_start3A_724] : memref<2048xi32, #tpu.memory_space<vmem>> -> memref<256xi32, #tpu.memory_space<vmem>>
        %dma_start3A_726 = arith.constant 0 : i32
        %dma_start3A_727 = tpu.memref_slice %arg3[%dma_start3A_726] : memref<3000000xf32, #tpu.memory_space<hbm>> -> memref<1000000xf32, #tpu.memory_space<hbm>>
        %dma_start3A_728 = arith.constant 0 : i32
        %dma_start3A_729 = tpu.memref_slice %dma_start3A_727[%dma_start3A_728] : memref<1000000xf32, #tpu.memory_space<hbm>> -> memref<1000000xf32, #tpu.memory_space<hbm>>
        tpu.enqueue_indirect_dma source(%dma_start3A_729 : memref<1000000xf32, #tpu.memory_space<hbm>>) target(%dma_start3A_720 : memref<256xf32, #tpu.memory_space<vmem>>) offsets(%dma_start3A_725 : memref<256xi32, #tpu.memory_space<vmem>>) semaphore(%arg9 : memref<!tpu.dma_semaphore, #tpu.memory_space<semaphore_mem>>)
        %dma_start3A_730 = arith.constant 0 : i32
        %dma_start3A_731 = arith.constant 0 : i32
        %dma_start3A_732 = arith.constant 0 : i32
        %dma_start3A_733 = tpu.memref_slice %arg6[%dma_start3A_731, %dma_start3A_732] : memref<2x6144xf32, #tpu.memory_space<vmem>> -> memref<1x6144xf32, #tpu.memory_space<vmem>>
        %dma_start3A_734 = tpu.memref_squeeze %dma_start3A_733 : memref<1x6144xf32, #tpu.memory_space<vmem>> -> memref<6144xf32, #tpu.memory_space<vmem>>
        %dma_start3A_735 = arith.constant 2048 : i32
        %dma_start3A_736 = tpu.memref_slice %dma_start3A_734[%dma_start3A_735] : memref<6144xf32, #tpu.memory_space<vmem>> -> memref<256xf32, #tpu.memory_space<vmem>>
        %dma_start3A_737 = arith.constant 0 : i32
        %dma_start3A_738 = tpu.memref_slice %arg5[%dma_start3A_730, %dma_start3A_737] : memref<2x2048xi32, #tpu.memory_space<vmem>> -> memref<1x2048xi32, #tpu.memory_space<vmem>>
        %dma_start3A_739 = tpu.memref_squeeze %dma_start3A_738 : memref<1x2048xi32, #tpu.memory_space<vmem>> -> memref<2048xi32, #tpu.memory_space<vmem>>
        %dma_start3A_740 = arith.constant 0 : i32
        %dma_start3A_741 = tpu.memref_slice %dma_start3A_739[%dma_start3A_740] : memref<2048xi32, #tpu.memory_space<vmem>> -> memref<256xi32, #tpu.memory_space<vmem>>
        %dma_start3A_742 = arith.constant 1000000 : i32
        %dma_start3A_743 = tpu.memref_slice %arg3[%dma_start3A_742] : memref<3000000xf32, #tpu.memory_space<hbm>> -> memref<1000000xf32, #tpu.memory_space<hbm>>
        %dma_start3A_744 = arith.constant 0 : i32
        %dma_start3A_745 = tpu.memref_slice %dma_start3A_743[%dma_start3A_744] : memref<1000000xf32, #tpu.memory_space<hbm>> -> memref<1000000xf32, #tpu.memory_space<hbm>>
        tpu.enqueue_indirect_dma source(%dma_start3A_745 : memref<1000000xf32, #tpu.memory_space<hbm>>) target(%dma_start3A_736 : memref<256xf32, #tpu.memory_space<vmem>>) offsets(%dma_start3A_741 : memref<256xi32, #tpu.memory_space<vmem>>) semaphore(%arg9 : memref<!tpu.dma_semaphore, #tpu.memory_space<semaphore_mem>>)
        %dma_start3A_746 = arith.constant 0 : i32
        %dma_start3A_747 = arith.constant 0 : i32
        %dma_start3A_748 = arith.constant 0 : i32
        %dma_start3A_749 = tpu.memref_slice %arg6[%dma_start3A_747, %dma_start3A_748] : memref<2x6144xf32, #tpu.memory_space<vmem>> -> memref<1x6144xf32, #tpu.memory_space<vmem>>
        %dma_start3A_750 = tpu.memref_squeeze %dma_start3A_749 : memref<1x6144xf32, #tpu.memory_space<vmem>> -> memref<6144xf32, #tpu.memory_space<vmem>>
        %dma_start3A_751 = arith.constant 2304 : i32
        %dma_start3A_752 = tpu.memref_slice %dma_start3A_750[%dma_start3A_751] : memref<6144xf32, #tpu.memory_space<vmem>> -> memref<256xf32, #tpu.memory_space<vmem>>
        %dma_start3A_753 = arith.constant 0 : i32
        %dma_start3A_754 = tpu.memref_slice %arg5[%dma_start3A_746, %dma_start3A_753] : memref<2x2048xi32, #tpu.memory_space<vmem>> -> memref<1x2048xi32, #tpu.memory_space<vmem>>
        %dma_start3A_755 = tpu.memref_squeeze %dma_start3A_754 : memref<1x2048xi32, #tpu.memory_space<vmem>> -> memref<2048xi32, #tpu.memory_space<vmem>>
        %dma_start3A_756 = arith.constant 256 : i32
        %dma_start3A_757 = tpu.memref_slice %dma_start3A_755[%dma_start3A_756] : memref<2048xi32, #tpu.memory_space<vmem>> -> memref<256xi32, #tpu.memory_space<vmem>>
        %dma_start3A_758 = arith.constant 1000000 : i32
        %dma_start3A_759 = tpu.memref_slice %arg3[%dma_start3A_758] : memref<3000000xf32, #tpu.memory_space<hbm>> -> memref<1000000xf32, #tpu.memory_space<hbm>>
        %dma_start3A_760 = arith.constant 0 : i32
        %dma_start3A_761 = tpu.memref_slice %dma_start3A_759[%dma_start3A_760] : memref<1000000xf32, #tpu.memory_space<hbm>> -> memref<1000000xf32, #tpu.memory_space<hbm>>
        tpu.enqueue_indirect_dma source(%dma_start3A_761 : memref<1000000xf32, #tpu.memory_space<hbm>>) target(%dma_start3A_752 : memref<256xf32, #tpu.memory_space<vmem>>) offsets(%dma_start3A_757 : memref<256xi32, #tpu.memory_space<vmem>>) semaphore(%arg9 : memref<!tpu.dma_semaphore, #tpu.memory_space<semaphore_mem>>)
        %dma_start3A_762 = arith.constant 0 : i32
        %dma_start3A_763 = arith.constant 0 : i32
        %dma_start3A_764 = arith.constant 0 : i32
        %dma_start3A_765 = tpu.memref_slice %arg6[%dma_start3A_763, %dma_start3A_764] : memref<2x6144xf32, #tpu.memory_space<vmem>> -> memref<1x6144xf32, #tpu.memory_space<vmem>>
        %dma_start3A_766 = tpu.memref_squeeze %dma_start3A_765 : memref<1x6144xf32, #tpu.memory_space<vmem>> -> memref<6144xf32, #tpu.memory_space<vmem>>
        %dma_start3A_767 = arith.constant 2560 : i32
        %dma_start3A_768 = tpu.memref_slice %dma_start3A_766[%dma_start3A_767] : memref<6144xf32, #tpu.memory_space<vmem>> -> memref<256xf32, #tpu.memory_space<vmem>>
        %dma_start3A_769 = arith.constant 0 : i32
        %dma_start3A_770 = tpu.memref_slice %arg5[%dma_start3A_762, %dma_start3A_769] : memref<2x2048xi32, #tpu.memory_space<vmem>> -> memref<1x2048xi32, #tpu.memory_space<vmem>>
        %dma_start3A_771 = tpu.memref_squeeze %dma_start3A_770 : memref<1x2048xi32, #tpu.memory_space<vmem>> -> memref<2048xi32, #tpu.memory_space<vmem>>
        %dma_start3A_772 = arith.constant 512 : i32
        %dma_start3A_773 = tpu.memref_slice %dma_start3A_771[%dma_start3A_772] : memref<2048xi32, #tpu.memory_space<vmem>> -> memref<256xi32, #tpu.memory_space<vmem>>
        %dma_start3A_774 = arith.constant 1000000 : i32
        %dma_start3A_775 = tpu.memref_slice %arg3[%dma_start3A_774] : memref<3000000xf32, #tpu.memory_space<hbm>> -> memref<1000000xf32, #tpu.memory_space<hbm>>
        %dma_start3A_776 = arith.constant 0 : i32
        %dma_start3A_777 = tpu.memref_slice %dma_start3A_775[%dma_start3A_776] : memref<1000000xf32, #tpu.memory_space<hbm>> -> memref<1000000xf32, #tpu.memory_space<hbm>>
        tpu.enqueue_indirect_dma source(%dma_start3A_777 : memref<1000000xf32, #tpu.memory_space<hbm>>) target(%dma_start3A_768 : memref<256xf32, #tpu.memory_space<vmem>>) offsets(%dma_start3A_773 : memref<256xi32, #tpu.memory_space<vmem>>) semaphore(%arg9 : memref<!tpu.dma_semaphore, #tpu.memory_space<semaphore_mem>>)
        %dma_start3A_778 = arith.constant 0 : i32
        %dma_start3A_779 = arith.constant 0 : i32
        %dma_start3A_780 = arith.constant 0 : i32
        %dma_start3A_781 = tpu.memref_slice %arg6[%dma_start3A_779, %dma_start3A_780] : memref<2x6144xf32, #tpu.memory_space<vmem>> -> memref<1x6144xf32, #tpu.memory_space<vmem>>
        %dma_start3A_782 = tpu.memref_squeeze %dma_start3A_781 : memref<1x6144xf32, #tpu.memory_space<vmem>> -> memref<6144xf32, #tpu.memory_space<vmem>>
        %dma_start3A_783 = arith.constant 2816 : i32
        %dma_start3A_784 = tpu.memref_slice %dma_start3A_782[%dma_start3A_783] : memref<6144xf32, #tpu.memory_space<vmem>> -> memref<256xf32, #tpu.memory_space<vmem>>
        %dma_start3A_785 = arith.constant 0 : i32
        %dma_start3A_786 = tpu.memref_slice %arg5[%dma_start3A_778, %dma_start3A_785] : memref<2x2048xi32, #tpu.memory_space<vmem>> -> memref<1x2048xi32, #tpu.memory_space<vmem>>
        %dma_start3A_787 = tpu.memref_squeeze %dma_start3A_786 : memref<1x2048xi32, #tpu.memory_space<vmem>> -> memref<2048xi32, #tpu.memory_space<vmem>>
        %dma_start3A_788 = arith.constant 768 : i32
        %dma_start3A_789 = tpu.memref_slice %dma_start3A_787[%dma_start3A_788] : memref<2048xi32, #tpu.memory_space<vmem>> -> memref<256xi32, #tpu.memory_space<vmem>>
        %dma_start3A_790 = arith.constant 1000000 : i32
        %dma_start3A_791 = tpu.memref_slice %arg3[%dma_start3A_790] : memref<3000000xf32, #tpu.memory_space<hbm>> -> memref<1000000xf32, #tpu.memory_space<hbm>>
        %dma_start3A_792 = arith.constant 0 : i32
        %dma_start3A_793 = tpu.memref_slice %dma_start3A_791[%dma_start3A_792] : memref<1000000xf32, #tpu.memory_space<hbm>> -> memref<1000000xf32, #tpu.memory_space<hbm>>
        tpu.enqueue_indirect_dma source(%dma_start3A_793 : memref<1000000xf32, #tpu.memory_space<hbm>>) target(%dma_start3A_784 : memref<256xf32, #tpu.memory_space<vmem>>) offsets(%dma_start3A_789 : memref<256xi32, #tpu.memory_space<vmem>>) semaphore(%arg9 : memref<!tpu.dma_semaphore, #tpu.memory_space<semaphore_mem>>)
        %dma_start3A_794 = arith.constant 0 : i32
        %dma_start3A_795 = arith.constant 0 : i32
        %dma_start3A_796 = arith.constant 0 : i32
        %dma_start3A_797 = tpu.memref_slice %arg6[%dma_start3A_795, %dma_start3A_796] : memref<2x6144xf32, #tpu.memory_space<vmem>> -> memref<1x6144xf32, #tpu.memory_space<vmem>>
        %dma_start3A_798 = tpu.memref_squeeze %dma_start3A_797 : memref<1x6144xf32, #tpu.memory_space<vmem>> -> memref<6144xf32, #tpu.memory_space<vmem>>
        %dma_start3A_799 = arith.constant 3072 : i32
        %dma_start3A_800 = tpu.memref_slice %dma_start3A_798[%dma_start3A_799] : memref<6144xf32, #tpu.memory_space<vmem>> -> memref<256xf32, #tpu.memory_space<vmem>>
        %dma_start3A_801 = arith.constant 0 : i32
        %dma_start3A_802 = tpu.memref_slice %arg5[%dma_start3A_794, %dma_start3A_801] : memref<2x2048xi32, #tpu.memory_space<vmem>> -> memref<1x2048xi32, #tpu.memory_space<vmem>>
        %dma_start3A_803 = tpu.memref_squeeze %dma_start3A_802 : memref<1x2048xi32, #tpu.memory_space<vmem>> -> memref<2048xi32, #tpu.memory_space<vmem>>
        %dma_start3A_804 = arith.constant 1024 : i32
        %dma_start3A_805 = tpu.memref_slice %dma_start3A_803[%dma_start3A_804] : memref<2048xi32, #tpu.memory_space<vmem>> -> memref<256xi32, #tpu.memory_space<vmem>>
        %dma_start3A_806 = arith.constant 1000000 : i32
        %dma_start3A_807 = tpu.memref_slice %arg3[%dma_start3A_806] : memref<3000000xf32, #tpu.memory_space<hbm>> -> memref<1000000xf32, #tpu.memory_space<hbm>>
        %dma_start3A_808 = arith.constant 0 : i32
        %dma_start3A_809 = tpu.memref_slice %dma_start3A_807[%dma_start3A_808] : memref<1000000xf32, #tpu.memory_space<hbm>> -> memref<1000000xf32, #tpu.memory_space<hbm>>
        tpu.enqueue_indirect_dma source(%dma_start3A_809 : memref<1000000xf32, #tpu.memory_space<hbm>>) target(%dma_start3A_800 : memref<256xf32, #tpu.memory_space<vmem>>) offsets(%dma_start3A_805 : memref<256xi32, #tpu.memory_space<vmem>>) semaphore(%arg9 : memref<!tpu.dma_semaphore, #tpu.memory_space<semaphore_mem>>)
        %dma_start3A_810 = arith.constant 0 : i32
        %dma_start3A_811 = arith.constant 0 : i32
        %dma_start3A_812 = arith.constant 0 : i32
        %dma_start3A_813 = tpu.memref_slice %arg6[%dma_start3A_811, %dma_start3A_812] : memref<2x6144xf32, #tpu.memory_space<vmem>> -> memref<1x6144xf32, #tpu.memory_space<vmem>>
        %dma_start3A_814 = tpu.memref_squeeze %dma_start3A_813 : memref<1x6144xf32, #tpu.memory_space<vmem>> -> memref<6144xf32, #tpu.memory_space<vmem>>
        %dma_start3A_815 = arith.constant 3328 : i32
        %dma_start3A_816 = tpu.memref_slice %dma_start3A_814[%dma_start3A_815] : memref<6144xf32, #tpu.memory_space<vmem>> -> memref<256xf32, #tpu.memory_space<vmem>>
        %dma_start3A_817 = arith.constant 0 : i32
        %dma_start3A_818 = tpu.memref_slice %arg5[%dma_start3A_810, %dma_start3A_817] : memref<2x2048xi32, #tpu.memory_space<vmem>> -> memref<1x2048xi32, #tpu.memory_space<vmem>>
        %dma_start3A_819 = tpu.memref_squeeze %dma_start3A_818 : memref<1x2048xi32, #tpu.memory_space<vmem>> -> memref<2048xi32, #tpu.memory_space<vmem>>
        %dma_start3A_820 = arith.constant 1280 : i32
        %dma_start3A_821 = tpu.memref_slice %dma_start3A_819[%dma_start3A_820] : memref<2048xi32, #tpu.memory_space<vmem>> -> memref<256xi32, #tpu.memory_space<vmem>>
        %dma_start3A_822 = arith.constant 1000000 : i32
        %dma_start3A_823 = tpu.memref_slice %arg3[%dma_start3A_822] : memref<3000000xf32, #tpu.memory_space<hbm>> -> memref<1000000xf32, #tpu.memory_space<hbm>>
        %dma_start3A_824 = arith.constant 0 : i32
        %dma_start3A_825 = tpu.memref_slice %dma_start3A_823[%dma_start3A_824] : memref<1000000xf32, #tpu.memory_space<hbm>> -> memref<1000000xf32, #tpu.memory_space<hbm>>
        tpu.enqueue_indirect_dma source(%dma_start3A_825 : memref<1000000xf32, #tpu.memory_space<hbm>>) target(%dma_start3A_816 : memref<256xf32, #tpu.memory_space<vmem>>) offsets(%dma_start3A_821 : memref<256xi32, #tpu.memory_space<vmem>>) semaphore(%arg9 : memref<!tpu.dma_semaphore, #tpu.memory_space<semaphore_mem>>)
        %dma_start3A_826 = arith.constant 0 : i32
        %dma_start3A_827 = arith.constant 0 : i32
        %dma_start3A_828 = arith.constant 0 : i32
        %dma_start3A_829 = tpu.memref_slice %arg6[%dma_start3A_827, %dma_start3A_828] : memref<2x6144xf32, #tpu.memory_space<vmem>> -> memref<1x6144xf32, #tpu.memory_space<vmem>>
        %dma_start3A_830 = tpu.memref_squeeze %dma_start3A_829 : memref<1x6144xf32, #tpu.memory_space<vmem>> -> memref<6144xf32, #tpu.memory_space<vmem>>
        %dma_start3A_831 = arith.constant 3584 : i32
        %dma_start3A_832 = tpu.memref_slice %dma_start3A_830[%dma_start3A_831] : memref<6144xf32, #tpu.memory_space<vmem>> -> memref<256xf32, #tpu.memory_space<vmem>>
        %dma_start3A_833 = arith.constant 0 : i32
        %dma_start3A_834 = tpu.memref_slice %arg5[%dma_start3A_826, %dma_start3A_833] : memref<2x2048xi32, #tpu.memory_space<vmem>> -> memref<1x2048xi32, #tpu.memory_space<vmem>>
        %dma_start3A_835 = tpu.memref_squeeze %dma_start3A_834 : memref<1x2048xi32, #tpu.memory_space<vmem>> -> memref<2048xi32, #tpu.memory_space<vmem>>
        %dma_start3A_836 = arith.constant 1536 : i32
        %dma_start3A_837 = tpu.memref_slice %dma_start3A_835[%dma_start3A_836] : memref<2048xi32, #tpu.memory_space<vmem>> -> memref<256xi32, #tpu.memory_space<vmem>>
        %dma_start3A_838 = arith.constant 1000000 : i32
        %dma_start3A_839 = tpu.memref_slice %arg3[%dma_start3A_838] : memref<3000000xf32, #tpu.memory_space<hbm>> -> memref<1000000xf32, #tpu.memory_space<hbm>>
        %dma_start3A_840 = arith.constant 0 : i32
        %dma_start3A_841 = tpu.memref_slice %dma_start3A_839[%dma_start3A_840] : memref<1000000xf32, #tpu.memory_space<hbm>> -> memref<1000000xf32, #tpu.memory_space<hbm>>
        tpu.enqueue_indirect_dma source(%dma_start3A_841 : memref<1000000xf32, #tpu.memory_space<hbm>>) target(%dma_start3A_832 : memref<256xf32, #tpu.memory_space<vmem>>) offsets(%dma_start3A_837 : memref<256xi32, #tpu.memory_space<vmem>>) semaphore(%arg9 : memref<!tpu.dma_semaphore, #tpu.memory_space<semaphore_mem>>)
        %dma_start3A_842 = arith.constant 0 : i32
        %dma_start3A_843 = arith.constant 0 : i32
        %dma_start3A_844 = arith.constant 0 : i32
        %dma_start3A_845 = tpu.memref_slice %arg6[%dma_start3A_843, %dma_start3A_844] : memref<2x6144xf32, #tpu.memory_space<vmem>> -> memref<1x6144xf32, #tpu.memory_space<vmem>>
        %dma_start3A_846 = tpu.memref_squeeze %dma_start3A_845 : memref<1x6144xf32, #tpu.memory_space<vmem>> -> memref<6144xf32, #tpu.memory_space<vmem>>
        %dma_start3A_847 = arith.constant 3840 : i32
        %dma_start3A_848 = tpu.memref_slice %dma_start3A_846[%dma_start3A_847] : memref<6144xf32, #tpu.memory_space<vmem>> -> memref<256xf32, #tpu.memory_space<vmem>>
        %dma_start3A_849 = arith.constant 0 : i32
        %dma_start3A_850 = tpu.memref_slice %arg5[%dma_start3A_842, %dma_start3A_849] : memref<2x2048xi32, #tpu.memory_space<vmem>> -> memref<1x2048xi32, #tpu.memory_space<vmem>>
        %dma_start3A_851 = tpu.memref_squeeze %dma_start3A_850 : memref<1x2048xi32, #tpu.memory_space<vmem>> -> memref<2048xi32, #tpu.memory_space<vmem>>
        %dma_start3A_852 = arith.constant 1792 : i32
        %dma_start3A_853 = tpu.memref_slice %dma_start3A_851[%dma_start3A_852] : memref<2048xi32, #tpu.memory_space<vmem>> -> memref<256xi32, #tpu.memory_space<vmem>>
        %dma_start3A_854 = arith.constant 1000000 : i32
        %dma_start3A_855 = tpu.memref_slice %arg3[%dma_start3A_854] : memref<3000000xf32, #tpu.memory_space<hbm>> -> memref<1000000xf32, #tpu.memory_space<hbm>>
        %dma_start3A_856 = arith.constant 0 : i32
        %dma_start3A_857 = tpu.memref_slice %dma_start3A_855[%dma_start3A_856] : memref<1000000xf32, #tpu.memory_space<hbm>> -> memref<1000000xf32, #tpu.memory_space<hbm>>
        tpu.enqueue_indirect_dma source(%dma_start3A_857 : memref<1000000xf32, #tpu.memory_space<hbm>>) target(%dma_start3A_848 : memref<256xf32, #tpu.memory_space<vmem>>) offsets(%dma_start3A_853 : memref<256xi32, #tpu.memory_space<vmem>>) semaphore(%arg9 : memref<!tpu.dma_semaphore, #tpu.memory_space<semaphore_mem>>)
        %dma_start3A_858 = arith.constant 0 : i32
        %dma_start3A_859 = arith.constant 0 : i32
        %dma_start3A_860 = arith.constant 0 : i32
        %dma_start3A_861 = tpu.memref_slice %arg6[%dma_start3A_859, %dma_start3A_860] : memref<2x6144xf32, #tpu.memory_space<vmem>> -> memref<1x6144xf32, #tpu.memory_space<vmem>>
        %dma_start3A_862 = tpu.memref_squeeze %dma_start3A_861 : memref<1x6144xf32, #tpu.memory_space<vmem>> -> memref<6144xf32, #tpu.memory_space<vmem>>
        %dma_start3A_863 = arith.constant 4096 : i32
        %dma_start3A_864 = tpu.memref_slice %dma_start3A_862[%dma_start3A_863] : memref<6144xf32, #tpu.memory_space<vmem>> -> memref<256xf32, #tpu.memory_space<vmem>>
        %dma_start3A_865 = arith.constant 0 : i32
        %dma_start3A_866 = tpu.memref_slice %arg5[%dma_start3A_858, %dma_start3A_865] : memref<2x2048xi32, #tpu.memory_space<vmem>> -> memref<1x2048xi32, #tpu.memory_space<vmem>>
        %dma_start3A_867 = tpu.memref_squeeze %dma_start3A_866 : memref<1x2048xi32, #tpu.memory_space<vmem>> -> memref<2048xi32, #tpu.memory_space<vmem>>
        %dma_start3A_868 = arith.constant 0 : i32
        %dma_start3A_869 = tpu.memref_slice %dma_start3A_867[%dma_start3A_868] : memref<2048xi32, #tpu.memory_space<vmem>> -> memref<256xi32, #tpu.memory_space<vmem>>
        %dma_start3A_870 = arith.constant 2000000 : i32
        %dma_start3A_871 = tpu.memref_slice %arg3[%dma_start3A_870] : memref<3000000xf32, #tpu.memory_space<hbm>> -> memref<1000000xf32, #tpu.memory_space<hbm>>
        %dma_start3A_872 = arith.constant 0 : i32
        %dma_start3A_873 = tpu.memref_slice %dma_start3A_871[%dma_start3A_872] : memref<1000000xf32, #tpu.memory_space<hbm>> -> memref<1000000xf32, #tpu.memory_space<hbm>>
        tpu.enqueue_indirect_dma source(%dma_start3A_873 : memref<1000000xf32, #tpu.memory_space<hbm>>) target(%dma_start3A_864 : memref<256xf32, #tpu.memory_space<vmem>>) offsets(%dma_start3A_869 : memref<256xi32, #tpu.memory_space<vmem>>) semaphore(%arg9 : memref<!tpu.dma_semaphore, #tpu.memory_space<semaphore_mem>>)
        %dma_start3A_874 = arith.constant 0 : i32
        %dma_start3A_875 = arith.constant 0 : i32
        %dma_start3A_876 = arith.constant 0 : i32
        %dma_start3A_877 = tpu.memref_slice %arg6[%dma_start3A_875, %dma_start3A_876] : memref<2x6144xf32, #tpu.memory_space<vmem>> -> memref<1x6144xf32, #tpu.memory_space<vmem>>
        %dma_start3A_878 = tpu.memref_squeeze %dma_start3A_877 : memref<1x6144xf32, #tpu.memory_space<vmem>> -> memref<6144xf32, #tpu.memory_space<vmem>>
        %dma_start3A_879 = arith.constant 4352 : i32
        %dma_start3A_880 = tpu.memref_slice %dma_start3A_878[%dma_start3A_879] : memref<6144xf32, #tpu.memory_space<vmem>> -> memref<256xf32, #tpu.memory_space<vmem>>
        %dma_start3A_881 = arith.constant 0 : i32
        %dma_start3A_882 = tpu.memref_slice %arg5[%dma_start3A_874, %dma_start3A_881] : memref<2x2048xi32, #tpu.memory_space<vmem>> -> memref<1x2048xi32, #tpu.memory_space<vmem>>
        %dma_start3A_883 = tpu.memref_squeeze %dma_start3A_882 : memref<1x2048xi32, #tpu.memory_space<vmem>> -> memref<2048xi32, #tpu.memory_space<vmem>>
        %dma_start3A_884 = arith.constant 256 : i32
        %dma_start3A_885 = tpu.memref_slice %dma_start3A_883[%dma_start3A_884] : memref<2048xi32, #tpu.memory_space<vmem>> -> memref<256xi32, #tpu.memory_space<vmem>>
        %dma_start3A_886 = arith.constant 2000000 : i32
        %dma_start3A_887 = tpu.memref_slice %arg3[%dma_start3A_886] : memref<3000000xf32, #tpu.memory_space<hbm>> -> memref<1000000xf32, #tpu.memory_space<hbm>>
        %dma_start3A_888 = arith.constant 0 : i32
        %dma_start3A_889 = tpu.memref_slice %dma_start3A_887[%dma_start3A_888] : memref<1000000xf32, #tpu.memory_space<hbm>> -> memref<1000000xf32, #tpu.memory_space<hbm>>
        tpu.enqueue_indirect_dma source(%dma_start3A_889 : memref<1000000xf32, #tpu.memory_space<hbm>>) target(%dma_start3A_880 : memref<256xf32, #tpu.memory_space<vmem>>) offsets(%dma_start3A_885 : memref<256xi32, #tpu.memory_space<vmem>>) semaphore(%arg9 : memref<!tpu.dma_semaphore, #tpu.memory_space<semaphore_mem>>)
        %dma_start3A_890 = arith.constant 0 : i32
        %dma_start3A_891 = arith.constant 0 : i32
        %dma_start3A_892 = arith.constant 0 : i32
        %dma_start3A_893 = tpu.memref_slice %arg6[%dma_start3A_891, %dma_start3A_892] : memref<2x6144xf32, #tpu.memory_space<vmem>> -> memref<1x6144xf32, #tpu.memory_space<vmem>>
        %dma_start3A_894 = tpu.memref_squeeze %dma_start3A_893 : memref<1x6144xf32, #tpu.memory_space<vmem>> -> memref<6144xf32, #tpu.memory_space<vmem>>
        %dma_start3A_895 = arith.constant 4608 : i32
        %dma_start3A_896 = tpu.memref_slice %dma_start3A_894[%dma_start3A_895] : memref<6144xf32, #tpu.memory_space<vmem>> -> memref<256xf32, #tpu.memory_space<vmem>>
        %dma_start3A_897 = arith.constant 0 : i32
        %dma_start3A_898 = tpu.memref_slice %arg5[%dma_start3A_890, %dma_start3A_897] : memref<2x2048xi32, #tpu.memory_space<vmem>> -> memref<1x2048xi32, #tpu.memory_space<vmem>>
        %dma_start3A_899 = tpu.memref_squeeze %dma_start3A_898 : memref<1x2048xi32, #tpu.memory_space<vmem>> -> memref<2048xi32, #tpu.memory_space<vmem>>
        %dma_start3A_900 = arith.constant 512 : i32
        %dma_start3A_901 = tpu.memref_slice %dma_start3A_899[%dma_start3A_900] : memref<2048xi32, #tpu.memory_space<vmem>> -> memref<256xi32, #tpu.memory_space<vmem>>
        %dma_start3A_902 = arith.constant 2000000 : i32
        %dma_start3A_903 = tpu.memref_slice %arg3[%dma_start3A_902] : memref<3000000xf32, #tpu.memory_space<hbm>> -> memref<1000000xf32, #tpu.memory_space<hbm>>
        %dma_start3A_904 = arith.constant 0 : i32
        %dma_start3A_905 = tpu.memref_slice %dma_start3A_903[%dma_start3A_904] : memref<1000000xf32, #tpu.memory_space<hbm>> -> memref<1000000xf32, #tpu.memory_space<hbm>>
        tpu.enqueue_indirect_dma source(%dma_start3A_905 : memref<1000000xf32, #tpu.memory_space<hbm>>) target(%dma_start3A_896 : memref<256xf32, #tpu.memory_space<vmem>>) offsets(%dma_start3A_901 : memref<256xi32, #tpu.memory_space<vmem>>) semaphore(%arg9 : memref<!tpu.dma_semaphore, #tpu.memory_space<semaphore_mem>>)
        %dma_start3A_906 = arith.constant 0 : i32
        %dma_start3A_907 = arith.constant 0 : i32
        %dma_start3A_908 = arith.constant 0 : i32
        %dma_start3A_909 = tpu.memref_slice %arg6[%dma_start3A_907, %dma_start3A_908] : memref<2x6144xf32, #tpu.memory_space<vmem>> -> memref<1x6144xf32, #tpu.memory_space<vmem>>
        %dma_start3A_910 = tpu.memref_squeeze %dma_start3A_909 : memref<1x6144xf32, #tpu.memory_space<vmem>> -> memref<6144xf32, #tpu.memory_space<vmem>>
        %dma_start3A_911 = arith.constant 4864 : i32
        %dma_start3A_912 = tpu.memref_slice %dma_start3A_910[%dma_start3A_911] : memref<6144xf32, #tpu.memory_space<vmem>> -> memref<256xf32, #tpu.memory_space<vmem>>
        %dma_start3A_913 = arith.constant 0 : i32
        %dma_start3A_914 = tpu.memref_slice %arg5[%dma_start3A_906, %dma_start3A_913] : memref<2x2048xi32, #tpu.memory_space<vmem>> -> memref<1x2048xi32, #tpu.memory_space<vmem>>
        %dma_start3A_915 = tpu.memref_squeeze %dma_start3A_914 : memref<1x2048xi32, #tpu.memory_space<vmem>> -> memref<2048xi32, #tpu.memory_space<vmem>>
        %dma_start3A_916 = arith.constant 768 : i32
        %dma_start3A_917 = tpu.memref_slice %dma_start3A_915[%dma_start3A_916] : memref<2048xi32, #tpu.memory_space<vmem>> -> memref<256xi32, #tpu.memory_space<vmem>>
        %dma_start3A_918 = arith.constant 2000000 : i32
        %dma_start3A_919 = tpu.memref_slice %arg3[%dma_start3A_918] : memref<3000000xf32, #tpu.memory_space<hbm>> -> memref<1000000xf32, #tpu.memory_space<hbm>>
        %dma_start3A_920 = arith.constant 0 : i32
        %dma_start3A_921 = tpu.memref_slice %dma_start3A_919[%dma_start3A_920] : memref<1000000xf32, #tpu.memory_space<hbm>> -> memref<1000000xf32, #tpu.memory_space<hbm>>
        tpu.enqueue_indirect_dma source(%dma_start3A_921 : memref<1000000xf32, #tpu.memory_space<hbm>>) target(%dma_start3A_912 : memref<256xf32, #tpu.memory_space<vmem>>) offsets(%dma_start3A_917 : memref<256xi32, #tpu.memory_space<vmem>>) semaphore(%arg9 : memref<!tpu.dma_semaphore, #tpu.memory_space<semaphore_mem>>)
        %dma_start3A_922 = arith.constant 0 : i32
        %dma_start3A_923 = arith.constant 0 : i32
        %dma_start3A_924 = arith.constant 0 : i32
        %dma_start3A_925 = tpu.memref_slice %arg6[%dma_start3A_923, %dma_start3A_924] : memref<2x6144xf32, #tpu.memory_space<vmem>> -> memref<1x6144xf32, #tpu.memory_space<vmem>>
        %dma_start3A_926 = tpu.memref_squeeze %dma_start3A_925 : memref<1x6144xf32, #tpu.memory_space<vmem>> -> memref<6144xf32, #tpu.memory_space<vmem>>
        %dma_start3A_927 = arith.constant 5120 : i32
        %dma_start3A_928 = tpu.memref_slice %dma_start3A_926[%dma_start3A_927] : memref<6144xf32, #tpu.memory_space<vmem>> -> memref<256xf32, #tpu.memory_space<vmem>>
        %dma_start3A_929 = arith.constant 0 : i32
        %dma_start3A_930 = tpu.memref_slice %arg5[%dma_start3A_922, %dma_start3A_929] : memref<2x2048xi32, #tpu.memory_space<vmem>> -> memref<1x2048xi32, #tpu.memory_space<vmem>>
        %dma_start3A_931 = tpu.memref_squeeze %dma_start3A_930 : memref<1x2048xi32, #tpu.memory_space<vmem>> -> memref<2048xi32, #tpu.memory_space<vmem>>
        %dma_start3A_932 = arith.constant 1024 : i32
        %dma_start3A_933 = tpu.memref_slice %dma_start3A_931[%dma_start3A_932] : memref<2048xi32, #tpu.memory_space<vmem>> -> memref<256xi32, #tpu.memory_space<vmem>>
        %dma_start3A_934 = arith.constant 2000000 : i32
        %dma_start3A_935 = tpu.memref_slice %arg3[%dma_start3A_934] : memref<3000000xf32, #tpu.memory_space<hbm>> -> memref<1000000xf32, #tpu.memory_space<hbm>>
        %dma_start3A_936 = arith.constant 0 : i32
        %dma_start3A_937 = tpu.memref_slice %dma_start3A_935[%dma_start3A_936] : memref<1000000xf32, #tpu.memory_space<hbm>> -> memref<1000000xf32, #tpu.memory_space<hbm>>
        tpu.enqueue_indirect_dma source(%dma_start3A_937 : memref<1000000xf32, #tpu.memory_space<hbm>>) target(%dma_start3A_928 : memref<256xf32, #tpu.memory_space<vmem>>) offsets(%dma_start3A_933 : memref<256xi32, #tpu.memory_space<vmem>>) semaphore(%arg9 : memref<!tpu.dma_semaphore, #tpu.memory_space<semaphore_mem>>)
        %dma_start3A_938 = arith.constant 0 : i32
        %dma_start3A_939 = arith.constant 0 : i32
        %dma_start3A_940 = arith.constant 0 : i32
        %dma_start3A_941 = tpu.memref_slice %arg6[%dma_start3A_939, %dma_start3A_940] : memref<2x6144xf32, #tpu.memory_space<vmem>> -> memref<1x6144xf32, #tpu.memory_space<vmem>>
        %dma_start3A_942 = tpu.memref_squeeze %dma_start3A_941 : memref<1x6144xf32, #tpu.memory_space<vmem>> -> memref<6144xf32, #tpu.memory_space<vmem>>
        %dma_start3A_943 = arith.constant 5376 : i32
        %dma_start3A_944 = tpu.memref_slice %dma_start3A_942[%dma_start3A_943] : memref<6144xf32, #tpu.memory_space<vmem>> -> memref<256xf32, #tpu.memory_space<vmem>>
        %dma_start3A_945 = arith.constant 0 : i32
        %dma_start3A_946 = tpu.memref_slice %arg5[%dma_start3A_938, %dma_start3A_945] : memref<2x2048xi32, #tpu.memory_space<vmem>> -> memref<1x2048xi32, #tpu.memory_space<vmem>>
        %dma_start3A_947 = tpu.memref_squeeze %dma_start3A_946 : memref<1x2048xi32, #tpu.memory_space<vmem>> -> memref<2048xi32, #tpu.memory_space<vmem>>
        %dma_start3A_948 = arith.constant 1280 : i32
        %dma_start3A_949 = tpu.memref_slice %dma_start3A_947[%dma_start3A_948] : memref<2048xi32, #tpu.memory_space<vmem>> -> memref<256xi32, #tpu.memory_space<vmem>>
        %dma_start3A_950 = arith.constant 2000000 : i32
        %dma_start3A_951 = tpu.memref_slice %arg3[%dma_start3A_950] : memref<3000000xf32, #tpu.memory_space<hbm>> -> memref<1000000xf32, #tpu.memory_space<hbm>>
        %dma_start3A_952 = arith.constant 0 : i32
        %dma_start3A_953 = tpu.memref_slice %dma_start3A_951[%dma_start3A_952] : memref<1000000xf32, #tpu.memory_space<hbm>> -> memref<1000000xf32, #tpu.memory_space<hbm>>
        tpu.enqueue_indirect_dma source(%dma_start3A_953 : memref<1000000xf32, #tpu.memory_space<hbm>>) target(%dma_start3A_944 : memref<256xf32, #tpu.memory_space<vmem>>) offsets(%dma_start3A_949 : memref<256xi32, #tpu.memory_space<vmem>>) semaphore(%arg9 : memref<!tpu.dma_semaphore, #tpu.memory_space<semaphore_mem>>)
        %dma_start3A_954 = arith.constant 0 : i32
        %dma_start3A_955 = arith.constant 0 : i32
        %dma_start3A_956 = arith.constant 0 : i32
        %dma_start3A_957 = tpu.memref_slice %arg6[%dma_start3A_955, %dma_start3A_956] : memref<2x6144xf32, #tpu.memory_space<vmem>> -> memref<1x6144xf32, #tpu.memory_space<vmem>>
        %dma_start3A_958 = tpu.memref_squeeze %dma_start3A_957 : memref<1x6144xf32, #tpu.memory_space<vmem>> -> memref<6144xf32, #tpu.memory_space<vmem>>
        %dma_start3A_959 = arith.constant 5632 : i32
        %dma_start3A_960 = tpu.memref_slice %dma_start3A_958[%dma_start3A_959] : memref<6144xf32, #tpu.memory_space<vmem>> -> memref<256xf32, #tpu.memory_space<vmem>>
        %dma_start3A_961 = arith.constant 0 : i32
        %dma_start3A_962 = tpu.memref_slice %arg5[%dma_start3A_954, %dma_start3A_961] : memref<2x2048xi32, #tpu.memory_space<vmem>> -> memref<1x2048xi32, #tpu.memory_space<vmem>>
        %dma_start3A_963 = tpu.memref_squeeze %dma_start3A_962 : memref<1x2048xi32, #tpu.memory_space<vmem>> -> memref<2048xi32, #tpu.memory_space<vmem>>
        %dma_start3A_964 = arith.constant 1536 : i32
        %dma_start3A_965 = tpu.memref_slice %dma_start3A_963[%dma_start3A_964] : memref<2048xi32, #tpu.memory_space<vmem>> -> memref<256xi32, #tpu.memory_space<vmem>>
        %dma_start3A_966 = arith.constant 2000000 : i32
        %dma_start3A_967 = tpu.memref_slice %arg3[%dma_start3A_966] : memref<3000000xf32, #tpu.memory_space<hbm>> -> memref<1000000xf32, #tpu.memory_space<hbm>>
        %dma_start3A_968 = arith.constant 0 : i32
        %dma_start3A_969 = tpu.memref_slice %dma_start3A_967[%dma_start3A_968] : memref<1000000xf32, #tpu.memory_space<hbm>> -> memref<1000000xf32, #tpu.memory_space<hbm>>
        tpu.enqueue_indirect_dma source(%dma_start3A_969 : memref<1000000xf32, #tpu.memory_space<hbm>>) target(%dma_start3A_960 : memref<256xf32, #tpu.memory_space<vmem>>) offsets(%dma_start3A_965 : memref<256xi32, #tpu.memory_space<vmem>>) semaphore(%arg9 : memref<!tpu.dma_semaphore, #tpu.memory_space<semaphore_mem>>)
        %dma_start3A_970 = arith.constant 0 : i32
        %dma_start3A_971 = arith.constant 0 : i32
        %dma_start3A_972 = arith.constant 0 : i32
        %dma_start3A_973 = tpu.memref_slice %arg6[%dma_start3A_971, %dma_start3A_972] : memref<2x6144xf32, #tpu.memory_space<vmem>> -> memref<1x6144xf32, #tpu.memory_space<vmem>>
        %dma_start3A_974 = tpu.memref_squeeze %dma_start3A_973 : memref<1x6144xf32, #tpu.memory_space<vmem>> -> memref<6144xf32, #tpu.memory_space<vmem>>
        %dma_start3A_975 = arith.constant 5888 : i32
        %dma_start3A_976 = tpu.memref_slice %dma_start3A_974[%dma_start3A_975] : memref<6144xf32, #tpu.memory_space<vmem>> -> memref<256xf32, #tpu.memory_space<vmem>>
        %dma_start3A_977 = arith.constant 0 : i32
        %dma_start3A_978 = tpu.memref_slice %arg5[%dma_start3A_970, %dma_start3A_977] : memref<2x2048xi32, #tpu.memory_space<vmem>> -> memref<1x2048xi32, #tpu.memory_space<vmem>>
        %dma_start3A_979 = tpu.memref_squeeze %dma_start3A_978 : memref<1x2048xi32, #tpu.memory_space<vmem>> -> memref<2048xi32, #tpu.memory_space<vmem>>
        %dma_start3A_980 = arith.constant 1792 : i32
        %dma_start3A_981 = tpu.memref_slice %dma_start3A_979[%dma_start3A_980] : memref<2048xi32, #tpu.memory_space<vmem>> -> memref<256xi32, #tpu.memory_space<vmem>>
        %dma_start3A_982 = arith.constant 2000000 : i32
        %dma_start3A_983 = tpu.memref_slice %arg3[%dma_start3A_982] : memref<3000000xf32, #tpu.memory_space<hbm>> -> memref<1000000xf32, #tpu.memory_space<hbm>>
        %dma_start3A_984 = arith.constant 0 : i32
        %dma_start3A_985 = tpu.memref_slice %dma_start3A_983[%dma_start3A_984] : memref<1000000xf32, #tpu.memory_space<hbm>> -> memref<1000000xf32, #tpu.memory_space<hbm>>
        tpu.enqueue_indirect_dma source(%dma_start3A_985 : memref<1000000xf32, #tpu.memory_space<hbm>>) target(%dma_start3A_976 : memref<256xf32, #tpu.memory_space<vmem>>) offsets(%dma_start3A_981 : memref<256xi32, #tpu.memory_space<vmem>>) semaphore(%arg9 : memref<!tpu.dma_semaphore, #tpu.memory_space<semaphore_mem>>)
      } else {
      }
      %dma_wait3A_536 = arith.constant 1 : i32
      %dma_wait3A_537 = arith.constant 0 : i32
      %dma_wait3A_538 = tpu.memref_slice %arg6[%dma_wait3A_536, %dma_wait3A_537] : memref<2x6144xf32, #tpu.memory_space<vmem>> -> memref<1x6144xf32, #tpu.memory_space<vmem>>
      %dma_wait3A_539 = tpu.memref_squeeze %dma_wait3A_538 : memref<1x6144xf32, #tpu.memory_space<vmem>> -> memref<6144xf32, #tpu.memory_space<vmem>>
      %dma_wait3A_540 = arith.constant 0 : i32
      %dma_wait3A_541 = tpu.memref_slice %arg3[%dma_wait3A_540] : memref<3000000xf32, #tpu.memory_space<hbm>> -> memref<6144xf32, #tpu.memory_space<hbm>>
      %dma_wait3A_542 = arith.constant 0 : i32
      %dma_wait3A_543 = tpu.memref_slice %arg6[%dma_wait3A_536, %dma_wait3A_542] : memref<2x6144xf32, #tpu.memory_space<vmem>> -> memref<1x6144xf32, #tpu.memory_space<vmem>>
      %dma_wait3A_544 = tpu.memref_squeeze %dma_wait3A_543 : memref<1x6144xf32, #tpu.memory_space<vmem>> -> memref<6144xf32, #tpu.memory_space<vmem>>
      %dma_wait3A_545 = arith.constant 0 : i32
      %dma_wait3A_546 = tpu.memref_slice %arg3[%dma_wait3A_545] : memref<3000000xf32, #tpu.memory_space<hbm>> -> memref<6144xf32, #tpu.memory_space<hbm>>
      tpu.wait_dma2 semaphore(%arg10 : memref<!tpu.dma_semaphore, #tpu.memory_space<semaphore_mem>>) src(%dma_wait3A_546 : memref<6144xf32, #tpu.memory_space<hbm>>) dst(%dma_wait3A_544 : memref<6144xf32, #tpu.memory_space<vmem>>)
      %add3A_547 = arith.constant 2 : i32
      %add3A_548 = arith.addi %add3A_520, %add3A_547 : i32
      %le3A_549 = arith.constant 49 : i32
      %le3A_550 = arith.cmpi sle, %add3A_548, %le3A_549 : i32
      %convert_element_type3A_551 = arith.extui %le3A_550 : i1 to i32
      %cond3A_552 = arith.constant 0 : i32
      %cond3A_553 = arith.cmpi ne, %convert_element_type3A_551, %cond3A_552 : i32
      scf.if %cond3A_553 {
        %add3A_602 = arith.constant 2 : i32
        %add3A_603 = arith.addi %add3A_520, %add3A_602 : i32
        %mul3A_604 = arith.constant 2048 : i32
        %mul3A_605 = arith.muli %add3A_603, %mul3A_604 : i32
        %add3A_606 = arith.addi %mul3A_2, %mul3A_605 : i32
        %dma_start3A_607 = arith.constant 1 : i32
        %dma_start3A_608 = arith.constant 0 : i32
        %dma_start3A_609 = tpu.memref_slice %arg5[%dma_start3A_607, %dma_start3A_608] : memref<2x2048xi32, #tpu.memory_space<vmem>> -> memref<1x2048xi32, #tpu.memory_space<vmem>>
        %dma_start3A_610 = tpu.memref_squeeze %dma_start3A_609 : memref<1x2048xi32, #tpu.memory_space<vmem>> -> memref<2048xi32, #tpu.memory_space<vmem>>
        %dma_start3A_611 = tpu.memref_slice %arg2[%add3A_606] : memref<3276800xi32, #tpu.memory_space<hbm>> -> memref<2048xi32, #tpu.memory_space<hbm>>
        %dma_start3A_612 = arith.constant 0 : i32
        %dma_start3A_613 = tpu.memref_slice %arg5[%dma_start3A_607, %dma_start3A_612] : memref<2x2048xi32, #tpu.memory_space<vmem>> -> memref<1x2048xi32, #tpu.memory_space<vmem>>
        %dma_start3A_614 = tpu.memref_squeeze %dma_start3A_613 : memref<1x2048xi32, #tpu.memory_space<vmem>> -> memref<2048xi32, #tpu.memory_space<vmem>>
        %dma_start3A_615 = tpu.memref_slice %arg2[%add3A_606] : memref<3276800xi32, #tpu.memory_space<hbm>> -> memref<2048xi32, #tpu.memory_space<hbm>>
        tpu.enqueue_dma source(%dma_start3A_615 : memref<2048xi32, #tpu.memory_space<hbm>>) target(%dma_start3A_614 : memref<2048xi32, #tpu.memory_space<vmem>>) target_semaphore(%arg8 : memref<!tpu.dma_semaphore, #tpu.memory_space<semaphore_mem>>)
      } else {
      }
      %mul3A_554 = arith.constant 2048 : i32
      %mul3A_555 = arith.muli %add3A_520, %mul3A_554 : i32
      %add3A_556 = arith.addi %mul3A_2, %mul3A_555 : i32
      %add3A_557 = arith.constant 0 : i32
      %add3A_558 = arith.addi %add3A_557, %add3A_556 : i32
      %dma_start3A_559 = arith.constant 1 : i32
      %dma_start3A_560 = arith.constant 0 : i32
      %dma_start3A_561 = tpu.memref_slice %arg6[%dma_start3A_559, %dma_start3A_560] : memref<2x6144xf32, #tpu.memory_space<vmem>> -> memref<1x6144xf32, #tpu.memory_space<vmem>>
      %dma_start3A_562 = tpu.memref_squeeze %dma_start3A_561 : memref<1x6144xf32, #tpu.memory_space<vmem>> -> memref<6144xf32, #tpu.memory_space<vmem>>
      %dma_start3A_563 = arith.constant 0 : i32
      %dma_start3A_564 = tpu.memref_slice %dma_start3A_562[%dma_start3A_563] : memref<6144xf32, #tpu.memory_space<vmem>> -> memref<2048xf32, #tpu.memory_space<vmem>>
      %dma_start3A_565 = tpu.memref_slice %arg4[%add3A_558] : memref<9830400xf32, #tpu.memory_space<hbm>> -> memref<2048xf32, #tpu.memory_space<hbm>>
      %dma_start3A_566 = tpu.memref_slice %arg4[%add3A_558] : memref<9830400xf32, #tpu.memory_space<hbm>> -> memref<2048xf32, #tpu.memory_space<hbm>>
      %dma_start3A_567 = arith.constant 0 : i32
      %dma_start3A_568 = tpu.memref_slice %arg6[%dma_start3A_559, %dma_start3A_567] : memref<2x6144xf32, #tpu.memory_space<vmem>> -> memref<1x6144xf32, #tpu.memory_space<vmem>>
      %dma_start3A_569 = tpu.memref_squeeze %dma_start3A_568 : memref<1x6144xf32, #tpu.memory_space<vmem>> -> memref<6144xf32, #tpu.memory_space<vmem>>
      %dma_start3A_570 = arith.constant 0 : i32
      %dma_start3A_571 = tpu.memref_slice %dma_start3A_569[%dma_start3A_570] : memref<6144xf32, #tpu.memory_space<vmem>> -> memref<2048xf32, #tpu.memory_space<vmem>>
      tpu.enqueue_dma source(%dma_start3A_571 : memref<2048xf32, #tpu.memory_space<vmem>>) target(%dma_start3A_566 : memref<2048xf32, #tpu.memory_space<hbm>>) target_semaphore(%arg12 : memref<!tpu.dma_semaphore, #tpu.memory_space<semaphore_mem>>)
      %add3A_572 = arith.constant 3276800 : i32
      %add3A_573 = arith.addi %add3A_572, %add3A_556 : i32
      %dma_start3A_574 = arith.constant 1 : i32
      %dma_start3A_575 = arith.constant 0 : i32
      %dma_start3A_576 = tpu.memref_slice %arg6[%dma_start3A_574, %dma_start3A_575] : memref<2x6144xf32, #tpu.memory_space<vmem>> -> memref<1x6144xf32, #tpu.memory_space<vmem>>
      %dma_start3A_577 = tpu.memref_squeeze %dma_start3A_576 : memref<1x6144xf32, #tpu.memory_space<vmem>> -> memref<6144xf32, #tpu.memory_space<vmem>>
      %dma_start3A_578 = arith.constant 2048 : i32
      %dma_start3A_579 = tpu.memref_slice %dma_start3A_577[%dma_start3A_578] : memref<6144xf32, #tpu.memory_space<vmem>> -> memref<2048xf32, #tpu.memory_space<vmem>>
      %dma_start3A_580 = tpu.memref_slice %arg4[%add3A_573] : memref<9830400xf32, #tpu.memory_space<hbm>> -> memref<2048xf32, #tpu.memory_space<hbm>>
      %dma_start3A_581 = tpu.memref_slice %arg4[%add3A_573] : memref<9830400xf32, #tpu.memory_space<hbm>> -> memref<2048xf32, #tpu.memory_space<hbm>>
      %dma_start3A_582 = arith.constant 0 : i32
      %dma_start3A_583 = tpu.memref_slice %arg6[%dma_start3A_574, %dma_start3A_582] : memref<2x6144xf32, #tpu.memory_space<vmem>> -> memref<1x6144xf32, #tpu.memory_space<vmem>>
      %dma_start3A_584 = tpu.memref_squeeze %dma_start3A_583 : memref<1x6144xf32, #tpu.memory_space<vmem>> -> memref<6144xf32, #tpu.memory_space<vmem>>
      %dma_start3A_585 = arith.constant 2048 : i32
      %dma_start3A_586 = tpu.memref_slice %dma_start3A_584[%dma_start3A_585] : memref<6144xf32, #tpu.memory_space<vmem>> -> memref<2048xf32, #tpu.memory_space<vmem>>
      tpu.enqueue_dma source(%dma_start3A_586 : memref<2048xf32, #tpu.memory_space<vmem>>) target(%dma_start3A_581 : memref<2048xf32, #tpu.memory_space<hbm>>) target_semaphore(%arg12 : memref<!tpu.dma_semaphore, #tpu.memory_space<semaphore_mem>>)
      %add3A_587 = arith.constant 6553600 : i32
      %add3A_588 = arith.addi %add3A_587, %add3A_556 : i32
      %dma_start3A_589 = arith.constant 1 : i32
      %dma_start3A_590 = arith.constant 0 : i32
      %dma_start3A_591 = tpu.memref_slice %arg6[%dma_start3A_589, %dma_start3A_590] : memref<2x6144xf32, #tpu.memory_space<vmem>> -> memref<1x6144xf32, #tpu.memory_space<vmem>>
      %dma_start3A_592 = tpu.memref_squeeze %dma_start3A_591 : memref<1x6144xf32, #tpu.memory_space<vmem>> -> memref<6144xf32, #tpu.memory_space<vmem>>
      %dma_start3A_593 = arith.constant 4096 : i32
      %dma_start3A_594 = tpu.memref_slice %dma_start3A_592[%dma_start3A_593] : memref<6144xf32, #tpu.memory_space<vmem>> -> memref<2048xf32, #tpu.memory_space<vmem>>
      %dma_start3A_595 = tpu.memref_slice %arg4[%add3A_588] : memref<9830400xf32, #tpu.memory_space<hbm>> -> memref<2048xf32, #tpu.memory_space<hbm>>
      %dma_start3A_596 = tpu.memref_slice %arg4[%add3A_588] : memref<9830400xf32, #tpu.memory_space<hbm>> -> memref<2048xf32, #tpu.memory_space<hbm>>
      %dma_start3A_597 = arith.constant 0 : i32
      %dma_start3A_598 = tpu.memref_slice %arg6[%dma_start3A_589, %dma_start3A_597] : memref<2x6144xf32, #tpu.memory_space<vmem>> -> memref<1x6144xf32, #tpu.memory_space<vmem>>
      %dma_start3A_599 = tpu.memref_squeeze %dma_start3A_598 : memref<1x6144xf32, #tpu.memory_space<vmem>> -> memref<6144xf32, #tpu.memory_space<vmem>>
      %dma_start3A_600 = arith.constant 4096 : i32
      %dma_start3A_601 = tpu.memref_slice %dma_start3A_599[%dma_start3A_600] : memref<6144xf32, #tpu.memory_space<vmem>> -> memref<2048xf32, #tpu.memory_space<vmem>>
      tpu.enqueue_dma source(%dma_start3A_601 : memref<2048xf32, #tpu.memory_space<vmem>>) target(%dma_start3A_596 : memref<2048xf32, #tpu.memory_space<hbm>>) target_semaphore(%arg12 : memref<!tpu.dma_semaphore, #tpu.memory_space<semaphore_mem>>)
    }
    %scan3A_424 = arith.constant 25 : i32
    %mul3A_425 = arith.constant 3 : i32
    %mul3A_426 = arith.muli %mul3A_2, %mul3A_425 : i32
    %dma_wait3A_427 = arith.constant 1 : i32
    %dma_wait3A_428 = arith.constant 0 : i32
    %dma_wait3A_429 = tpu.memref_slice %arg6[%dma_wait3A_427, %dma_wait3A_428] : memref<2x6144xf32, #tpu.memory_space<vmem>> -> memref<1x6144xf32, #tpu.memory_space<vmem>>
    %dma_wait3A_430 = tpu.memref_squeeze %dma_wait3A_429 : memref<1x6144xf32, #tpu.memory_space<vmem>> -> memref<6144xf32, #tpu.memory_space<vmem>>
    %dma_wait3A_431 = tpu.memref_slice %arg4[%mul3A_426] : memref<9830400xf32, #tpu.memory_space<hbm>> -> memref<6144xf32, #tpu.memory_space<hbm>>
    %dma_wait3A_432 = tpu.memref_slice %arg4[%mul3A_426] : memref<9830400xf32, #tpu.memory_space<hbm>> -> memref<6144xf32, #tpu.memory_space<hbm>>
    %dma_wait3A_433 = arith.constant 0 : i32
    %dma_wait3A_434 = tpu.memref_slice %arg6[%dma_wait3A_427, %dma_wait3A_433] : memref<2x6144xf32, #tpu.memory_space<vmem>> -> memref<1x6144xf32, #tpu.memory_space<vmem>>
    %dma_wait3A_435 = tpu.memref_squeeze %dma_wait3A_434 : memref<1x6144xf32, #tpu.memory_space<vmem>> -> memref<6144xf32, #tpu.memory_space<vmem>>
    tpu.wait_dma2 semaphore(%arg12 : memref<!tpu.dma_semaphore, #tpu.memory_space<semaphore_mem>>) src(%dma_wait3A_435 : memref<6144xf32, #tpu.memory_space<vmem>>) dst(%dma_wait3A_432 : memref<6144xf32, #tpu.memory_space<hbm>>)
    return
  }
}

</mosaic_0001>

<sc_bundles>
// kernel: kernel.3.cloned.1.call-start
scs
__scs_entry_jumppad:
0x0: {  	(pc) =	sbr.rel $0x88, $3  }
0x1: {  	(tag) =	ssettag $0x0;
	lr =	simm.s32 $0x1  }
0x2: {  	[smem:$0x3F9F] =	sst lr;
	_ =	strace $0xD0000000  }
0x3: {  	_ = 	snop  }
0x4: {  	_ = 	snop  }
0x5: {  	_ = 	snop  }
0x6: {  	_ = 	snop  }
0x7: {  	_ = 	snop  }
__scs_overlays_trampoline_lowered:
0x8: {  	[smem:$0x3FAE] =	sst s0  }
0x9: {  	[smem:$0x3FAF] =	sst s1  }
0xa: {  	[smem:$0x3FB0] =	sst s2  }
0xb: {  	[smem:$0x3FB1] =	sst s3  }
0xc: {  	[smem:$0x3FB2] =	sst s4  }
0xd: {  	[smem:$0x3FB3] =	sst s5  }
0xe: {  	[smem:$0x3FB4] =	sst s6  }
0xf: {  	[smem:$0x3FB5] =	sst s7  }
0x10: {  	[smem:$0x3FB6] =	sst s8  }
0x11: {  	[smem:$0x3FB7] =	sst s9;
	s0 =	simm.s32 @!p0 $0x0  }
0x12: {  	s1 =	sld [smem:$0x3F9D];
	s0 =	simm.s32 @p0 $0x1  }
0x13: {  	[smem:$0x3FB8] =	sst s0;
	s0 =	simm.s32 @!p1 $0x0  }
0x14: {  	s2 =	sld [smem:$0x3F9C];
	s0 =	simm.s32 @p1 $0x1  }
0x15: {  	[smem:$0x3FB9] =	sst s0;
	s0 =	simm.s32 @!p2 $0x0  }
0x16: {  	s3 =	sld [smem:$0x3FDB];
	s0 =	simm.s32 @p2 $0x1  }
0x17: {  	s4 =	simm.s32 $0x1BF5;
	[smem:$0x3FBB] =	sst s0  }
0x18: {  	s0 =	sld [smem:$0x3F9E];
	_ =	swait.ge [sflag:s4], $0x0  }
0x19: {  	s7 =	sld [smem:$0x3F9F]  }
0x1a: {  	s8 =	sadd.s32 $0xFFFFE003, lr  }
0x1b: {  	s9 =	sadd.s32 $0xFFFFFEF7, lr;
	s5 =	simm.s32 $0xFFFFFFFF;
	p2 =	slt.u32 s8, $0xFFFFF086  }
0x1c: {  	p1 =	slt.u32 s9, $0xF7A;
	s5 =	simm.s32 @!p2 $0x0  }
0x1d: {  	s5 =	simm.s32 @p1 $0x1;
	p0 =	seq.s32 s7, s2  }
0x1e: {  	s7 =	smul.u32 @!p0 $0xF7A, s2;
	p2 =	seq.s32 @!p0 s5, $0x0  }
0x1f: {  	s9 =	smul.u32 $0xF7A, s1;
	s8 =	simm.s32 @!p0 $0x1BF5;
	p2 =	por !p2, p0  }
0x20: {  	[sflag:s8] =	ssyncset.s32 @!p0 $0xFFFFF086;
	s6 =	sadd.s32 @!p0 s3, s7;
	s7 =	simm.s32 @!p0 $0x108  }
0x21: {  	s3 =	sadd.s32 s3, s9;
	s6 =	sadd.s32 @!p0 $0x88, s6;
	s7 =	simm.s32 @p2 $0x1082  }
0x22: {  	[simem:s7], [sflag:s8] =	dma.local @!p0 [hbm:s6], $0xF7A  }
0x23: {  	s9 =	sor.u32 $0xD0000000, s2;
	s6 =	simm.s32 $0x108;
	_ =	swait.ge @!p0 [sflag:s8], $0x0  }
0x24: {  	s3 =	sadd.s32 $0x88, s3;
	s6 =	simm.s32 @!p1 $0x1082;
	[sflag:s4] =	ssyncset.s32 $0xFFFFF086  }
0x25: {  	[simem:s6], [sflag:s4] =	dma.local [hbm:s3], $0xF7A  }
0x26: {  	[smem:$0x3F9F] =	sst s1;
	(tag) =	ssettag s2;
	_ =	strace s9  }
0x27: {  	s1 =	sld [smem:$0x3FAF]  }
0x28: {  	s2 =	sld [smem:$0x3FB0]  }
0x29: {  	s4 =	sld [smem:$0x3FB2]  }
0x2a: {  	p0 =	seq.s32 s5, $0x0;
	s5 =	sld [smem:$0x3FB3]  }
0x2b: {  	s6 =	sld [smem:$0x3FB4]  }
0x2c: {  	s7 =	sld [smem:$0x3FB5]  }
0x2d: {  	s3 =	simm.s32 $0x108;
	s8 =	sld [smem:$0x3FB6]  }
0x2e: {  	s3 =	simm.s32 @!p0 $0x1082;
	s9 =	sld [smem:$0x3FB7]  }
0x2f: {  	lr =	sadd.s32 s0, s3;
	s0 =	sld [smem:$0x3FAE]  }
0x30: {  	s3 =	sld [smem:$0x3FB1]  }
0x31: {  	[smem:$0x3FBA] =	sst s10  }
0x32: {  	s10 =	sld [smem:$0x3FB8];
	_ =	sdelay $0x3  }
0x33: {  	p0 =	seq.s32 s10, $0x1;
	s10 =	sld [smem:$0x3FBA];
	_ =	sdelay $0x3  }
0x34: {  	[smem:$0x3FBA] =	sst s10  }
0x35: {  	s10 =	sld [smem:$0x3FB9];
	_ =	sdelay $0x3  }
0x36: {  	p1 =	seq.s32 s10, $0x1;
	s10 =	sld [smem:$0x3FBA];
	_ =	sdelay $0x3  }
0x37: {  	[smem:$0x3FBA] =	sst s10  }
0x38: {  	s10 =	sld [smem:$0x3FBB]  }
0x39: {  	_ = 	snop;
	(pc) =	sbr.ind lr, $3  }
0x3a: {  	_ = 	snop  }
0x3b: {  	_ = 	snop  }
0x3c: {  	p2 =	seq.s32 s10, $0x1;
	s10 =	sld [smem:$0x3FBA]  }
0x3d: {  	_ =	shalt  }
0x3e: {  	_ =	shalt  }
0x3f: {  	_ =	shalt  }
0x40: {  	_ =	shalt  }
0x41: {  	_ =	shalt  }
0x42: {  	_ =	shalt  }
0x43: {  	_ =	shalt  }
0x44: {  	_ =	shalt  }
0x45: {  	_ =	shalt  }
0x46: {  	_ =	shalt  }
0x47: {  	_ =	shalt  }
0x48: {  	_ =	shalt  }
0x49: {  	_ =	shalt  }
0x4a: {  	_ =	shalt  }
0x4b: {  	_ =	shalt  }
0x4c: {  	_ =	shalt  }
0x4d: {  	_ =	shalt  }
0x4e: {  	_ =	shalt  }
0x4f: {  	_ =	shalt  }
0x50: {  	_ =	shalt  }
0x51: {  	_ =	shalt  }
0x52: {  	_ =	shalt  }
0x53: {  	_ =	shalt  }
0x54: {  	_ =	shalt  }
0x55: {  	_ =	shalt  }
0x56: {  	_ =	shalt  }
0x57: {  	_ =	shalt  }
0x58: {  	_ =	shalt  }
0x59: {  	_ =	shalt  }
0x5a: {  	_ =	shalt  }
0x5b: {  	_ =	shalt  }
0x5c: {  	_ =	shalt  }
0x5d: {  	_ =	shalt  }
0x5e: {  	_ =	shalt  }
0x5f: {  	_ =	shalt  }
0x60: {  	_ =	shalt  }
0x61: {  	_ =	shalt  }
0x62: {  	_ =	shalt  }
0x63: {  	_ =	shalt  }
0x64: {  	_ =	shalt  }
0x65: {  	_ =	shalt  }
0x66: {  	_ =	shalt  }
0x67: {  	_ =	shalt  }
0x68: {  	_ =	shalt  }
0x69: {  	_ =	shalt  }
0x6a: {  	_ =	shalt  }
0x6b: {  	_ =	shalt  }
0x6c: {  	_ =	shalt  }
0x6d: {  	_ =	shalt  }
0x6e: {  	_ =	shalt  }
0x6f: {  	_ =	shalt  }
0x70: {  	_ =	shalt  }
0x71: {  	_ =	shalt  }
0x72: {  	_ =	shalt  }
0x73: {  	_ =	shalt  }
0x74: {  	_ =	shalt  }
0x75: {  	_ =	shalt  }
0x76: {  	_ =	shalt  }
0x77: {  	_ =	shalt  }
0x78: {  	_ =	shalt  }
0x79: {  	_ =	shalt  }
0x7a: {  	_ =	shalt  }
0x7b: {  	_ =	shalt  }
0x7c: {  	_ =	shalt  }
0x7d: {  	_ =	shalt  }
0x7e: {  	_ =	shalt  }
0x7f: {  	_ =	shalt  }
0x80: {  	_ =	shalt  }
0x81: {  	_ =	shalt  }
0x82: {  	_ =	shalt  }
0x83: {  	_ =	shalt  }
0x84: {  	_ =	shalt  }
0x85: {  	_ =	shalt  }
0x86: {  	_ =	shalt  }
0x87: {  	_ =	shalt  }
.Lfunc_end0:
.L_simem_size_0:
called_computation.1_lowered:
.L_overlay_start_0:
0x88: {  	s2 =	sld [smem:$0x3FD9]  }
0x89: {  	s3 =	sld [smem:$0x3FFE];
	_ =	sdelay $0x1  }
0x8a: {  	s1 =	srdreg.scid  }
0x8b: {  	s0 =	sand.u32 $0x1, s1  }
0x8c: {  	s17 =	sshll.u32 s0, $0xA;
	s2 =	sadd.s32 s3, s2  }
0x8d: {  	s2 =	sadd.s32 s2, s17  }
0x8e: {  	[smem:$0x3FC6] =	sst s2  }
0x8f: {  	_ = 	snop  }
0x90: {  	s2 =	sld [smem:$0x3FD0];
	(tm) =	ssettm $0x1  }
0x91: {  	s18 =	sld [smem:$0x3FFB];
	_ =	sdelay $0x3  }
0x92: {  	_ =	strace s18  }
0x93: {  	s3 =	sld [smem:$0x3FFC];
	_ =	sdelay $0x3  }
0x94: {  	_ =	strace s3  }
0x95: {  	s3 =	sld [smem:$0x3FFD];
	_ =	sdelay $0x3  }
0x96: {  	_ =	strace s3  }
0x97: {  	_ =	strace $0x8FFFFFFF  }
0x98: {  	s19 =	sld [smem:$0x3FDB];
	_ =	sdelay $0x1  }
0x99: {  	s4 =	simm.s32 $_scs_section_size  }
0x9a: {  	s5 =	simm.s32 $_size__tile_overlayer_lowered;
	s6 =	simm.s32 $_tile_overlayer_lowered  }
0x9b: {  	s22 =	simm.s32 $0x1BFF;
	s21 =	sshll.u32 s6, $0x1;
	s3 =	sadd.s32 s4, s19  }
0x9c: {  	s7 =	simm.s32 $0x0;
	s20 =	sshll.u32 s5, $0x1;
	s5 =	sadd.s32 s21, s3  }
0x9d: {  	[timem:s7], [sflag:s22] =	dma.local [hbm:s5], s20  }
0x9e: {  	_ =	swait.ge [sflag:s22], s20  }
0x9f: {  	s4 =	ssub.s32 $0x0, s20;
	[sflag:s22] =	ssyncset.done $0x0  }
0xa0: {  	[sflag:s22] =	ssyncadd.s32 s4;
	_ =	sdelay $0x1  }
0xa1: {  	s23 =	simm.s32 $0x1B8B  }
0xa2: {  	_ =	swait.ge [sflag:s23], $0x1  }
0xa3: {  	[sflag:s23] =	ssyncset.done $0x0  }
0xa4: {  	s25 =	simm.s32 $0x1B8E;
	s24 =	sld [smem:$0x3FFE];
	[sflag:s23] =	ssyncadd.s32 $0xFFFFFFFF  }
0xa5: {  	s26 =	simm.s32 $execute0_lowered;
	[smem:$0x3FD2] =	sst s25  }
0xa6: {  	s5 =	sshll.u32 s26, $0x1;
	_ =	strace $0x80000046;
	[dreg:$0x1] =	wrdreg $0xFFFFFFFF  }
0xa7: {  	s28 =	simm.s32 $_size_execute0_lowered;
	s3 =	sadd.s32 s3, s5;
	[dreg:$0x0] =	wrdreg $0x0  }
0xa8: {  	s5 =	sshll.u32 s28, $0x1;
	[dreg:$0x2] =	wrdreg s3  }
0xa9: {  	[dreg:$0x3] =	wrdreg s5  }
0xaa: {  	[dreg:$0x4] =	wrdreg $0xC0  }
0xab: {  	_ =	task [dreg:s7], $0x5FFFF  }
0xac: {  	[dreg:$0x1] =	wrdreg $0xFFFFFFFF  }
0xad: {  	[dreg:$0x0] =	wrdreg $0x60  }
0xae: {  	[dreg:$0x2] =	wrdreg s24  }
0xaf: {  	[dreg:$0x3] =	wrdreg s2  }
0xb0: {  	[dreg:$0x4] =	wrdreg $0x9  }
0xb1: {  	_ =	task.clear_ibuf [dreg:s7], $0x5FFFF;
	_ =	strace $0x90000046  }
0xb2: {  	s29 =	simm.s32 $0x9;
	_ =	strace $0x80000048  }
0xb3: {  	_ =	swait.ge [sflag:s29], $0x1  }
0xb4: {  	[sflag:s29] =	ssyncadd.s32 $0xFFFFFFFF  }
0xb5: {  	_ =	strace $0x90000048  }
0xb6: {  	_ =	sfence  }
0xb7: {  	s30 =	sld [smem:$0x0];
	_ =	sdelay $0x2  }
0xb8: {  	s31 =	sshll.u32 s1, $0xD;
	s1 =	sshrl.u32 s1, $0x2  }
0xb9: {  	s3 =	sand.u32 $0x4000, s31;
	s1 =	sadd.s32 s1, s30  }
0xba: {  	s0 =	sor.u32 s3, s0;
	s1 =	sshll.u32 s1, $0x11  }
0xbb: {  	s0 =	sor.u32 s1, s0  }
0xbc: {  	s0 =	sadd.s32 $0x8F2B, s0  }
0xbd: {  	[sflag:s0] =	ssyncadd.remote.s32 $0x1  }
0xbe: {  	_ =	sfence.sel $0xFFFF  }
0xbf: {  	[dreg:$0x0] =	wrdreg $0xFFFFFFFF;
	(pc) =	sbr.abs _section_cstart, $3  }
0xc0: {  	[dreg:$0x1] =	wrdreg $0xFFFFFFFF  }
0xc1: {  	_ =	task.clear_ibuf [dreg:s7], $0x2FFFF;
	_ =	strace $0x9FFFFFFF  }
0xc2: {  	(tm) =	ssettm $0x7FFFFFFF  }
0xc3: {  	_ =	shalt  }
tec
execute0_lowered:
.L_overlay_start_1:
0x0: {  	(tag) =	ssettag $0x1  }
0x1: {  	s0 =	srdreg.scid  }
0x2: {  	s3 =	stileid.u32;
	s2 =	rddreg [dreg:$0x0]  }
0x3: {  	s12 =	rddreg [dreg:$0x1];
	s4 =	simm.s32 $0x0;
	s18 =	simm.s32 $0x2900  }
0x4: {  	s20 =	simm.s32 $0x2A00;
	s21 =	simm.s32 $0x2B00;
	[smem:$0x7FF] =	sst s4  }
0x5: {  	s23 =	simm.s32 $0x2C00;
	_ =	strace $0x80000047;
	[dreg:$0x8] =	wrdreg s18  }
0x6: {  	s24 =	simm.s32 $0x2D00;
	s25 =	simm.s32 $0x2E00;
	[dreg:$0x9] =	wrdreg s20  }
0x7: {  	s26 =	simm.s32 $0x2F00;
	s5 =	simm.s32 $0x3200;
	[dreg:$0xa] =	wrdreg s21  }
0x8: {  	s7 =	simm.s32 $0x3300;
	s29 =	simm.s32 $0x1800;
	[dreg:$0xb] =	wrdreg s23  }
0x9: {  	s31 =	simm.s32 $0xC00;
	s30 =	simm.s32 $0x3000;
	[dreg:$0xc] =	wrdreg s24  }
0xa: {  	s28 =	simm.s32 $0x3;
	s0 =	sand.u32 $0x1, s0;
	[dreg:$0xd] =	wrdreg s25  }
0xb: {  	s1 =	sshll.u32 s3, $0x1;
	s10 =	smul.u32 $0x32000, s3;
	[dreg:$0xe] =	wrdreg s26  }
0xc: {  	s8 =	sadd.s32 $0x5D200, s2;
	s9 =	sadd.s32 $0x20048, s2;
	[dreg:$0x10] =	wrdreg s5  }
0xd: {  	s1 =	sor.u32 s0, s1;
	s11 =	smul.u32 $0x19000, s0;
	[dreg:$0x11] =	wrdreg s7  }
0xe: {  	s0 =	ssub.s32 $0x2, s0;
	s18 =	simm.s32 $0x3900;
	[smem:$0x7FD] =	sst s8  }
0xf: {  	s23 =	simm.s32 $0x1000;
	s20 =	simm.s32 $0x3A00;
	[dreg:$0x16] =	wrdreg s18  }
0x10: {  	s21 =	simm.s32 $0x3B00;
	s24 =	simm.s32 $0x3D00;
	[dreg:$0x17] =	wrdreg s20  }
0x11: {  	s25 =	simm.s32 $0x3E00;
	s26 =	simm.s32 $0x3F00;
	[dreg:$0x18] =	wrdreg s21  }
0x12: {  	s7 =	simm.s32 $0xE00;
	s5 =	simm.s32 $0xF00;
	[dreg:$0x1a] =	wrdreg s24  }
0x13: {  	s15 =	smul.u32 $0x19000, s1;
	s19 =	sshrl.u32 s0, $0x1;
	[dreg:$0x1b] =	wrdreg s25  }
0x14: {  	[dreg:$0x1c] =	wrdreg s26;
	s18 =	simm.s32 $0x2000;
	s21 =	simm.s32 $0x2  }
0x15: {  	s24 =	simm.s32 $0x2800;
	s25 =	simm.s32 $0xA00;
	s26 =	simm.s32 $0xB00  }
0x16: {  	s1 =	sadd.s32 s11, s10;
	s0 =	ssub.s32 s0, s19;
	s11 =	simm.s32 $0x3400  }
0x17: {  	s6 =	sadd.s32 $0x1800, s15;
	s3 =	sadd.s32 $0x1000, s1;
	[dreg:$0x12] =	wrdreg s11  }
0x18: {  	s13 =	sor.u32 $0x800, s1;
	s16 =	sadd.s32 $0x640800, s1;
	[dreg:$0x3] =	wrdreg s6  }
0x19: {  	s0 =	smax.u32 s0, $0x1;
	[dreg:$0x4] =	wrdreg s3;
	s14 =	sshrl.u32 s13, $0x3  }
0x1a: {  	s6 =	sshrl.u32 s16, $0x3;
	[dreg:$0x1f] =	wrdreg s0;
	s16 =	simm.s32 $0x3600  }
0x1b: {  	s1 =	sadd.s32 $0x320800, s1;
	s3 =	sadd.s32 s14, s12;
	[dreg:$0x14] =	wrdreg s16  }
0x1c: {  	s1 =	sshrl.u32 s1, $0x3;
	s17 =	sadd.s32 s6, s12;
	[dreg:$0x5] =	wrdreg s3  }
0x1d: {  	s10 =	sadd.s32 $0x3E890, s2;
	s1 =	sadd.s32 s1, s12;
	[dreg:$0x6] =	wrdreg s17  }
0x1e: {  	s22 =	sshrl.u32 s15, $0x3;
	s14 =	simm.s32 $0x3500;
	[dreg:$0x7] =	wrdreg s1  }
0x1f: {  	s19 =	simm.s32 $0x800;
	s3 =	sadd.s32 s8, s22;
	[dreg:$0x13] =	wrdreg s14  }
0x20: {  	s11 =	simm.s32 $0xD00;
	s17 =	simm.s32 $0x3700;
	[dreg:$0x1d] =	wrdreg s3  }
0x21: {  	s13 =	simm.s32 $0x100;
	s22 =	simm.s32 $0x3C00;
	[dreg:$0x15] =	wrdreg s17  }
0x22: {  	s6 =	sadd.s32 $0x1800, s2;
	s3 =	sadd.s32 $0x100, s3;
	[dreg:$0x19] =	wrdreg s22  }
0x23: {  	s1 =	simm.s32 $0x3800;
	[dreg:$0x1e] =	wrdreg s3;
	s3 =	simm.s32 $0x3100  }
0x24: {  	s22 =	simm.s32 $0x900;
	[dreg:$0xf] =	wrdreg s3;
	s3 =	simm.s32 $0x0  }
.LBB2_1:
0x25: {  	[smem:$0x7FC] =	sst s3  }
0x26: {  	s0 =	rddreg [dreg:$0x1d]  }
0x27: {  	[tilespmem:s4], [sflag:$0x1] =	stream.linear.gather [hbm4b:s0+s4], $0x800, $0x38;
	[tilespmem:$0x4000] =	vst v63  }
0x28: {  	s8 =	rddreg [dreg:$0x1e];
	s20 =	simm.s32 $0x1  }
0x29: {  	[tilespmem:s19], [sflag:$0x2] =	stream.linear.gather [hbm4b:s8+s4], $0x800, $0x38;
	[tilespmem:$0x4000] =	vst v63  }
0x2a: {  	_ =	swait.ge [sflag:s20], $0x800  }
0x2b: {  	[sflag:s20] =	ssyncset.done $0x0  }
0x2c: {  	[sflag:s20] =	ssyncadd.s32 $0xFFFFF800  }
0x2d: {  	[tilespmem:s23], [sflag:$0x3] =	stream.indirect.gather [hbm4b:s6+s13], $0x1, s4, s13, $0xb8;
	[tilespmem:$0x4000] =	vst v63  }
0x2e: {  	s14 =	simm.s32 $0x1100  }
0x2f: {  	[tilespmem:s14], [sflag:$0x3] =	stream.indirect.gather [hbm4b:s6+s13], $0x1, s13, s13, $0xb8;
	[tilespmem:$0x4000] =	vst v63  }
0x30: {  	s2 =	simm.s32 $0x1200;
	s0 =	simm.s32 $0x200  }
0x31: {  	[tilespmem:s2], [sflag:$0x3] =	stream.indirect.gather [hbm4b:s6+s13], $0x1, s0, s13, $0xb8;
	[tilespmem:$0x4000] =	vst v63  }
0x32: {  	s16 =	simm.s32 $0x1300;
	s2 =	simm.s32 $0x300  }
0x33: {  	[tilespmem:s16], [sflag:$0x3] =	stream.indirect.gather [hbm4b:s6+s13], $0x1, s2, s13, $0xb8;
	[tilespmem:$0x4000] =	vst v63  }
0x34: {  	s3 =	simm.s32 $0x400;
	s8 =	simm.s32 $0x1400  }
0x35: {  	[tilespmem:s8], [sflag:$0x3] =	stream.indirect.gather [hbm4b:s6+s13], $0x1, s3, s13, $0xb8;
	[tilespmem:$0x4000] =	vst v63  }
0x36: {  	s14 =	simm.s32 $0x1500;
	s8 =	simm.s32 $0x500  }
0x37: {  	[tilespmem:s14], [sflag:$0x3] =	stream.indirect.gather [hbm4b:s6+s13], $0x1, s8, s13, $0xb8;
	[tilespmem:$0x4000] =	vst v63  }
0x38: {  	s16 =	simm.s32 $0x1600;
	s14 =	simm.s32 $0x600  }
0x39: {  	[tilespmem:s16], [sflag:$0x3] =	stream.indirect.gather [hbm4b:s6+s13], $0x1, s14, s13, $0xb8;
	[tilespmem:$0x4000] =	vst v63  }
0x3a: {  	s17 =	simm.s32 $0x1700;
	s16 =	simm.s32 $0x700  }
0x3b: {  	[tilespmem:s17], [sflag:$0x3] =	stream.indirect.gather [hbm4b:s6+s13], $0x1, s16, s13, $0xb8;
	[tilespmem:$0x4000] =	vst v63  }
0x3c: {  	_ = 	snop  }
0x3d: {  	[tilespmem:s29], [sflag:$0x3] =	stream.indirect.gather [hbm4b:s9+s13], $0x1, s4, s13, $0xb8;
	[tilespmem:$0x4000] =	vst v63  }
0x3e: {  	s17 =	simm.s32 $0x1900  }
0x3f: {  	[tilespmem:s17], [sflag:$0x3] =	stream.indirect.gather [hbm4b:s9+s13], $0x1, s13, s13, $0xb8;
	[tilespmem:$0x4000] =	vst v63  }
0x40: {  	s17 =	simm.s32 $0x1A00  }
0x41: {  	[tilespmem:s17], [sflag:$0x3] =	stream.indirect.gather [hbm4b:s9+s13], $0x1, s0, s13, $0xb8;
	[tilespmem:$0x4000] =	vst v63  }
0x42: {  	s17 =	simm.s32 $0x1B00  }
0x43: {  	[tilespmem:s17], [sflag:$0x3] =	stream.indirect.gather [hbm4b:s9+s13], $0x1, s2, s13, $0xb8;
	[tilespmem:$0x4000] =	vst v63  }
0x44: {  	s17 =	simm.s32 $0x1C00  }
0x45: {  	[tilespmem:s17], [sflag:$0x3] =	stream.indirect.gather [hbm4b:s9+s13], $0x1, s3, s13, $0xb8;
	[tilespmem:$0x4000] =	vst v63  }
0x46: {  	s17 =	simm.s32 $0x1D00  }
0x47: {  	[tilespmem:s17], [sflag:$0x3] =	stream.indirect.gather [hbm4b:s9+s13], $0x1, s8, s13, $0xb8;
	[tilespmem:$0x4000] =	vst v63  }
0x48: {  	s17 =	simm.s32 $0x1E00  }
0x49: {  	[tilespmem:s17], [sflag:$0x3] =	stream.indirect.gather [hbm4b:s9+s13], $0x1, s14, s13, $0xb8;
	[tilespmem:$0x4000] =	vst v63  }
0x4a: {  	s17 =	simm.s32 $0x1F00  }
0x4b: {  	[tilespmem:s17], [sflag:$0x3] =	stream.indirect.gather [hbm4b:s9+s13], $0x1, s16, s13, $0xb8;
	[tilespmem:$0x4000] =	vst v63  }
0x4c: {  	_ = 	snop  }
0x4d: {  	[tilespmem:s18], [sflag:$0x3] =	stream.indirect.gather [hbm4b:s10+s13], $0x1, s4, s13, $0xb8;
	[tilespmem:$0x4000] =	vst v63  }
0x4e: {  	s17 =	simm.s32 $0x2100  }
0x4f: {  	[tilespmem:s17], [sflag:$0x3] =	stream.indirect.gather [hbm4b:s10+s13], $0x1, s13, s13, $0xb8;
	[tilespmem:$0x4000] =	vst v63  }
0x50: {  	s17 =	simm.s32 $0x2200  }
0x51: {  	[tilespmem:s17], [sflag:$0x3] =	stream.indirect.gather [hbm4b:s10+s13], $0x1, s0, s13, $0xb8;
	[tilespmem:$0x4000] =	vst v63  }
0x52: {  	s17 =	simm.s32 $0x2300  }
0x53: {  	[tilespmem:s17], [sflag:$0x3] =	stream.indirect.gather [hbm4b:s10+s13], $0x1, s2, s13, $0xb8;
	[tilespmem:$0x4000] =	vst v63  }
0x54: {  	s2 =	simm.s32 $0x2400  }
0x55: {  	[tilespmem:s2], [sflag:$0x3] =	stream.indirect.gather [hbm4b:s10+s13], $0x1, s3, s13, $0xb8;
	[tilespmem:$0x4000] =	vst v63  }
0x56: {  	s3 =	simm.s32 $0x2500  }
0x57: {  	[tilespmem:s3], [sflag:$0x3] =	stream.indirect.gather [hbm4b:s10+s13], $0x1, s8, s13, $0xb8;
	[tilespmem:$0x4000] =	vst v63  }
0x58: {  	s8 =	simm.s32 $0x2600  }
0x59: {  	[tilespmem:s8], [sflag:$0x3] =	stream.indirect.gather [hbm4b:s10+s13], $0x1, s14, s13, $0xb8;
	[tilespmem:$0x4000] =	vst v63  }
0x5a: {  	s14 =	simm.s32 $0x2700  }
0x5b: {  	[tilespmem:s14], [sflag:$0x3] =	stream.indirect.gather [hbm4b:s10+s13], $0x1, s16, s13, $0xb8;
	[tilespmem:$0x4000] =	vst v63  }
0x5c: {  	_ =	swait.ge [sflag:s21], $0x800  }
0x5d: {  	p0 =	por $0x1, $0x1;
	[sflag:s21] =	ssyncset.done $0x0  }
0x5e: {  	s0 =	simm.s32 @!p0 $0x6;
	[sflag:s21] =	ssyncadd.s32 $0xFFFFF800  }
0x5f: {  	_ =	swait.ge @!p0 [sflag:s0], $0x1800  }
0x60: {  	[sflag:s0] =	ssyncset.done @!p0 $0x0  }
0x61: {  	[sflag:s0] =	ssyncadd.s32 @!p0 $0xFFFFE800  }
0x62: {  	[tilespmem:s24], [sflag:$0x4] =	stream.indirect.gather [hbm4b:s6+s13], $0x1, s19, s13, $0xb8;
	[tilespmem:$0x4000] =	vst v63  }
0x63: {  	s17 =	rddreg [dreg:$0x8]  }
0x64: {  	[tilespmem:s17], [sflag:$0x4] =	stream.indirect.gather [hbm4b:s6+s13], $0x1, s22, s13, $0xb8;
	[tilespmem:$0x4000] =	vst v63  }
0x65: {  	s21 =	rddreg [dreg:$0x9]  }
0x66: {  	[tilespmem:s21], [sflag:$0x4] =	stream.indirect.gather [hbm4b:s6+s13], $0x1, s25, s13, $0xb8;
	[tilespmem:$0x4000] =	vst v63  }
0x67: {  	s24 =	rddreg [dreg:$0xa]  }
0x68: {  	[tilespmem:s24], [sflag:$0x4] =	stream.indirect.gather [hbm4b:s6+s13], $0x1, s26, s13, $0xb8;
	[tilespmem:$0x4000] =	vst v63  }
0x69: {  	s3 =	rddreg [dreg:$0xb]  }
0x6a: {  	[tilespmem:s3], [sflag:$0x4] =	stream.indirect.gather [hbm4b:s6+s13], $0x1, s31, s13, $0xb8;
	[tilespmem:$0x4000] =	vst v63  }
0x6b: {  	s8 =	rddreg [dreg:$0xc]  }
0x6c: {  	[tilespmem:s8], [sflag:$0x4] =	stream.indirect.gather [hbm4b:s6+s13], $0x1, s11, s13, $0xb8;
	[tilespmem:$0x4000] =	vst v63  }
0x6d: {  	s14 =	rddreg [dreg:$0xd]  }
0x6e: {  	[tilespmem:s14], [sflag:$0x4] =	stream.indirect.gather [hbm4b:s6+s13], $0x1, s7, s13, $0xb8;
	[tilespmem:$0x4000] =	vst v63  }
0x6f: {  	s16 =	rddreg [dreg:$0xe]  }
0x70: {  	[tilespmem:s16], [sflag:$0x4] =	stream.indirect.gather [hbm4b:s6+s13], $0x1, s5, s13, $0xb8;
	[tilespmem:$0x4000] =	vst v63  }
0x71: {  	_ = 	snop  }
0x72: {  	[tilespmem:s30], [sflag:$0x4] =	stream.indirect.gather [hbm4b:s9+s13], $0x1, s19, s13, $0xb8;
	[tilespmem:$0x4000] =	vst v63  }
0x73: {  	s17 =	rddreg [dreg:$0xf]  }
0x74: {  	[tilespmem:s17], [sflag:$0x4] =	stream.indirect.gather [hbm4b:s9+s13], $0x1, s22, s13, $0xb8;
	[tilespmem:$0x4000] =	vst v63  }
0x75: {  	s21 =	rddreg [dreg:$0x10]  }
0x76: {  	[tilespmem:s21], [sflag:$0x4] =	stream.indirect.gather [hbm4b:s9+s13], $0x1, s25, s13, $0xb8;
	[tilespmem:$0x4000] =	vst v63  }
0x77: {  	s24 =	rddreg [dreg:$0x11]  }
0x78: {  	[tilespmem:s24], [sflag:$0x4] =	stream.indirect.gather [hbm4b:s9+s13], $0x1, s26, s13, $0xb8;
	[tilespmem:$0x4000] =	vst v63  }
0x79: {  	s3 =	rddreg [dreg:$0x12]  }
0x7a: {  	[tilespmem:s3], [sflag:$0x4] =	stream.indirect.gather [hbm4b:s9+s13], $0x1, s31, s13, $0xb8;
	[tilespmem:$0x4000] =	vst v63  }
0x7b: {  	s8 =	rddreg [dreg:$0x13]  }
0x7c: {  	[tilespmem:s8], [sflag:$0x4] =	stream.indirect.gather [hbm4b:s9+s13], $0x1, s11, s13, $0xb8;
	[tilespmem:$0x4000] =	vst v63  }
0x7d: {  	s14 =	rddreg [dreg:$0x14]  }
0x7e: {  	[tilespmem:s14], [sflag:$0x4] =	stream.indirect.gather [hbm4b:s9+s13], $0x1, s7, s13, $0xb8;
	[tilespmem:$0x4000] =	vst v63  }
0x7f: {  	s16 =	rddreg [dreg:$0x15]  }
0x80: {  	[tilespmem:s16], [sflag:$0x4] =	stream.indirect.gather [hbm4b:s9+s13], $0x1, s5, s13, $0xb8;
	[tilespmem:$0x4000] =	vst v63  }
0x81: {  	_ = 	snop  }
0x82: {  	[tilespmem:s1], [sflag:$0x4] =	stream.indirect.gather [hbm4b:s10+s13], $0x1, s19, s13, $0xb8;
	[tilespmem:$0x4000] =	vst v63  }
0x83: {  	s17 =	rddreg [dreg:$0x16]  }
0x84: {  	[tilespmem:s17], [sflag:$0x4] =	stream.indirect.gather [hbm4b:s10+s13], $0x1, s22, s13, $0xb8;
	[tilespmem:$0x4000] =	vst v63  }
0x85: {  	s21 =	rddreg [dreg:$0x17]  }
0x86: {  	[tilespmem:s21], [sflag:$0x4] =	stream.indirect.gather [hbm4b:s10+s13], $0x1, s25, s13, $0xb8;
	[tilespmem:$0x4000] =	vst v63  }
0x87: {  	s24 =	rddreg [dreg:$0x18]  }
0x88: {  	[tilespmem:s24], [sflag:$0x4] =	stream.indirect.gather [hbm4b:s10+s13], $0x1, s26, s13, $0xb8;
	[tilespmem:$0x4000] =	vst v63  }
0x89: {  	s25 =	rddreg [dreg:$0x19]  }
0x8a: {  	[tilespmem:s25], [sflag:$0x4] =	stream.indirect.gather [hbm4b:s10+s13], $0x1, s31, s13, $0xb8;
	[tilespmem:$0x4000] =	vst v63  }
0x8b: {  	s1 =	rddreg [dreg:$0x1a]  }
0x8c: {  	[tilespmem:s1], [sflag:$0x4] =	stream.indirect.gather [hbm4b:s10+s13], $0x1, s11, s13, $0xb8;
	[tilespmem:$0x4000] =	vst v63  }
0x8d: {  	s3 =	rddreg [dreg:$0x1b]  }
0x8e: {  	[tilespmem:s3], [sflag:$0x4] =	stream.indirect.gather [hbm4b:s10+s13], $0x1, s7, s13, $0xb8;
	[tilespmem:$0x4000] =	vst v63  }
0x8f: {  	s8 =	rddreg [dreg:$0x1c]  }
0x90: {  	[tilespmem:s8], [sflag:$0x4] =	stream.indirect.gather [hbm4b:s10+s13], $0x1, s5, s13, $0xb8;
	[tilespmem:$0x4000] =	vst v63  }
0x91: {  	_ =	swait.ge [sflag:s28], $0x1800  }
0x92: {  	s0 =	rddreg [dreg:$0x4]  }
0x93: {  	p0 =	por $0x0, $0x0;
	s16 =	simm.s32 $0x0;
	s1 =	sld [smem:$0x7FD]  }
0x94: {  	s2 =	simm.s32 @!p0 $0x0;
	s16 =	simm.s32 @p0 $0x18000;
	s0 =	sadd.s32 @!p0 $0x0, s0  }
0x95: {  	s11 =	sadd.s32 s15, s16;
	[sflag:s28] =	ssyncset.done $0x0;
	s0 =	sshrl.u32 @!p0 s0, $0x3  }
0x96: {  	s14 =	sshrl.u32 s11, $0x3;
	[sflag:s28] =	ssyncadd.s32 $0xFFFFE800;
	s0 =	sadd.s32 @!p0 s1, s0  }
0x97: {  	[tilespmem:s2], [sflag:$0x1] =	stream.linear.gather @!p0 [hbm4b:s0+s2], $0x800, $0x38;
	[tilespmem:$0x4000] =	vst v63  }
0x98: {  	s0 =	sadd.s32 s12, s14  }
0x99: {  	[hbm4b:s0+s4] =	stream.linear.scatter [tilespmem:s23], [sflag:$0x5], $0x800, $0x38;
	[tilespmem:$0x4000] =	vst v63  }
0x9a: {  	p1 =	por $0x0, $0x0;
	s17 =	sadd.s32 $0x64000, s0  }
0x9b: {  	[hbm4b:s17+s4] =	stream.linear.scatter [tilespmem:s29], [sflag:$0x5], $0x800, $0x38;
	[tilespmem:$0x4000] =	vst v63  }
0x9c: {  	s3 =	simm.s32 @p1 $0x5;
	s0 =	sadd.s32 $0xC8000, s0  }
0x9d: {  	[hbm4b:s0+s4] =	stream.linear.scatter [tilespmem:s18], [sflag:$0x5], $0x800, $0x38;
	[tilespmem:$0x4000] =	vst v63  }
0x9e: {  	_ =	swait.ge @p1 [sflag:s3], $0x1800  }
0x9f: {  	[sflag:s3] =	ssyncset.done @p1 $0x0  }
0xa0: {  	s0 =	simm.s32 @!p1 $0x1;
	[sflag:s3] =	ssyncadd.s32 @p1 $0xFFFFE800  }
0xa1: {  	_ =	swait.ge @!p1 [sflag:s0], $0x800  }
0xa2: {  	[sflag:s0] =	ssyncset.done @!p1 $0x0  }
0xa3: {  	s3 =	simm.s32 @!p1 $0x5;
	[sflag:s0] =	ssyncadd.s32 @!p1 $0xFFFFF800  }
0xa4: {  	_ =	swait.ge @!p1 [sflag:s3], $0x1800  }
0xa5: {  	s8 =	simm.s32 @!p1 $0x100;
	[sflag:s3] =	ssyncset.done @!p1 $0x0  }
0xa6: {  	s14 =	simm.s32 @!p1 $0x0;
	s0 =	simm.s32 @!p1 $0x1000;
	[sflag:s3] =	ssyncadd.s32 @!p1 $0xFFFFE800  }
0xa7: {  	[tilespmem:s0], [sflag:$0x3] =	stream.indirect.gather @!p1 [hbm4b:s6+s8], $0x1, s14, s8, $0xb8;
	[tilespmem:$0x4000] =	vst v63  }
0xa8: {  	s0 =	simm.s32 @!p1 $0x1100  }
0xa9: {  	[tilespmem:s0], [sflag:$0x3] =	stream.indirect.gather @!p1 [hbm4b:s6+s8], $0x1, s8, s8, $0xb8;
	[tilespmem:$0x4000] =	vst v63  }
0xaa: {  	s3 =	simm.s32 @!p1 $0x1200;
	s0 =	simm.s32 @!p1 $0x200  }
0xab: {  	[tilespmem:s3], [sflag:$0x3] =	stream.indirect.gather @!p1 [hbm4b:s6+s8], $0x1, s0, s8, $0xb8;
	[tilespmem:$0x4000] =	vst v63  }
0xac: {  	s17 =	simm.s32 @!p1 $0x1300;
	s3 =	simm.s32 @!p1 $0x300  }
0xad: {  	[tilespmem:s17], [sflag:$0x3] =	stream.indirect.gather @!p1 [hbm4b:s6+s8], $0x1, s3, s8, $0xb8;
	[tilespmem:$0x4000] =	vst v63  }
0xae: {  	s18 =	simm.s32 @!p1 $0x1400;
	s17 =	simm.s32 @!p1 $0x400  }
0xaf: {  	[tilespmem:s18], [sflag:$0x3] =	stream.indirect.gather @!p1 [hbm4b:s6+s8], $0x1, s17, s8, $0xb8;
	[tilespmem:$0x4000] =	vst v63  }
0xb0: {  	s21 =	simm.s32 @!p1 $0x1500;
	s18 =	simm.s32 @!p1 $0x500  }
0xb1: {  	[tilespmem:s21], [sflag:$0x3] =	stream.indirect.gather @!p1 [hbm4b:s6+s8], $0x1, s18, s8, $0xb8;
	[tilespmem:$0x4000] =	vst v63  }
0xb2: {  	s22 =	simm.s32 @!p1 $0x1600;
	s21 =	simm.s32 @!p1 $0x600  }
0xb3: {  	[tilespmem:s22], [sflag:$0x3] =	stream.indirect.gather @!p1 [hbm4b:s6+s8], $0x1, s21, s8, $0xb8;
	[tilespmem:$0x4000] =	vst v63  }
0xb4: {  	s24 =	simm.s32 @!p1 $0x1700;
	s22 =	simm.s32 @!p1 $0x700  }
0xb5: {  	[tilespmem:s24], [sflag:$0x3] =	stream.indirect.gather @!p1 [hbm4b:s6+s8], $0x1, s22, s8, $0xb8;
	[tilespmem:$0x4000] =	vst v63  }
0xb6: {  	s24 =	simm.s32 @!p1 $0x1800  }
0xb7: {  	[tilespmem:s24], [sflag:$0x3] =	stream.indirect.gather @!p1 [hbm4b:s9+s8], $0x1, s14, s8, $0xb8;
	[tilespmem:$0x4000] =	vst v63  }
0xb8: {  	s24 =	simm.s32 @!p1 $0x1900  }
0xb9: {  	[tilespmem:s24], [sflag:$0x3] =	stream.indirect.gather @!p1 [hbm4b:s9+s8], $0x1, s8, s8, $0xb8;
	[tilespmem:$0x4000] =	vst v63  }
0xba: {  	s24 =	simm.s32 @!p1 $0x1A00  }
0xbb: {  	[tilespmem:s24], [sflag:$0x3] =	stream.indirect.gather @!p1 [hbm4b:s9+s8], $0x1, s0, s8, $0xb8;
	[tilespmem:$0x4000] =	vst v63  }
0xbc: {  	s24 =	simm.s32 @!p1 $0x1B00  }
0xbd: {  	[tilespmem:s24], [sflag:$0x3] =	stream.indirect.gather @!p1 [hbm4b:s9+s8], $0x1, s3, s8, $0xb8;
	[tilespmem:$0x4000] =	vst v63  }
0xbe: {  	s24 =	simm.s32 @!p1 $0x1C00  }
0xbf: {  	[tilespmem:s24], [sflag:$0x3] =	stream.indirect.gather @!p1 [hbm4b:s9+s8], $0x1, s17, s8, $0xb8;
	[tilespmem:$0x4000] =	vst v63  }
0xc0: {  	s24 =	simm.s32 @!p1 $0x1D00  }
0xc1: {  	[tilespmem:s24], [sflag:$0x3] =	stream.indirect.gather @!p1 [hbm4b:s9+s8], $0x1, s18, s8, $0xb8;
	[tilespmem:$0x4000] =	vst v63  }
0xc2: {  	s24 =	simm.s32 @!p1 $0x1E00  }
0xc3: {  	[tilespmem:s24], [sflag:$0x3] =	stream.indirect.gather @!p1 [hbm4b:s9+s8], $0x1, s21, s8, $0xb8;
	[tilespmem:$0x4000] =	vst v63  }
0xc4: {  	s24 =	simm.s32 @!p1 $0x1F00  }
0xc5: {  	[tilespmem:s24], [sflag:$0x3] =	stream.indirect.gather @!p1 [hbm4b:s9+s8], $0x1, s22, s8, $0xb8;
	[tilespmem:$0x4000] =	vst v63  }
0xc6: {  	s24 =	simm.s32 @!p1 $0x2000  }
0xc7: {  	[tilespmem:s24], [sflag:$0x3] =	stream.indirect.gather @!p1 [hbm4b:s10+s8], $0x1, s14, s8, $0xb8;
	[tilespmem:$0x4000] =	vst v63  }
0xc8: {  	s14 =	simm.s32 @!p1 $0x2100  }
0xc9: {  	[tilespmem:s14], [sflag:$0x3] =	stream.indirect.gather @!p1 [hbm4b:s10+s8], $0x1, s8, s8, $0xb8;
	[tilespmem:$0x4000] =	vst v63  }
0xca: {  	s14 =	simm.s32 @!p1 $0x2200  }
0xcb: {  	[tilespmem:s14], [sflag:$0x3] =	stream.indirect.gather @!p1 [hbm4b:s10+s8], $0x1, s0, s8, $0xb8;
	[tilespmem:$0x4000] =	vst v63  }
0xcc: {  	s0 =	simm.s32 @!p1 $0x2300  }
0xcd: {  	[tilespmem:s0], [sflag:$0x3] =	stream.indirect.gather @!p1 [hbm4b:s10+s8], $0x1, s3, s8, $0xb8;
	[tilespmem:$0x4000] =	vst v63  }
0xce: {  	s0 =	simm.s32 @!p1 $0x2400  }
0xcf: {  	[tilespmem:s0], [sflag:$0x3] =	stream.indirect.gather @!p1 [hbm4b:s10+s8], $0x1, s17, s8, $0xb8;
	[tilespmem:$0x4000] =	vst v63  }
0xd0: {  	s0 =	simm.s32 @!p1 $0x2500  }
0xd1: {  	[tilespmem:s0], [sflag:$0x3] =	stream.indirect.gather @!p1 [hbm4b:s10+s8], $0x1, s18, s8, $0xb8;
	[tilespmem:$0x4000] =	vst v63  }
0xd2: {  	s0 =	simm.s32 @!p1 $0x2600  }
0xd3: {  	[tilespmem:s0], [sflag:$0x3] =	stream.indirect.gather @!p1 [hbm4b:s10+s8], $0x1, s21, s8, $0xb8;
	[tilespmem:$0x4000] =	vst v63  }
0xd4: {  	s28 =	simm.s32 $0x4;
	s0 =	simm.s32 @!p1 $0x2700  }
0xd5: {  	[tilespmem:s0], [sflag:$0x3] =	stream.indirect.gather @!p1 [hbm4b:s10+s8], $0x1, s22, s8, $0xb8;
	[tilespmem:$0x4000] =	vst v63  }
0xd6: {  	_ =	swait.ge [sflag:s28], $0x1800  }
0xd7: {  	s25 =	simm.s32 $0x3;
	s31 =	simm.s32 $0xB00;
	s0 =	rddreg [dreg:$0x3]  }
0xd8: {  	s7 =	simm.s32 $0xE00;
	s5 =	simm.s32 $0xF00;
	s0 =	sadd.s32 @!p0 s16, s0  }
0xd9: {  	s8 =	simm.s32 @!p0 $0x800;
	[sflag:s28] =	ssyncset.done $0x0;
	s0 =	sshrl.u32 @!p0 s0, $0x3  }
0xda: {  	s18 =	rddreg [dreg:$0x5];
	[sflag:s28] =	ssyncadd.s32 $0xFFFFE800;
	s0 =	sadd.s32 @!p0 s1, s0  }
0xdb: {  	[tilespmem:s8], [sflag:$0x2] =	stream.linear.gather @!p0 [hbm4b:s0+s2], $0x800, $0x38;
	[tilespmem:$0x4000] =	vst v63  }
0xdc: {  	s24 =	simm.s32 $0x2800;
	s21 =	rddreg [dreg:$0x7];
	s22 =	sadd.s32 $0x0, s18  }
0xdd: {  	[hbm4b:s22+s4] =	stream.linear.scatter [tilespmem:s24], [sflag:$0x6], $0x800, $0x38;
	[tilespmem:$0x4000] =	vst v63  }
0xde: {  	s26 =	rddreg [dreg:$0x6];
	s18 =	simm.s32 $0x0;
	s0 =	sadd.s32 $0x0, s21  }
0xdf: {  	[hbm4b:s0+s4] =	stream.linear.scatter [tilespmem:s30], [sflag:$0x6], $0x800, $0x38;
	[tilespmem:$0x4000] =	vst v63  }
0xe0: {  	s22 =	simm.s32 $0x200;
	s0 =	sadd.s32 $0x0, s26;
	s30 =	smov.u32 s1  }
.LBB2_2:
0xe1: {  	s3 =	simm.s32 $0x3800;
	s8 =	simm.s32 $0x2  }
0xe2: {  	[hbm4b:s0+s4] =	stream.linear.scatter [tilespmem:s3], [sflag:$0x6], $0x800, $0x38;
	[tilespmem:$0x4000] =	vst v63  }
0xe3: {  	s26 =	smov.u32 s22;
	_ =	swait.ge [sflag:s8], $0x800  }
0xe4: {  	p1 =	seq.s32 s26, $0x0;
	[sflag:s8] =	ssyncset.done $0x0  }
0xe5: {  	s0 =	simm.s32 @!p1 $0x6;
	[sflag:s8] =	ssyncadd.s32 $0xFFFFF800  }
0xe6: {  	_ =	swait.ge @!p1 [sflag:s0], $0x1800  }
0xe7: {  	[sflag:s0] =	ssyncset.done @!p1 $0x0  }
0xe8: {  	[sflag:s0] =	ssyncadd.s32 @!p1 $0xFFFFE800  }
0xe9: {  	[tilespmem:s24], [sflag:$0x4] =	stream.indirect.gather [hbm4b:s6+s13], $0x1, s19, s13, $0xb8;
	[tilespmem:$0x4000] =	vst v63  }
0xea: {  	s16 =	simm.s32 $0x900;
	s11 =	rddreg [dreg:$0x8]  }
0xeb: {  	[tilespmem:s11], [sflag:$0x4] =	stream.indirect.gather [hbm4b:s6+s13], $0x1, s16, s13, $0xb8;
	[tilespmem:$0x4000] =	vst v63  }
0xec: {  	s8 =	simm.s32 $0xA00;
	s2 =	rddreg [dreg:$0x9]  }
0xed: {  	[tilespmem:s2], [sflag:$0x4] =	stream.indirect.gather [hbm4b:s6+s13], $0x1, s8, s13, $0xb8;
	[tilespmem:$0x4000] =	vst v63  }
0xee: {  	s14 =	rddreg [dreg:$0xa]  }
0xef: {  	[tilespmem:s14], [sflag:$0x4] =	stream.indirect.gather [hbm4b:s6+s13], $0x1, s31, s13, $0xb8;
	[tilespmem:$0x4000] =	vst v63  }
0xf0: {  	s17 =	rddreg [dreg:$0xb];
	s14 =	simm.s32 $0xC00  }
0xf1: {  	[tilespmem:s17], [sflag:$0x4] =	stream.indirect.gather [hbm4b:s6+s13], $0x1, s14, s13, $0xb8;
	[tilespmem:$0x4000] =	vst v63  }
0xf2: {  	s21 =	rddreg [dreg:$0xc];
	s17 =	simm.s32 $0xD00  }
0xf3: {  	[tilespmem:s21], [sflag:$0x4] =	stream.indirect.gather [hbm4b:s6+s13], $0x1, s17, s13, $0xb8;
	[tilespmem:$0x4000] =	vst v63  }
0xf4: {  	s24 =	rddreg [dreg:$0xd]  }
0xf5: {  	[tilespmem:s24], [sflag:$0x4] =	stream.indirect.gather [hbm4b:s6+s13], $0x1, s7, s13, $0xb8;
	[tilespmem:$0x4000] =	vst v63  }
0xf6: {  	s1 =	rddreg [dreg:$0xe]  }
0xf7: {  	[tilespmem:s1], [sflag:$0x4] =	stream.indirect.gather [hbm4b:s6+s13], $0x1, s5, s13, $0xb8;
	[tilespmem:$0x4000] =	vst v63  }
0xf8: {  	s11 =	simm.s32 $0x3000  }
0xf9: {  	[tilespmem:s11], [sflag:$0x4] =	stream.indirect.gather [hbm4b:s9+s13], $0x1, s19, s13, $0xb8;
	[tilespmem:$0x4000] =	vst v63  }
0xfa: {  	s2 =	rddreg [dreg:$0xf]  }
0xfb: {  	[tilespmem:s2], [sflag:$0x4] =	stream.indirect.gather [hbm4b:s9+s13], $0x1, s16, s13, $0xb8;
	[tilespmem:$0x4000] =	vst v63  }
0xfc: {  	s21 =	rddreg [dreg:$0x10]  }
0xfd: {  	[tilespmem:s21], [sflag:$0x4] =	stream.indirect.gather [hbm4b:s9+s13], $0x1, s8, s13, $0xb8;
	[tilespmem:$0x4000] =	vst v63  }
0xfe: {  	s24 =	rddreg [dreg:$0x11]  }
0xff: {  	[tilespmem:s24], [sflag:$0x4] =	stream.indirect.gather [hbm4b:s9+s13], $0x1, s31, s13, $0xb8;
	[tilespmem:$0x4000] =	vst v63  }
0x100: {  	s1 =	rddreg [dreg:$0x12]  }
0x101: {  	[tilespmem:s1], [sflag:$0x4] =	stream.indirect.gather [hbm4b:s9+s13], $0x1, s14, s13, $0xb8;
	[tilespmem:$0x4000] =	vst v63  }
0x102: {  	s21 =	rddreg [dreg:$0x13]  }
0x103: {  	[tilespmem:s21], [sflag:$0x4] =	stream.indirect.gather [hbm4b:s9+s13], $0x1, s17, s13, $0xb8;
	[tilespmem:$0x4000] =	vst v63  }
0x104: {  	s24 =	rddreg [dreg:$0x14]  }
0x105: {  	[tilespmem:s24], [sflag:$0x4] =	stream.indirect.gather [hbm4b:s9+s13], $0x1, s7, s13, $0xb8;
	[tilespmem:$0x4000] =	vst v63  }
0x106: {  	s1 =	rddreg [dreg:$0x15]  }
0x107: {  	[tilespmem:s1], [sflag:$0x4] =	stream.indirect.gather [hbm4b:s9+s13], $0x1, s5, s13, $0xb8;
	[tilespmem:$0x4000] =	vst v63  }
0x108: {  	_ = 	snop  }
0x109: {  	[tilespmem:s3], [sflag:$0x4] =	stream.indirect.gather [hbm4b:s10+s13], $0x1, s19, s13, $0xb8;
	[tilespmem:$0x4000] =	vst v63  }
0x10a: {  	s2 =	rddreg [dreg:$0x16]  }
0x10b: {  	[tilespmem:s2], [sflag:$0x4] =	stream.indirect.gather [hbm4b:s10+s13], $0x1, s16, s13, $0xb8;
	[tilespmem:$0x4000] =	vst v63  }
0x10c: {  	s21 =	rddreg [dreg:$0x17]  }
0x10d: {  	[tilespmem:s21], [sflag:$0x4] =	stream.indirect.gather [hbm4b:s10+s13], $0x1, s8, s13, $0xb8;
	[tilespmem:$0x4000] =	vst v63  }
0x10e: {  	s24 =	rddreg [dreg:$0x18]  }
0x10f: {  	[tilespmem:s24], [sflag:$0x4] =	stream.indirect.gather [hbm4b:s10+s13], $0x1, s31, s13, $0xb8;
	[tilespmem:$0x4000] =	vst v63  }
0x110: {  	s3 =	rddreg [dreg:$0x19]  }
0x111: {  	[tilespmem:s3], [sflag:$0x4] =	stream.indirect.gather [hbm4b:s10+s13], $0x1, s14, s13, $0xb8;
	[tilespmem:$0x4000] =	vst v63  }
0x112: {  	s8 =	rddreg [dreg:$0x1a]  }
0x113: {  	[tilespmem:s8], [sflag:$0x4] =	stream.indirect.gather [hbm4b:s10+s13], $0x1, s17, s13, $0xb8;
	[tilespmem:$0x4000] =	vst v63  }
0x114: {  	s16 =	rddreg [dreg:$0x1b]  }
0x115: {  	[tilespmem:s16], [sflag:$0x4] =	stream.indirect.gather [hbm4b:s10+s13], $0x1, s7, s13, $0xb8;
	[tilespmem:$0x4000] =	vst v63  }
0x116: {  	s18 =	sadd.s32 $0x1000, s18;
	s19 =	rddreg [dreg:$0x1c]  }
0x117: {  	[tilespmem:s19], [sflag:$0x4] =	stream.indirect.gather [hbm4b:s10+s13], $0x1, s5, s13, $0xb8;
	[tilespmem:$0x4000] =	vst v63  }
0x118: {  	p1 =	seq.s32 s26, $0x3000;
	s24 =	smov.u32 s18;
	_ =	swait.ge [sflag:s25], $0x1800  }
0x119: {  	s24 =	simm.s32 @p1 $0x18000;
	s0 =	rddreg [dreg:$0x4]  }
0x11a: {  	s21 =	sadd.s32 s15, s24;
	s0 =	sadd.s32 @!p1 s18, s0  }
0x11b: {  	s2 =	sshrl.u32 s21, $0x3;
	[sflag:s25] =	ssyncset.done $0x0;
	s0 =	sshrl.u32 @!p1 s0, $0x3  }
0x11c: {  	s16 =	simm.s32 @!p1 $0x0;
	[sflag:s25] =	ssyncadd.s32 $0xFFFFE800;
	s0 =	sadd.s32 @!p1 s30, s0  }
0x11d: {  	[tilespmem:s16], [sflag:$0x1] =	stream.linear.gather @!p1 [hbm4b:s0+s16], $0x800, $0x38;
	[tilespmem:$0x4000] =	vst v63  }
0x11e: {  	s20 =	sadd.s32 $0x2, s20;
	s0 =	sadd.s32 s12, s2  }
0x11f: {  	[hbm4b:s0+s4] =	stream.linear.scatter [tilespmem:s23], [sflag:$0x5], $0x800, $0x38;
	[tilespmem:$0x4000] =	vst v63  }
0x120: {  	p2 =	sgt.u32 s20, $0x30;
	s3 =	sadd.s32 $0x64000, s0  }
0x121: {  	[hbm4b:s3+s4] =	stream.linear.scatter [tilespmem:s29], [sflag:$0x5], $0x800, $0x38;
	[tilespmem:$0x4000] =	vst v63  }
0x122: {  	s8 =	simm.s32 $0x2000;
	s2 =	simm.s32 @p2 $0x5;
	s0 =	sadd.s32 $0xC8000, s0  }
0x123: {  	[hbm4b:s0+s4] =	stream.linear.scatter [tilespmem:s8], [sflag:$0x5], $0x800, $0x38;
	[tilespmem:$0x4000] =	vst v63  }
0x124: {  	_ =	swait.ge @p2 [sflag:s2], $0x1800  }
0x125: {  	[sflag:s2] =	ssyncset.done @p2 $0x0  }
0x126: {  	s0 =	simm.s32 @!p2 $0x1;
	[sflag:s2] =	ssyncadd.s32 @p2 $0xFFFFE800  }
0x127: {  	_ =	swait.ge @!p2 [sflag:s0], $0x800  }
0x128: {  	[sflag:s0] =	ssyncset.done @!p2 $0x0  }
0x129: {  	s3 =	simm.s32 @!p2 $0x5;
	[sflag:s0] =	ssyncadd.s32 @!p2 $0xFFFFF800  }
0x12a: {  	_ =	swait.ge @!p2 [sflag:s3], $0x1800  }
0x12b: {  	s29 =	simm.s32 @!p2 $0x0;
	[sflag:s3] =	ssyncset.done @!p2 $0x0  }
0x12c: {  	s2 =	simm.s32 @!p2 $0x100;
	s0 =	simm.s32 @!p2 $0x1000;
	[sflag:s3] =	ssyncadd.s32 @!p2 $0xFFFFE800  }
0x12d: {  	[tilespmem:s0], [sflag:$0x3] =	stream.indirect.gather @!p2 [hbm4b:s6+s2], $0x1, s29, s2, $0xb8;
	[tilespmem:$0x4000] =	vst v63  }
0x12e: {  	s3 =	simm.s32 @!p2 $0x1100  }
0x12f: {  	[tilespmem:s3], [sflag:$0x3] =	stream.indirect.gather @!p2 [hbm4b:s6+s2], $0x1, s2, s2, $0xb8;
	[tilespmem:$0x4000] =	vst v63  }
0x130: {  	s14 =	simm.s32 @!p2 $0x200;
	s0 =	simm.s32 @!p2 $0x1200  }
0x131: {  	[tilespmem:s0], [sflag:$0x3] =	stream.indirect.gather @!p2 [hbm4b:s6+s2], $0x1, s14, s2, $0xb8;
	[tilespmem:$0x4000] =	vst v63  }
0x132: {  	s21 =	simm.s32 @!p2 $0x300;
	s8 =	simm.s32 @!p2 $0x1300  }
0x133: {  	[tilespmem:s8], [sflag:$0x3] =	stream.indirect.gather @!p2 [hbm4b:s6+s2], $0x1, s21, s2, $0xb8;
	[tilespmem:$0x4000] =	vst v63  }
0x134: {  	s3 =	simm.s32 @!p2 $0x400;
	s0 =	simm.s32 @!p2 $0x1400  }
0x135: {  	[tilespmem:s0], [sflag:$0x3] =	stream.indirect.gather @!p2 [hbm4b:s6+s2], $0x1, s3, s2, $0xb8;
	[tilespmem:$0x4000] =	vst v63  }
0x136: {  	s17 =	simm.s32 @!p2 $0x500;
	s8 =	simm.s32 @!p2 $0x1500  }
0x137: {  	[tilespmem:s8], [sflag:$0x3] =	stream.indirect.gather @!p2 [hbm4b:s6+s2], $0x1, s17, s2, $0xb8;
	[tilespmem:$0x4000] =	vst v63  }
0x138: {  	s19 =	smov.u32 s12;
	s12 =	simm.s32 @!p2 $0x1600;
	s0 =	simm.s32 @!p2 $0x600  }
0x139: {  	[tilespmem:s12], [sflag:$0x3] =	stream.indirect.gather @!p2 [hbm4b:s6+s2], $0x1, s0, s2, $0xb8;
	[tilespmem:$0x4000] =	vst v63  }
0x13a: {  	s23 =	smov.u32 s15;
	s15 =	simm.s32 @!p2 $0x1700;
	s8 =	simm.s32 @!p2 $0x700  }
0x13b: {  	[tilespmem:s15], [sflag:$0x3] =	stream.indirect.gather @!p2 [hbm4b:s6+s2], $0x1, s8, s2, $0xb8;
	[tilespmem:$0x4000] =	vst v63  }
0x13c: {  	s12 =	simm.s32 @!p2 $0x1800  }
0x13d: {  	[tilespmem:s12], [sflag:$0x3] =	stream.indirect.gather @!p2 [hbm4b:s9+s2], $0x1, s29, s2, $0xb8;
	[tilespmem:$0x4000] =	vst v63  }
0x13e: {  	s15 =	simm.s32 @!p2 $0x1900  }
0x13f: {  	[tilespmem:s15], [sflag:$0x3] =	stream.indirect.gather @!p2 [hbm4b:s9+s2], $0x1, s2, s2, $0xb8;
	[tilespmem:$0x4000] =	vst v63  }
0x140: {  	s12 =	simm.s32 @!p2 $0x1A00  }
0x141: {  	[tilespmem:s12], [sflag:$0x3] =	stream.indirect.gather @!p2 [hbm4b:s9+s2], $0x1, s14, s2, $0xb8;
	[tilespmem:$0x4000] =	vst v63  }
0x142: {  	s15 =	simm.s32 @!p2 $0x1B00  }
0x143: {  	[tilespmem:s15], [sflag:$0x3] =	stream.indirect.gather @!p2 [hbm4b:s9+s2], $0x1, s21, s2, $0xb8;
	[tilespmem:$0x4000] =	vst v63  }
0x144: {  	s12 =	simm.s32 @!p2 $0x1C00  }
0x145: {  	[tilespmem:s12], [sflag:$0x3] =	stream.indirect.gather @!p2 [hbm4b:s9+s2], $0x1, s3, s2, $0xb8;
	[tilespmem:$0x4000] =	vst v63  }
0x146: {  	s15 =	simm.s32 @!p2 $0x1D00  }
0x147: {  	[tilespmem:s15], [sflag:$0x3] =	stream.indirect.gather @!p2 [hbm4b:s9+s2], $0x1, s17, s2, $0xb8;
	[tilespmem:$0x4000] =	vst v63  }
0x148: {  	s12 =	simm.s32 @!p2 $0x1E00  }
0x149: {  	[tilespmem:s12], [sflag:$0x3] =	stream.indirect.gather @!p2 [hbm4b:s9+s2], $0x1, s0, s2, $0xb8;
	[tilespmem:$0x4000] =	vst v63  }
0x14a: {  	s15 =	simm.s32 @!p2 $0x1F00  }
0x14b: {  	[tilespmem:s15], [sflag:$0x3] =	stream.indirect.gather @!p2 [hbm4b:s9+s2], $0x1, s8, s2, $0xb8;
	[tilespmem:$0x4000] =	vst v63  }
0x14c: {  	s12 =	simm.s32 @!p2 $0x2000  }
0x14d: {  	[tilespmem:s12], [sflag:$0x3] =	stream.indirect.gather @!p2 [hbm4b:s10+s2], $0x1, s29, s2, $0xb8;
	[tilespmem:$0x4000] =	vst v63  }
0x14e: {  	s15 =	simm.s32 @!p2 $0x2100  }
0x14f: {  	[tilespmem:s15], [sflag:$0x3] =	stream.indirect.gather @!p2 [hbm4b:s10+s2], $0x1, s2, s2, $0xb8;
	[tilespmem:$0x4000] =	vst v63  }
0x150: {  	s12 =	simm.s32 @!p2 $0x2200  }
0x151: {  	[tilespmem:s12], [sflag:$0x3] =	stream.indirect.gather @!p2 [hbm4b:s10+s2], $0x1, s14, s2, $0xb8;
	[tilespmem:$0x4000] =	vst v63  }
0x152: {  	s15 =	simm.s32 @!p2 $0x2300  }
0x153: {  	[tilespmem:s15], [sflag:$0x3] =	stream.indirect.gather @!p2 [hbm4b:s10+s2], $0x1, s21, s2, $0xb8;
	[tilespmem:$0x4000] =	vst v63  }
0x154: {  	s12 =	simm.s32 @!p2 $0x2400  }
0x155: {  	[tilespmem:s12], [sflag:$0x3] =	stream.indirect.gather @!p2 [hbm4b:s10+s2], $0x1, s3, s2, $0xb8;
	[tilespmem:$0x4000] =	vst v63  }
0x156: {  	s14 =	simm.s32 @!p2 $0x2500  }
0x157: {  	[tilespmem:s14], [sflag:$0x3] =	stream.indirect.gather @!p2 [hbm4b:s10+s2], $0x1, s17, s2, $0xb8;
	[tilespmem:$0x4000] =	vst v63  }
0x158: {  	s3 =	simm.s32 @!p2 $0x2600  }
0x159: {  	[tilespmem:s3], [sflag:$0x3] =	stream.indirect.gather @!p2 [hbm4b:s10+s2], $0x1, s0, s2, $0xb8;
	[tilespmem:$0x4000] =	vst v63  }
0x15a: {  	s22 =	sadd.s32 $0x200, s22;
	s12 =	simm.s32 @!p2 $0x2700  }
0x15b: {  	[tilespmem:s12], [sflag:$0x3] =	stream.indirect.gather @!p2 [hbm4b:s10+s2], $0x1, s8, s2, $0xb8;
	[tilespmem:$0x4000] =	vst v63  }
0x15c: {  	p0 =	sne.s32 s22, $0x3200;
	_ =	swait.ge [sflag:s28], $0x1800  }
0x15d: {  	s1 =	simm.s32 $0x3800;
	s29 =	simm.s32 $0x1800;
	s0 =	rddreg [dreg:$0x3]  }
0x15e: {  	s15 =	smov.u32 s23;
	s12 =	simm.s32 @!p1 $0x800;
	s0 =	sadd.s32 @!p1 s24, s0  }
0x15f: {  	s14 =	rddreg [dreg:$0x5];
	[sflag:s28] =	ssyncset.done $0x0;
	s0 =	sshrl.u32 @!p1 s0, $0x3  }
0x160: {  	s17 =	rddreg [dreg:$0x7];
	[sflag:s28] =	ssyncadd.s32 $0xFFFFE800;
	s0 =	sadd.s32 @!p1 s30, s0  }
0x161: {  	[tilespmem:s12], [sflag:$0x2] =	stream.linear.gather @!p1 [hbm4b:s0+s16], $0x800, $0x38;
	[tilespmem:$0x4000] =	vst v63  }
.Ltmp0:
0x162: {  	s23 =	simm.s32 $0x1000;
	s21 =	rddreg [dreg:$0x6];
	(pc) =	sbr.rel @p0 .LBB2_2-.Ltmp0, $4  }
0x163: {  	s24 =	simm.s32 $0x2800;
	s2 =	sadd.s32 s26, s14;
	s3 =	sadd.s32 s26, s17  }
0x164: {  	[hbm4b:s2+s4] =	stream.linear.scatter [tilespmem:s24], [sflag:$0x6], $0x800, $0x38;
	[tilespmem:$0x4000] =	vst v63  }
0x165: {  	s12 =	smov.u32 s19;
	s19 =	simm.s32 $0x800;
	s0 =	sadd.s32 s26, s21  }
0x166: {  	[hbm4b:s3+s4] =	stream.linear.scatter [tilespmem:s11], [sflag:$0x6], $0x800, $0x38;
	[tilespmem:$0x4000] =	vst v63  }
0x167: {  	[hbm4b:s0+s4] =	stream.linear.scatter [tilespmem:s1], [sflag:$0x6], $0x800, $0x38;
	[tilespmem:$0x4000] =	vst v63  }
0x168: {  	s2 =	simm.s32 $0x6  }
0x169: {  	_ =	swait.ge [sflag:s2], $0x1800  }
0x16a: {  	s3 =	sld [smem:$0x7FC];
	_ =	sdelay $0x2  }
0x16b: {  	s26 =	rddreg [dreg:$0x1f];
	s3 =	sadd.s32 $0x1, s3  }
0x16c: {  	p0 =	sne.s32 s3, s26  }
.Ltmp1:
0x16d: {  	s18 =	simm.s32 $0x2000;
	(pc) =	sbr.rel @p0 .LBB2_1-.Ltmp1, $4  }
0x16e: {  	s21 =	simm.s32 $0x2;
	s22 =	simm.s32 $0x900;
	s25 =	simm.s32 $0xA00  }
0x16f: {  	s31 =	simm.s32 $0xC00;
	s11 =	simm.s32 $0xD00;
	s7 =	simm.s32 $0xE00  }
0x170: {  	s5 =	simm.s32 $0xF00;
	s30 =	simm.s32 $0x3000;
	[sflag:s2] =	ssyncset.done $0x0  }
0x171: {  	s28 =	simm.s32 $0x3;
	[sflag:s2] =	ssyncadd.s32 $0xFFFFE800;
	s26 =	simm.s32 $0xB00  }
0x172: {  	_ =	sfence.sel $0x180000  }
0x173: {  	[bflag:$0x0] =	sbarrier.arrive $0xFFFF  }
0x174: {  	_ =	strace $0x90000047  }
0x175: {  	s0 =	stileid.u32;
	[bflag:$0x2] =	sbarrier.arrive $0xFFFF  }
0x176: {  	p0 =	sne.s32 s0, $0x0;
	s0 =	rddreg [dreg:$0x2]  }
0x177: {  	s0 =	sadd.s32 @!p0 $0x100000, s0  }
0x178: {  	[sflag:s0] =	ssyncadd.tile.s32 @!p0 $0x1;
	_ =	shalt  }
.Lfunc_end2:
_tile_overlayer_lowered:
.L_overlay_start_2:
0x179: {  	(tag) =	ssettag $0x2  }
0x17a: {  	s0 =	rddreg [dreg:$0x0];
	s2 =	stileid.u32  }
0x17b: {  	s1 =	rddreg [dreg:$0x1];
	p0 =	sne.s32 s2, $0x0  }
0x17c: {  	s3 =	rddreg [dreg:$0x2];
	[bflag:$0x3] =	sbarrier.arrive $0xFFFF;
	s2 =	simm.s32 @!p0 $0x1C07  }
0x17d: {  	[timem:s3], [sflag:s2] =	dma.local @!p0 [hbm:s0], s1  }
0x17e: {  	s0 =	simm.s32 @!p0 $0x7  }
0x17f: {  	_ =	swait.ge @!p0 [sflag:s0], s1  }
0x180: {  	s1 =	ssub.s32 @!p0 $0x0, s1;
	[sflag:s0] =	ssyncset.done @!p0 $0x0  }
0x181: {  	[sflag:s0] =	ssyncadd.s32 @!p0 s1  }
0x182: {  	[bflag:$0x3] =	sbarrier.arrive $0xFFFF  }
0x183: {  	_ =	shalt  }

// kernel: sparse-core-data-format-call.cloned.1.call-start
scs
called_computation_lowered:
.L_overlay_start_0:
0x0: {  	s2 =	sld [smem:$0x3FD9]  }
0x1: {  	s3 =	sld [smem:$0x3FFE];
	_ =	sdelay $0x1  }
0x2: {  	s1 =	srdreg.scid  }
0x3: {  	s0 =	sand.u32 $0x1, s1  }
0x4: {  	s18 =	sshll.u32 s0, $0xA;
	s2 =	sadd.s32 s3, s2  }
0x5: {  	s2 =	sadd.s32 s2, s18  }
0x6: {  	[smem:$0x3FC6] =	sst s2  }
0x7: {  	_ = 	snop  }
0x8: {  	s2 =	sld [smem:$0x3FD0];
	(tm) =	ssettm $0x1  }
0x9: {  	s19 =	sld [smem:$0x3FFB];
	_ =	sdelay $0x3  }
0xa: {  	_ =	strace s19  }
0xb: {  	s3 =	sld [smem:$0x3FFC];
	_ =	sdelay $0x3  }
0xc: {  	_ =	strace s3  }
0xd: {  	s3 =	sld [smem:$0x3FFD];
	_ =	sdelay $0x3  }
0xe: {  	_ =	strace s3  }
0xf: {  	_ =	strace $0x8FFFFFFF  }
0x10: {  	s20 =	sld [smem:$0x3FDB];
	_ =	sdelay $0x1  }
0x11: {  	s4 =	simm.s32 $_scs_section_size  }
0x12: {  	s5 =	simm.s32 $_size__tile_overlayer_lowered;
	s6 =	simm.s32 $_tile_overlayer_lowered  }
0x13: {  	s23 =	simm.s32 $0x1BFF;
	s22 =	sshll.u32 s6, $0x1;
	s3 =	sadd.s32 s4, s20  }
0x14: {  	s7 =	simm.s32 $0x0;
	s21 =	sshll.u32 s5, $0x1;
	s5 =	sadd.s32 s22, s3  }
0x15: {  	[timem:s7], [sflag:s23] =	dma.local [hbm:s5], s21  }
0x16: {  	_ =	swait.ge [sflag:s23], s21  }
0x17: {  	s4 =	ssub.s32 $0x0, s21;
	[sflag:s23] =	ssyncset.done $0x0  }
0x18: {  	[sflag:s23] =	ssyncadd.s32 s4;
	_ =	sdelay $0x1  }
0x19: {  	s24 =	simm.s32 $0x1B8B  }
0x1a: {  	_ =	swait.ge [sflag:s24], $0x1  }
0x1b: {  	[sflag:s24] =	ssyncset.done $0x0  }
0x1c: {  	s26 =	simm.s32 $0x1B8E;
	s25 =	sld [smem:$0x3FFE];
	[sflag:s24] =	ssyncadd.s32 $0xFFFFFFFF  }
0x1d: {  	s27 =	simm.s32 $execute0_lowered;
	[smem:$0x3FD2] =	sst s26  }
0x1e: {  	s5 =	sshll.u32 s27, $0x1;
	_ =	strace $0x80000049;
	[dreg:$0x1] =	wrdreg $0xFFFFFFFF  }
0x1f: {  	s28 =	simm.s32 $_size_execute0_lowered;
	s3 =	sadd.s32 s3, s5;
	[dreg:$0x0] =	wrdreg $0x0  }
0x20: {  	s5 =	sshll.u32 s28, $0x1;
	[dreg:$0x2] =	wrdreg s3  }
0x21: {  	[dreg:$0x3] =	wrdreg s5  }
0x22: {  	[dreg:$0x4] =	wrdreg $0xC0  }
0x23: {  	_ =	task [dreg:s7], $0x5FFFF  }
0x24: {  	[dreg:$0x1] =	wrdreg $0xFFFFFFFF  }
0x25: {  	[dreg:$0x0] =	wrdreg $0x60  }
0x26: {  	[dreg:$0x2] =	wrdreg s25  }
0x27: {  	[dreg:$0x3] =	wrdreg s2  }
0x28: {  	[dreg:$0x4] =	wrdreg $0x9  }
0x29: {  	_ =	task.clear_ibuf [dreg:s7], $0x5FFFF;
	_ =	strace $0x90000049  }
0x2a: {  	s29 =	simm.s32 $0x9;
	_ =	strace $0x8000004B  }
0x2b: {  	_ =	swait.ge [sflag:s29], $0x1  }
0x2c: {  	[sflag:s29] =	ssyncadd.s32 $0xFFFFFFFF  }
0x2d: {  	_ =	strace $0x9000004B  }
0x2e: {  	_ =	sfence  }
0x2f: {  	s30 =	sld [smem:$0x0];
	_ =	sdelay $0x2  }
0x30: {  	s31 =	sshll.u32 s1, $0xD;
	s1 =	sshrl.u32 s1, $0x2  }
0x31: {  	s3 =	sand.u32 $0x4000, s31;
	s1 =	sadd.s32 s1, s30  }
0x32: {  	s0 =	sor.u32 s3, s0;
	s1 =	sshll.u32 s1, $0x11  }
0x33: {  	s0 =	sor.u32 s1, s0  }
0x34: {  	s0 =	sadd.s32 $0x8F2B, s0  }
0x35: {  	[sflag:s0] =	ssyncadd.remote.s32 $0x1  }
0x36: {  	_ =	sfence.sel $0xFFFF  }
0x37: {  	[dreg:$0x0] =	wrdreg $0xFFFFFFFF;
	(pc) =	sbr.abs _section_cstart, $3  }
0x38: {  	[dreg:$0x1] =	wrdreg $0xFFFFFFFF  }
0x39: {  	_ =	task.clear_ibuf [dreg:s7], $0x2FFFF;
	_ =	strace $0x9FFFFFFF  }
0x3a: {  	(tm) =	ssettm $0x7FFFFFFF  }
0x3b: {  	_ =	shalt  }
tec
execute0_lowered:
.L_overlay_start_1:
0x0: {  	(tag) =	ssettag $0x1  }
0x1: {  	s0 =	srdreg.scid;
	s6 =	rddreg [dreg:$0x0]  }
0x2: {  	s3 =	rddreg [dreg:$0x1];
	s1 =	sshll.u32 s0, $0x4  }
0x3: {  	s5 =	simm.s32 $0x1;
	s0 =	stileid.u32;
	s1 =	sand.u32 $0x10, s1  }
0x4: {  	s31 =	simm.s32 $0x2;
	s16 =	simm.s32 $0x0;
	s1 =	sor.u32 s0, s1  }
0x5: {  	s8 =	simm.s32 $0x20000;
	s17 =	simm.s32 $0x0;
	s2 =	sshll.u32 s1, $0x7  }
0x6: {  	s18 =	simm.s32 $0x0;
	s9 =	simm.s32 $0x0;
	s4 =	ssub.s32 $0x4000, s2  }
0x7: {  	s10 =	simm.s32 $0x0;
	s11 =	simm.s32 $0x0;
	s30 =	sand.u32 $0xF80, s4  }
0x8: {  	s12 =	simm.s32 $0x0;
	s14 =	simm.s32 $0x0;
	p0 =	sne.s32 s30, $0x0  }
.Ltmp0:
0x9: {  	s7 =	sshrl.u32 s4, $0xC;
	s5 =	simm.s32 @!p0 $0x0;
	(pc) =	sbr.rel .LBB1_1-.Ltmp0, $4  }
0xa: {  	s15 =	simm.s32 $0x0;
	s1 =	rddreg [dreg:$0x2];
	s5 =	sadd.s32 s5, s7  }
0xb: {  	_ =	strace $0x8000004A;
	s4 =	simm.s32 $0x1;
	s5 =	smul.u32 $0x6, s5  }
0xc: {  	s6 =	sadd.s32 $0x1800, s6;
	s13 =	smov.u32 s2;
	[sflag:s4] =	ssyncpa.u1 $0x0  }
0xd: {  	[sflag:s31] =	ssyncpa.u1 $0x0;
	p0 =	por $0x0, $0x0;
	s7 =	sor.u32 $0x1, s5  }
.LBB1_4:
0xe: {  	s23 =	sshra.s32 s23, $0x2;
	s30 =	sshll.u32 s9, $0xE  }
0xf: {  	p1 =	sgt.s32 s11, $0x2;
	s24 =	smov.u32 s11;
	s25 =	sshra.s32 s11, $0x1F  }
0x10: {  	s26 =	sshll.u32 s10, $0x3;
	s28 =	smov.u32 s10;
	s29 =	sshra.s32 s10, $0x1F  }
0x11: {  	s22 =	sadd.s32 s23, s22;
	s24 =	simm.s32 @!p1 $0x2;
	s25 =	sand.u32 s25, s11  }
0x12: {  	s23 =	sand.u32 $0xFFFE0000, s30;
	s27 =	sand.u32 $0xFFFFFC00, s26;
	p1 =	sgt.s32 s9, $0x48  }
0x13: {  	s31 =	sand.u32 s29, s10;
	s29 =	sshll.u32 s9, $0x7;
	s30 =	sshra.s32 s9, $0x1F  }
0x14: {  	[tilespmem:s21+$0x2040 ss:$0x81] =	vst.msk $0xffff, v4;
	s24 =	ssub.s32 s24, s25;
	s23 =	sadd.s32 s27, s23;
	s27 =	smov.u32 s9  }
0x15: {  	[tilespmem:s21+$0x2850 ss:$0x81] =	vst.msk $0xffff, v3;
	s29 =	sand.u32 $0x380, s29;
	s25 =	sadd.s32 $0xFFFFFFFE, s24;
	s27 =	simm.s32 @!p1 $0x48  }
0x16: {  	v5 =	vld [tilespmem:s20+$0xFFFFFFD0];
	[tilespmem:s21+$0x3060 ss:$0x81] =	vst.msk $0xffff, v2;
	p1 =	sgt.s32 s10, $0x3F80;
	s23 =	sshrl.u32 s23, $0xE;
	s24 =	ssub.s32 $0x3, s24  }
0x17: {  	v58 =	vld [tilespmem:s20+$0xFFFFFFE0];
	[tilespmem:s21+$0x0 ss:$0x81] =	vst.msk $0xffff, v1;
	s28 =	simm.s32 @!p1 $0x3F80;
	p1 =	sgt.s32 s25, $0x0;
	s21 =	smulhi.u32 $0x147AE15, s23  }
0x18: {  	v59 =	vld [tilespmem:s20+$0xFFFFFFF0];
	s25 =	ssub.s32 s28, s31;
	s28 =	sand.u32 s30, s9;
	s24 =	simm.s32 @p1 $0x0  }
0x19: {  	v60 =	vld [tilespmem:s20+$0x0];
	s27 =	ssub.s32 s27, s28;
	s31 =	sadd.s32 $0xFFFFC080, s25;
	s25 =	ssub.s32 $0x4000, s25  }
0x1a: {  	v61 =	vld [tilespmem:s20+$0x10];
	[tilespmem:s22+$0x3870 ss:$0x81] =	vst.msk $0xffff, v0;
	s21 =	smul.u32 $0xC8, s21;
	s28 =	sand.u32 $0x7, s10;
	p1 =	sgt.s32 s31, $0x7F  }
0x1b: {  	v62 =	vld [tilespmem:s20+$0x20];
	[tilespmem:s22+$0x810 ss:$0x81] =	vst.msk $0xffff, v5;
	s30 =	sadd.s32 $0xFFFFFFB8, s27;
	s31 =	sand.u32 $0x78, s10;
	s25 =	simm.s32 @p1 $0x0  }
0x1c: {  	v63 =	vld [tilespmem:s20+$0xFFFFFFC0];
	[tilespmem:s22+$0x1020 ss:$0x81] =	vst.msk $0xffff, v58;
	p1 =	sgt.s32 s30, $0x7F;
	s30 =	sand.u32 $0x3C00, s26;
	s24 =	smul.u32 s24, s25  }
0x1d: {  	[tilespmem:s22+$0x1830 ss:$0x81] =	vst.msk $0xffff, v59;
	s26 =	ssub.s32 $0xC8, s27;
	s20 =	sor.u32 s31, s30;
	s31 =	smul.u32 $0x64000, s11  }
0x1e: {  	[tilespmem:s22+$0x2040 ss:$0x81] =	vst.msk $0xffff, v60;
	s21 =	ssub.s32 s23, s21;
	s26 =	simm.s32 @p1 $0x0;
	s20 =	sor.u32 s29, s20  }
0x1f: {  	[tilespmem:s22+$0x2850 ss:$0x81] =	vst.msk $0xffff, v61;
	s26 =	smul.u32 s26, s24;
	s20 =	sshrl.u32 s20, $0x3;
	s27 =	sadd.s32 s3, s31  }
0x20: {  	[tilespmem:s22+$0x3060 ss:$0x81] =	vst.msk $0xffff, v62;
	s21 =	sshll.u32 s21, $0xB;
	s29 =	sshll.u32 s28, $0x12;
	s20 =	sadd.s32 s20, s27  }
0x21: {  	[tilespmem:s22+$0x0 ss:$0x81] =	vst.msk $0xffff, v63;
	s31 =	sor.u32 $0x400, s29;
	s30 =	sand.u32 $0x3FFFFFFF, s26;
	s20 =	sadd.s32 s21, s20  }
0x22: {  	[hbm4b:s20+s31] =	stream.strided.scatter [tilespmem:s19], [sflag:$0x2], s30, s8, s31, $0x20;
	[tilespmem:$0x10100] =	vst v63  }
.LBB1_5:
0x23: {  	p1 =	slt.u32 s15, $0x2  }
0x24: {  	s19 =	smov.u32 s18;
	p2 =	sgt.s32 @!p1 s18, $0x2  }
0x25: {  	s20 =	sshra.s32 @!p1 s18, $0x1F;
	p3 =	sgt.s32 @!p1 s16, $0x48;
	p4 =	sgt.s32 @!p1 s17, $0x3F80  }
0x26: {  	s21 =	sshra.s32 @!p1 s17, $0x1F;
	p2 =	por !p2, p1;
	s18 =	sand.u32 @!p1 s20, s18  }
0x27: {  	p4 =	por !p4, p1;
	s20 =	smov.u32 s17;
	s19 =	simm.s32 @p2 $0x2  }
0x28: {  	s17 =	sand.u32 @!p1 s21, s17;
	s20 =	simm.s32 @p4 $0x3F80;
	s18 =	ssub.s32 @!p1 s19, s18  }
0x29: {  	p3 =	por !p3, p1;
	s17 =	ssub.s32 @!p1 s20, s17;
	s19 =	sadd.s32 @!p1 $0xFFFFFFFE, s18  }
0x2a: {  	s20 =	sshra.s32 @!p1 s16, $0x1F;
	s18 =	ssub.s32 @!p1 $0x3, s18;
	p2 =	sgt.s32 @!p1 s19, $0x0  }
0x2b: {  	s19 =	smov.u32 s16;
	s16 =	sand.u32 @!p1 s20, s16;
	s20 =	sadd.s32 @!p1 $0xFFFFC080, s17  }
0x2c: {  	s17 =	ssub.s32 @!p1 $0x4000, s17;
	s19 =	simm.s32 @p3 $0x48;
	p2 =	por !p2, p1  }
0x2d: {  	s18 =	simm.s32 @!p2 $0x0;
	s16 =	ssub.s32 @!p1 s19, s16;
	p2 =	sgt.s32 @!p1 s20, $0x7F  }
0x2e: {  	s20 =	smov.u32 s13;
	s19 =	sadd.s32 @!p1 $0xFFFFFFB8, s16;
	p2 =	por !p2, p1  }
0x2f: {  	s16 =	ssub.s32 @!p1 $0xC8, s16;
	s17 =	simm.s32 @!p2 $0x0;
	p2 =	sgt.s32 @!p1 s19, $0x7F  }
0x30: {  	s19 =	sadd.s32 $0x80, s12;
	p2 =	por !p2, p1;
	s17 =	smul.u32 @!p1 s18, s17  }
0x31: {  	s18 =	sadd.s32 $0x1000, s13;
	s16 =	simm.s32 @!p2 $0x0;
	p2 =	sgt.s32 s19, $0xC7  }
0x32: {  	s16 =	smul.u32 @!p1 s16, s17;
	s20 =	smov.u32 @p2 s18  }
0x33: {  	s19 =	simm.s32 @p2 $0x0;
	s17 =	simm.s32 $0x1;
	p2 =	sgt.s32 s20, $0x3FFF  }
0x34: {  	s17 =	simm.s32 @!p2 $0x0  }
0x35: {  	p0 =	por !p0, !p0;
	s23 =	sadd.s32 s17, s14  }
0x36: {  	s21 =	simm.s32 @!p1 $0x2;
	s20 =	smov.u32 @p2 s2;
	p2 =	sgt.s32 s23, $0x2  }
0x37: {  	s18 =	smov.u32 s11;
	s23 =	simm.s32 @p2 $0x0;
	p2 =	sne.s32 s15, s7  }
.Ltmp1:
0x38: {  	s11 =	smov.u32 s14;
	s16 =	sand.u32 @!p1 $0x3FFFFFFF, s16;
	(pc) =	sbr.rel @!p2 .LBB1_6-.Ltmp1, $4  }
0x39: {  	_ =	swait.ge @!p1 [sflag:s21], s16;
	s22 =	ssub.s32 @!p1 $0x0, s16;
	s16 =	smov.u32 s9  }
0x3a: {  	s17 =	smov.u32 s10;
	s9 =	smov.u32 s12;
	s10 =	smov.u32 s13  }
0x3b: {  	s12 =	smov.u32 s19;
	s13 =	smov.u32 s20;
	[sflag:s21] =	ssyncset.done @!p1 $0x0  }
0x3c: {  	s15 =	sadd.s32 $0x1, s15;
	[sflag:s21] =	ssyncadd.s32 @!p1 s22;
	s14 =	smov.u32 s23  }
.LBB1_1:
0x3d: {  	p1 =	sge.u32 s15, s5  }
0x3e: {  	s31 =	sadd.s32 $0xFFFFFFFF, s15;
	s19 =	sxor.u32 @!p1 $0xFFFFFFFF, s15  }
0x3f: {  	s20 =	sshll.u32 @!p1 s13, $0x8;
	s21 =	sshll.u32 @!p1 s12, $0x3;
	s23 =	sand.u32 @!p1 $0x78, s12  }
0x40: {  	s22 =	sshll.u32 @!p1 s13, $0x7;
	s20 =	sand.u32 @!p1 $0x3FF800, s20;
	s21 =	sand.u32 @!p1 $0x3FFC00, s21  }
0x41: {  	s19 =	sshll.u32 @!p1 s19, $0xE;
	s20 =	sadd.s32 @!p1 s20, s21;
	s21 =	sand.u32 @!p1 $0x300, s22  }
0x42: {  	s19 =	sand.u32 @!p1 $0x4000, s19;
	s20 =	sor.u32 @!p1 s21, s20;
	s21 =	sand.u32 @!p1 $0x80, s22  }
0x43: {  	s22 =	sshll.u32 @!p1 s14, $0x13;
	s21 =	sor.u32 @!p1 s23, s21;
	s20 =	sshrl.u32 @!p1 s20, $0x3  }
0x44: {  	s22 =	sadd.s32 @!p1 s6, s22;
	s23 =	sand.u32 @!p1 $0x7, s12;
	s21 =	sshrl.u32 @!p1 s21, $0x3  }
0x45: {  	s20 =	sand.u32 @!p1 $0x7FFE0, s20;
	s21 =	sadd.s32 @!p1 s21, s22;
	s22 =	sshll.u32 @!p1 s23, $0x12  }
0x46: {  	s20 =	sadd.s32 @!p1 s20, s21;
	s21 =	sor.u32 @!p1 $0x400, s22;
	s22 =	simm.s32 @!p1 $0x800  }
0x47: {  	[tilespmem:s19], [sflag:$0x1] =	stream.strided.gather @!p1 [hbm4b:s20+s21], $0x4000, s22, s21, $0x38;
	[tilespmem:$0x10100] =	vst v63  }
0x48: {  	p1 =	sge.u32 s31, s5  }
.Ltmp2:
0x49: {  	_ = 	snop;
	(pc) =	sbr.rel @p1 .LBB1_5-.Ltmp2, $1  }
0x4a: {  	_ =	sdelay $0x3  }
0x4b: {  	s19 =	simm.s32 $0x1  }
0x4c: {  	_ =	swait.ge [sflag:s4], $0x4000;
	s19 =	simm.s32 @!p0 $0x0  }
0x4d: {  	[sflag:s4] =	ssyncset.done $0x0;
	s20 =	sshll.u32 s19, $0xE  }
0x4e: {  	[sflag:s4] =	ssyncadd.s32 $0xFFFFC000;
	s20 =	sor.u32 $0x40, s20  }
0x4f: {  	s19 =	smul.u32 $0x10200, s19;
	v0 =	vld [tilespmem:s20+$0x30]  }
0x50: {  	v1 =	vld [tilespmem:s20+$0xFFFFFFD0]  }
0x51: {  	s19 =	sshrl.u32 s19, $0x2;
	v5 =	vld [tilespmem:s20+$0xFFFFFFE0]  }
0x52: {  	v6 =	vld [tilespmem:s20+$0xFFFFFFF0];
	s22 =	sor.u32 $0x8000, s19  }
0x53: {  	s31 =	sand.u32 $0x1, s15;
	v4 =	vld [tilespmem:s20+$0x0];
	s21 =	sadd.s32 $0x0, s22  }
0x54: {  	v3 =	vld [tilespmem:s20+$0x10];
	s19 =	smul.u32 $0x10200, s31;
	[tilespmem:s21+$0x3870 ss:$0x81] =	vst.msk $0xffff, v0  }
0x55: {  	v2 =	vld [tilespmem:s20+$0x20];
	[tilespmem:s21+$0x810 ss:$0x81] =	vst.msk $0xffff, v1  }
0x56: {  	s19 =	sshrl.u32 s19, $0x2;
	v1 =	vld [tilespmem:s20+$0xFFFFFFC0];
	[tilespmem:s21+$0x1020 ss:$0x81] =	vst.msk $0xffff, v5;
	s20 =	sadd.s32 $0x80, s20  }
0x57: {  	s23 =	simm.s32 $0x4;
	s24 =	simm.s32 $0x8;
	s19 =	sor.u32 $0x8000, s19;
	[tilespmem:s21+$0x1830 ss:$0x81] =	vst.msk $0xffff, v6;
	v0 =	vld [tilespmem:s20+$0x30]  }
.LBB1_3:
0x58: {  	p1 =	sne.s32 s24, $0x1FC;
	v5 =	vld [tilespmem:s20+$0xFFFFFFD0];
	[tilespmem:s21+$0x2040 ss:$0x81] =	vst.msk $0xffff, v4  }
0x59: {  	v6 =	vld [tilespmem:s20+$0xFFFFFFE0];
	[tilespmem:s21+$0x2850 ss:$0x81] =	vst.msk $0xffff, v3  }
0x5a: {  	s25 =	sshra.s32 s23, $0x2;
	s23 =	smov.u32 s24;
	v7 =	vld [tilespmem:s20+$0xFFFFFFF0];
	[tilespmem:s21+$0x3060 ss:$0x81] =	vst.msk $0xffff, v2  }
.Ltmp3:
0x5b: {  	v4 =	vld [tilespmem:s20+$0x0];
	[tilespmem:s21+$0x0 ss:$0x81] =	vst.msk $0xffff, v1;
	s21 =	sadd.s32 s25, s22;
	(pc) =	sbr.rel @p1 .LBB1_3-.Ltmp3, $4  }
0x5c: {  	v3 =	vld [tilespmem:s20+$0x10];
	[tilespmem:s21+$0x3870 ss:$0x81] =	vst.msk $0xffff, v0  }
0x5d: {  	[tilespmem:s21+$0x810 ss:$0x81] =	vst.msk $0xffff, v5;
	v2 =	vld [tilespmem:s20+$0x20]  }
0x5e: {  	v1 =	vld [tilespmem:s20+$0xFFFFFFC0];
	[tilespmem:s21+$0x1020 ss:$0x81] =	vst.msk $0xffff, v6;
	s20 =	sadd.s32 $0x80, s20  }
0x5f: {  	s24 =	sadd.s32 $0x4, s24;
	v0 =	vld [tilespmem:s20+$0x30];
	[tilespmem:s21+$0x1830 ss:$0x81] =	vst.msk $0xffff, v7  }
.Ltmp4:
0x60: {  	_ = 	snop;
	(pc) =	sbr.rel .LBB1_4-.Ltmp4, $1  }
0x61: {  	_ =	sdelay $0x3  }
.LBB1_6:
0x62: {  	_ =	sfence.sel $0x180000  }
0x63: {  	s2 =	simm.s32 $0x1;
	[bflag:$0x0] =	sbarrier.arrive $0xFFFF  }
0x64: {  	s31 =	simm.s32 $0x2;
	[sflag:s2] =	ssyncpa.u1 $0x1  }
0x65: {  	[sflag:s31] =	ssyncpa.u1 $0x1  }
0x66: {  	p0 =	sne.s32 s0, $0x0;
	_ =	strace $0x9000004A  }
0x67: {  	s0 =	sadd.s32 @!p0 $0x100000, s1;
	[bflag:$0x2] =	sbarrier.arrive $0xFFFF  }
0x68: {  	[sflag:s0] =	ssyncadd.tile.s32 @!p0 $0x1;
	_ =	shalt  }
.Lfunc_end1:
_tile_overlayer_lowered:
.L_overlay_start_2:
0x69: {  	(tag) =	ssettag $0x2  }
0x6a: {  	s0 =	rddreg [dreg:$0x0];
	s2 =	stileid.u32  }
0x6b: {  	s1 =	rddreg [dreg:$0x1];
	p0 =	sne.s32 s2, $0x0  }
0x6c: {  	s3 =	rddreg [dreg:$0x2];
	[bflag:$0x3] =	sbarrier.arrive $0xFFFF;
	s2 =	simm.s32 @!p0 $0x1C01  }
0x6d: {  	[timem:s3], [sflag:s2] =	dma.local @!p0 [hbm:s0], s1  }
0x6e: {  	s0 =	simm.s32 @!p0 $0x1  }
0x6f: {  	_ =	swait.ge @!p0 [sflag:s0], s1  }
0x70: {  	s1 =	ssub.s32 @!p0 $0x0, s1;
	[sflag:s0] =	ssyncset.done @!p0 $0x0  }
0x71: {  	[sflag:s0] =	ssyncadd.s32 @!p0 s1  }
0x72: {  	[bflag:$0x3] =	sbarrier.arrive $0xFFFF  }
0x73: {  	_ =	shalt  }

</sc_bundles>
